<compile_context>
chip_gen: v7x
topology: tpu7x:2x2x1
jax: 0.10.2.dev20260603
libtpu: 0.0.44.dev20260713+nightly
codegen_flags: <defaults>
</compile_context>

<pallas_src>
import functools

import jax
import jax.numpy as jnp
from jax import lax
from jax.experimental import pallas as pl
from jax.experimental.pallas import tpu as pltpu
from jax.experimental.pallas import tpu_sc as plsc

NSK = 100
E = 64
NT = 225
FL = 3
MC = 4
B, L = 8, 100
NTOK = B * L
PER = 176
ZERO = 175
NW = 32
TPW = NTOK // NW
TPAD = 32
SLOTS = 7 * MC
SK_BLK = 20
_STAGE = (NSK * PER) // 16


def _t_body(wp_ref, emb_ref, wc_ref, out_ref):
    wc = wc_ref[...]
    for ss in range(SK_BLK):
        aa = wp_ref[:, 0, ss, :]
        b1 = aa[:, :E] * emb_ref[0, pl.ds(ss, 1), :]
        temb = lax.dot_general(
            wc, b1, (((0,), (1,)), ((), ())),
            preferred_element_type=jnp.float32)
        tfull = temb + aa[:, E:].T
        top = tfull[0:25] + tfull[25:50] + tfull[50:75]
        out_ref[ss] = jnp.concatenate(
            [top, tfull[75:225], jnp.zeros((1, E), jnp.float32)], axis=0)


_t_precompute = pl.pallas_call(
    _t_body,
    grid=(NSK // SK_BLK,),
    in_specs=[
        pl.BlockSpec((E, 1, SK_BLK, E + NT), lambda i: (0, i, 0, 0)),
        pl.BlockSpec((1, SK_BLK, E), lambda i: (i, 0, 0)),
        pl.BlockSpec((E, NT), lambda i: (0, 0)),
    ],
    out_specs=pl.BlockSpec((SK_BLK, PER, E), lambda i: (i, 0, 0)),
    out_shape=jax.ShapeDtypeStruct((NSK, PER, E), jnp.float32),
)


def _sc_body(meta_hbm, t_hbm, bias_hbm, out_hbm,
             meta_v, idx_v, bias_v, out_v, shared, sem, sem2):
    sid = lax.axis_index("s")
    wid = sid * 2 + lax.axis_index("c")

    stage = pltpu.async_copy(t_hbm.at[pl.ds(sid * _STAGE, _STAGE)],
                             shared.at[pl.ds(sid * _STAGE, _STAGE)], sem2)

    pltpu.sync_copy(meta_hbm.at[wid], meta_v)
    pltpu.sync_copy(bias_hbm, bias_v)

    for chunk in range(2):
        sl = pl.ds(chunk * 16, 16)
        cs = [meta_v[f, sl] for f in range(MC)]
        rs = [meta_v[MC + f, sl] for f in range(MC)]
        ps = [meta_v[2 * MC + k, sl] for k in range(MC * FL)]
        asv = [meta_v[2 * MC + MC * FL + k, sl] for k in range(MC * FL)]
        j = 0
        for f in range(MC):
            win = None
            for g in range(f + 1, MC):
                neq = cs[f] != cs[g]
                win = neq if win is None else win & neq
            base = cs[f] * PER
            seven = [base + rs[f]]
            for q in range(FL):
                seven.append(base + 25 + 25 * q + ps[FL * f + q])
            for q in range(FL):
                seven.append(base + 100 + 25 * q + asv[FL * f + q])
            for vec in seven:
                v = vec if win is None else jnp.where(win, vec, ZERO)
                idx_v[j, pl.ds(chunk * 16, 16)] = v
                j += 1

    bias_regs = [bias_v[pl.ds(k * 16, 16)] for k in range(E // 16)]

    def initb(t, carry):
        for k in range(E // 16):
            out_v[t, pl.ds(k * 16, 16)] = bias_regs[k]
        return carry

    lax.fori_loop(0, TPAD, initb, 0)

    stage.wait()
    plsc.subcore_barrier()

    copies = [
        pltpu.async_copy(shared.at[idx_v.at[j]], out_v, sem, add=True)
        for j in range(SLOTS)
    ]
    for cp in copies:
        cp.wait()
    pltpu.sync_copy(out_v.at[pl.ds(0, TPW)], out_hbm.at[pl.ds(wid * TPW, TPW)])


@functools.cache
def _sc_gather_fn():
    return functools.partial(
        pl.kernel,
        out_type=jax.ShapeDtypeStruct((NTOK, E), jnp.float32),
        mesh=plsc.VectorSubcoreMesh(
            core_axis_name="c", subcore_axis_name="s", num_cores=2, num_subcores=16),
        scratch_types=[
            pltpu.VMEM((2 * MC + 2 * MC * FL, TPAD), jnp.int32),
            pltpu.VMEM((SLOTS, TPAD), jnp.int32),
            pltpu.VMEM((E,), jnp.float32),
            pltpu.VMEM((TPAD, E), jnp.float32),
            pltpu.VMEM_SHARED((NSK * PER, E), jnp.float32),
            pltpu.SemaphoreType.DMA,
            pltpu.SemaphoreType.DMA,
        ],
        compiler_params=pltpu.CompilerParams(use_tc_tiling_on_sc=False),
    )(_sc_body)


@jax.jit
def kernel(concepts, rgaps, pcounts, acounts, emb_table_skill, W_cemb, W_pre, b_pre):
    cw = concepts.reshape(NW, TPW, MC).astype(jnp.int32).transpose(0, 2, 1)
    rw = rgaps.reshape(NW, TPW, MC).astype(jnp.int32).transpose(0, 2, 1)
    pw = pcounts.reshape(NW, TPW, MC * FL).astype(jnp.int32).transpose(0, 2, 1)
    aw = acounts.reshape(NW, TPW, MC * FL).astype(jnp.int32).transpose(0, 2, 1)
    meta = jnp.concatenate([cw, rw, pw, aw], axis=1)
    meta = jnp.pad(meta, ((0, 0), (0, 0), (0, TPAD - TPW)))

    wp4 = W_pre.reshape(E, NSK // SK_BLK, SK_BLK, E + NT)
    emb3 = emb_table_skill.reshape(NSK // SK_BLK, SK_BLK, E)
    table = _t_precompute(wp4, emb3, W_cemb)

    out = _sc_gather_fn()(meta, table.reshape(NSK * PER, E), b_pre)
    return out.reshape(B, L, E)

# --- scband reference (transcript-rebuilt; emitter-appended) ---
"""Pipeline reference for scband-forget-integration-54090818126193 (READ-ONLY COPY).

The authoritative reference and input builder live on the scoring server;
editing this copy changes nothing except your own understanding.
"""

import jax, jax.numpy as jnp
import numpy as np

NUM_SKILL = 100
EMB_DIM = 64
FORGET_LEN = 3  # len(forget_window)+1 with forget_window=[1,7]
NRGAP = 20 + 5
NPCOUNT = 20 + 5
NACOUNT = 20 + 5
NTOTAL = FORGET_LEN * (NRGAP + NPCOUNT + NACOUNT)  # 225
B, L, MC = 8, 100, 4


def setup_inputs(seed: int = 0) -> dict:
    key = jax.random.key(seed)
    ks = jax.random.split(key, 8)
    concepts = jax.random.randint(ks[0], (B, L, MC), 0, NUM_SKILL, dtype=jnp.int64 if jax.config.jax_enable_x64 else jnp.int32)
    rgaps = jax.random.randint(ks[1], (B, L, MC), 0, NRGAP, dtype=concepts.dtype)
    pcounts = jax.random.randint(ks[2], (B, L, MC, FORGET_LEN), 0, NPCOUNT, dtype=concepts.dtype)
    acounts = jax.random.randint(ks[3], (B, L, MC, FORGET_LEN), 0, NACOUNT, dtype=concepts.dtype)
    emb_table_skill = jax.random.normal(ks[4], (NUM_SKILL, EMB_DIM), dtype=jnp.float32) * 0.02
    W_cemb = jax.random.normal(ks[5], (EMB_DIM, NTOTAL), dtype=jnp.float32) * (1.0 / np.sqrt(NTOTAL))
    W_pre = jax.random.normal(ks[6], (EMB_DIM, NUM_SKILL * (EMB_DIM + NTOTAL)), dtype=jnp.float32) * (1.0 / np.sqrt(NUM_SKILL * (EMB_DIM + NTOTAL)))
    b_pre = jax.random.normal(ks[7], (EMB_DIM,), dtype=jnp.float32) * 0.01
    return {"concepts": concepts, "rgaps": rgaps, "pcounts": pcounts, "acounts": acounts,
            "emb_table_skill": emb_table_skill, "W_cemb": W_cemb, "W_pre": W_pre, "b_pre": b_pre}


def reference(concepts, rgaps, pcounts, acounts, emb_table_skill, W_cemb, W_pre, b_pre):
    b, length, max_concept = concepts.shape
    rgap_eye = jnp.eye(NRGAP, dtype=jnp.float32)
    pcount_eye = jnp.eye(NPCOUNT, dtype=jnp.float32)
    acount_eye = jnp.eye(NACOUNT, dtype=jnp.float32)

    # conceptIntegration(concepts): scatter skill embeddings into per-skill slots
    bb, ll = jnp.meshgrid(jnp.arange(b), jnp.arange(length), indexing='ij')
    concept_true = jnp.zeros((b, length, NUM_SKILL, EMB_DIM), dtype=jnp.float32)
    for f in range(max_concept):
        c = concepts[:, :, f]
        concept_true = concept_true.at[bb, ll, c].set(emb_table_skill[c])

    # forget features: rgaps repeated over forget windows, one-hot gathers
    rgaps4 = jnp.repeat(rgaps[..., None], FORGET_LEN, axis=3)          # [B,L,MC,FL]
    emb_rgaps = rgap_eye[rgaps4].reshape(b, length, max_concept, -1)   # [B,L,MC,FL*NRGAP]
    emb_pcounts = pcount_eye[pcounts].reshape(b, length, max_concept, -1)
    emb_acounts = acount_eye[acounts].reshape(b, length, max_concept, -1)
    forget_vector1 = jnp.concatenate((emb_rgaps, emb_pcounts, emb_acounts), axis=-1)  # [B,L,MC,NTOTAL]

    # scatter (overwrite, sequential over feature index = torch loop order)
    forget_vector2 = jnp.zeros((b, length, NUM_SKILL, NTOTAL), dtype=jnp.float32)
    for f in range(max_concept):
        c = concepts[:, :, f]
        forget_vector2 = forget_vector2.at[bb, ll, c].set(forget_vector1[:, :, f])

    Cct = forget_vector2 @ W_cemb.T                                    # [B,L,NS,EMB]
    theta = concept_true * Cct
    theta = jnp.concatenate((theta, forget_vector2), axis=-1)          # [B,L,NS,EMB+NTOTAL]
    theta = theta.reshape(b, length, -1)
    theta = theta @ W_pre.T + b_pre                                    # [B,L,EMB]
    return theta

if __name__ == "__main__":
    import jax
    _d = setup_inputs()
    print(jax.jit(kernel)(*tuple(_d.values())))

</pallas_src>

<mosaic_0001>
#map = affine_map<(d0, d1) -> (0, 0, 0)>
#map1 = affine_map<(d0, d1) -> (0, 0)>
#map2 = affine_map<(d0, d1) -> (0)>
module attributes {stable_mosaic.version = 14 : i64} {
  func.func @_sc_body(%arg0: i32, %arg1: i32, %arg2: memref<32x32x32xi32, #tpu.memory_space<hbm>>, %arg3: memref<17600x64xf32, #tpu.memory_space<hbm>>, %arg4: memref<64xf32, #tpu.memory_space<hbm>>, %arg5: memref<800x64xf32, #tpu.memory_space<hbm>>, %arg6: memref<32x32xi32, #tpu.memory_space<vmem>>, %arg7: memref<28x32xi32, #tpu.memory_space<vmem>>, %arg8: memref<64xf32, #tpu.memory_space<vmem>>, %arg9: memref<32x64xf32, #tpu.memory_space<vmem>>, %arg10: memref<17600x64xf32, #tpu.memory_space<vmem_shared>>, %arg11: memref<!tpu.dma_semaphore, #tpu.memory_space<semaphore_mem>>, %arg12: memref<!tpu.dma_semaphore, #tpu.memory_space<semaphore_mem>>) attributes {dimension_semantics = [#tpu.dimension_semantics<core_parallel>, #tpu.dimension_semantics<subcore_parallel>], iteration_bounds = array<i64: 2, 16>, scalar_prefetch = 0 : i64, scratch_operands = 7 : i64, tpu.core_type = #tpu.core_type<sc_vector_subcore>, window_params = [{transform_indices = #map}, {transform_indices = #map1}, {transform_indices = #map2}, {transform_indices = #map1}]} {
    %mul3A = arith.constant 2 : i32
    %mul3A_0 = arith.muli %arg1, %mul3A : i32
    %add3A = arith.addi %mul3A_0, %arg0 : i32
    %mul3A_1 = arith.constant 1100 : i32
    %mul3A_2 = arith.muli %arg1, %mul3A_1 : i32
    %mul3A_3 = arith.constant 1100 : i32
    %mul3A_4 = arith.muli %arg1, %mul3A_3 : i32
    %dma_start3A = arith.constant 0 : i32
    %dma_start3A_5 = tpu.memref_slice %arg10[%mul3A_4, %dma_start3A] : memref<17600x64xf32, #tpu.memory_space<vmem_shared>> -> memref<1100x64xf32, #tpu.memory_space<vmem_shared>>
    %dma_start3A_6 = arith.constant 0 : i32
    %dma_start3A_7 = tpu.memref_slice %arg3[%mul3A_2, %dma_start3A_6] : memref<17600x64xf32, #tpu.memory_space<hbm>> -> memref<1100x64xf32, #tpu.memory_space<hbm>>
    tpu.enqueue_dma source(%dma_start3A_7 : memref<1100x64xf32, #tpu.memory_space<hbm>>) target(%dma_start3A_5 : memref<1100x64xf32, #tpu.memory_space<vmem_shared>>) target_semaphore(%arg12 : memref<!tpu.dma_semaphore, #tpu.memory_space<semaphore_mem>>)
    "tpu.region"() ({
      %run_scoped3A = tpu.sem_alloc : memref<!tpu.dma_semaphore, #tpu.memory_space<semaphore_mem>>
      %dma_start3A_1583 = arith.constant 0 : i32
      %dma_start3A_1584 = arith.constant 0 : i32
      %dma_start3A_1585 = tpu.memref_slice %arg2[%add3A, %dma_start3A_1583, %dma_start3A_1584] : memref<32x32x32xi32, #tpu.memory_space<hbm>> -> memref<1x32x32xi32, #tpu.memory_space<hbm>>
      %dma_start3A_1586 = tpu.memref_squeeze %dma_start3A_1585 : memref<1x32x32xi32, #tpu.memory_space<hbm>> -> memref<32x32xi32, #tpu.memory_space<hbm>>
      %dma_start3A_1587 = arith.constant 0 : i32
      %dma_start3A_1588 = arith.constant 0 : i32
      %dma_start3A_1589 = tpu.memref_slice %arg2[%add3A, %dma_start3A_1587, %dma_start3A_1588] : memref<32x32x32xi32, #tpu.memory_space<hbm>> -> memref<1x32x32xi32, #tpu.memory_space<hbm>>
      %dma_start3A_1590 = tpu.memref_squeeze %dma_start3A_1589 : memref<1x32x32xi32, #tpu.memory_space<hbm>> -> memref<32x32xi32, #tpu.memory_space<hbm>>
      tpu.enqueue_dma source(%dma_start3A_1590 : memref<32x32xi32, #tpu.memory_space<hbm>>) target(%arg6 : memref<32x32xi32, #tpu.memory_space<vmem>>) target_semaphore(%run_scoped3A : memref<!tpu.dma_semaphore, #tpu.memory_space<semaphore_mem>>)
      %dma_wait3A_1591 = arith.constant 0 : i32
      %dma_wait3A_1592 = arith.constant 0 : i32
      %dma_wait3A_1593 = tpu.memref_slice %arg2[%add3A, %dma_wait3A_1591, %dma_wait3A_1592] : memref<32x32x32xi32, #tpu.memory_space<hbm>> -> memref<1x32x32xi32, #tpu.memory_space<hbm>>
      %dma_wait3A_1594 = tpu.memref_squeeze %dma_wait3A_1593 : memref<1x32x32xi32, #tpu.memory_space<hbm>> -> memref<32x32xi32, #tpu.memory_space<hbm>>
      %dma_wait3A_1595 = arith.constant 0 : i32
      %dma_wait3A_1596 = arith.constant 0 : i32
      %dma_wait3A_1597 = tpu.memref_slice %arg2[%add3A, %dma_wait3A_1595, %dma_wait3A_1596] : memref<32x32x32xi32, #tpu.memory_space<hbm>> -> memref<1x32x32xi32, #tpu.memory_space<hbm>>
      %dma_wait3A_1598 = tpu.memref_squeeze %dma_wait3A_1597 : memref<1x32x32xi32, #tpu.memory_space<hbm>> -> memref<32x32xi32, #tpu.memory_space<hbm>>
      tpu.wait_dma2 semaphore(%run_scoped3A : memref<!tpu.dma_semaphore, #tpu.memory_space<semaphore_mem>>) src(%dma_wait3A_1598 : memref<32x32xi32, #tpu.memory_space<hbm>>) dst(%arg6 : memref<32x32xi32, #tpu.memory_space<vmem>>)
      tpu.yield
    }) : () -> ()
    "tpu.region"() ({
      %run_scoped3A = tpu.sem_alloc : memref<!tpu.dma_semaphore, #tpu.memory_space<semaphore_mem>>
      tpu.enqueue_dma source(%arg4 : memref<64xf32, #tpu.memory_space<hbm>>) target(%arg8 : memref<64xf32, #tpu.memory_space<vmem>>) target_semaphore(%run_scoped3A : memref<!tpu.dma_semaphore, #tpu.memory_space<semaphore_mem>>)
      tpu.wait_dma2 semaphore(%run_scoped3A : memref<!tpu.dma_semaphore, #tpu.memory_space<semaphore_mem>>) src(%arg4 : memref<64xf32, #tpu.memory_space<hbm>>) dst(%arg8 : memref<64xf32, #tpu.memory_space<vmem>>)
      tpu.yield
    }) : () -> ()
    %get3A = arith.constant 0 : i32
    %get3A_8 = arith.index_cast %get3A : i32 to index
    %get3A_9 = arith.constant 0 : index
    %get3A_10 = tpu.vector_load %arg6[%get3A_8, %get3A_9] {strides = array<i32>} : memref<32x32xi32, #tpu.memory_space<vmem>>, vector<1x16xi32>,
    %get3A_11 = vector.shape_cast %get3A_10 : vector<1x16xi32> to vector<16xi32>
    %get3A_12 = arith.constant 1 : i32
    %get3A_13 = arith.index_cast %get3A_12 : i32 to index
    %get3A_14 = arith.constant 0 : index
    %get3A_15 = tpu.vector_load %arg6[%get3A_13, %get3A_14] {strides = array<i32>} : memref<32x32xi32, #tpu.memory_space<vmem>>, vector<1x16xi32>,
    %get3A_16 = vector.shape_cast %get3A_15 : vector<1x16xi32> to vector<16xi32>
    %get3A_17 = arith.constant 2 : i32
    %get3A_18 = arith.index_cast %get3A_17 : i32 to index
    %get3A_19 = arith.constant 0 : index
    %get3A_20 = tpu.vector_load %arg6[%get3A_18, %get3A_19] {strides = array<i32>} : memref<32x32xi32, #tpu.memory_space<vmem>>, vector<1x16xi32>,
    %get3A_21 = vector.shape_cast %get3A_20 : vector<1x16xi32> to vector<16xi32>
    %get3A_22 = arith.constant 3 : i32
    %get3A_23 = arith.index_cast %get3A_22 : i32 to index
    %get3A_24 = arith.constant 0 : index
    %get3A_25 = tpu.vector_load %arg6[%get3A_23, %get3A_24] {strides = array<i32>} : memref<32x32xi32, #tpu.memory_space<vmem>>, vector<1x16xi32>,
    %get3A_26 = vector.shape_cast %get3A_25 : vector<1x16xi32> to vector<16xi32>
    %get3A_27 = arith.constant 4 : i32
    %get3A_28 = arith.index_cast %get3A_27 : i32 to index
    %get3A_29 = arith.constant 0 : index
    %get3A_30 = tpu.vector_load %arg6[%get3A_28, %get3A_29] {strides = array<i32>} : memref<32x32xi32, #tpu.memory_space<vmem>>, vector<1x16xi32>,
    %get3A_31 = vector.shape_cast %get3A_30 : vector<1x16xi32> to vector<16xi32>
    %get3A_32 = arith.constant 5 : i32
    %get3A_33 = arith.index_cast %get3A_32 : i32 to index
    %get3A_34 = arith.constant 0 : index
    %get3A_35 = tpu.vector_load %arg6[%get3A_33, %get3A_34] {strides = array<i32>} : memref<32x32xi32, #tpu.memory_space<vmem>>, vector<1x16xi32>,
    %get3A_36 = vector.shape_cast %get3A_35 : vector<1x16xi32> to vector<16xi32>
    %get3A_37 = arith.constant 6 : i32
    %get3A_38 = arith.index_cast %get3A_37 : i32 to index
    %get3A_39 = arith.constant 0 : index
    %get3A_40 = tpu.vector_load %arg6[%get3A_38, %get3A_39] {strides = array<i32>} : memref<32x32xi32, #tpu.memory_space<vmem>>, vector<1x16xi32>,
    %get3A_41 = vector.shape_cast %get3A_40 : vector<1x16xi32> to vector<16xi32>
    %get3A_42 = arith.constant 7 : i32
    %get3A_43 = arith.index_cast %get3A_42 : i32 to index
    %get3A_44 = arith.constant 0 : index
    %get3A_45 = tpu.vector_load %arg6[%get3A_43, %get3A_44] {strides = array<i32>} : memref<32x32xi32, #tpu.memory_space<vmem>>, vector<1x16xi32>,
    %get3A_46 = vector.shape_cast %get3A_45 : vector<1x16xi32> to vector<16xi32>
    %get3A_47 = arith.constant 8 : i32
    %get3A_48 = arith.index_cast %get3A_47 : i32 to index
    %get3A_49 = arith.constant 0 : index
    %get3A_50 = tpu.vector_load %arg6[%get3A_48, %get3A_49] {strides = array<i32>} : memref<32x32xi32, #tpu.memory_space<vmem>>, vector<1x16xi32>,
    %get3A_51 = vector.shape_cast %get3A_50 : vector<1x16xi32> to vector<16xi32>
    %get3A_52 = arith.constant 9 : i32
    %get3A_53 = arith.index_cast %get3A_52 : i32 to index
    %get3A_54 = arith.constant 0 : index
    %get3A_55 = tpu.vector_load %arg6[%get3A_53, %get3A_54] {strides = array<i32>} : memref<32x32xi32, #tpu.memory_space<vmem>>, vector<1x16xi32>,
    %get3A_56 = vector.shape_cast %get3A_55 : vector<1x16xi32> to vector<16xi32>
    %get3A_57 = arith.constant 10 : i32
    %get3A_58 = arith.index_cast %get3A_57 : i32 to index
    %get3A_59 = arith.constant 0 : index
    %get3A_60 = tpu.vector_load %arg6[%get3A_58, %get3A_59] {strides = array<i32>} : memref<32x32xi32, #tpu.memory_space<vmem>>, vector<1x16xi32>,
    %get3A_61 = vector.shape_cast %get3A_60 : vector<1x16xi32> to vector<16xi32>
    %get3A_62 = arith.constant 11 : i32
    %get3A_63 = arith.index_cast %get3A_62 : i32 to index
    %get3A_64 = arith.constant 0 : index
    %get3A_65 = tpu.vector_load %arg6[%get3A_63, %get3A_64] {strides = array<i32>} : memref<32x32xi32, #tpu.memory_space<vmem>>, vector<1x16xi32>,
    %get3A_66 = vector.shape_cast %get3A_65 : vector<1x16xi32> to vector<16xi32>
    %get3A_67 = arith.constant 12 : i32
    %get3A_68 = arith.index_cast %get3A_67 : i32 to index
    %get3A_69 = arith.constant 0 : index
    %get3A_70 = tpu.vector_load %arg6[%get3A_68, %get3A_69] {strides = array<i32>} : memref<32x32xi32, #tpu.memory_space<vmem>>, vector<1x16xi32>,
    %get3A_71 = vector.shape_cast %get3A_70 : vector<1x16xi32> to vector<16xi32>
    %get3A_72 = arith.constant 13 : i32
    %get3A_73 = arith.index_cast %get3A_72 : i32 to index
    %get3A_74 = arith.constant 0 : index
    %get3A_75 = tpu.vector_load %arg6[%get3A_73, %get3A_74] {strides = array<i32>} : memref<32x32xi32, #tpu.memory_space<vmem>>, vector<1x16xi32>,
    %get3A_76 = vector.shape_cast %get3A_75 : vector<1x16xi32> to vector<16xi32>
    %get3A_77 = arith.constant 14 : i32
    %get3A_78 = arith.index_cast %get3A_77 : i32 to index
    %get3A_79 = arith.constant 0 : index
    %get3A_80 = tpu.vector_load %arg6[%get3A_78, %get3A_79] {strides = array<i32>} : memref<32x32xi32, #tpu.memory_space<vmem>>, vector<1x16xi32>,
    %get3A_81 = vector.shape_cast %get3A_80 : vector<1x16xi32> to vector<16xi32>
    %get3A_82 = arith.constant 15 : i32
    %get3A_83 = arith.index_cast %get3A_82 : i32 to index
    %get3A_84 = arith.constant 0 : index
    %get3A_85 = tpu.vector_load %arg6[%get3A_83, %get3A_84] {strides = array<i32>} : memref<32x32xi32, #tpu.memory_space<vmem>>, vector<1x16xi32>,
    %get3A_86 = vector.shape_cast %get3A_85 : vector<1x16xi32> to vector<16xi32>
    %get3A_87 = arith.constant 16 : i32
    %get3A_88 = arith.index_cast %get3A_87 : i32 to index
    %get3A_89 = arith.constant 0 : index
    %get3A_90 = tpu.vector_load %arg6[%get3A_88, %get3A_89] {strides = array<i32>} : memref<32x32xi32, #tpu.memory_space<vmem>>, vector<1x16xi32>,
    %get3A_91 = vector.shape_cast %get3A_90 : vector<1x16xi32> to vector<16xi32>
    %get3A_92 = arith.constant 17 : i32
    %get3A_93 = arith.index_cast %get3A_92 : i32 to index
    %get3A_94 = arith.constant 0 : index
    %get3A_95 = tpu.vector_load %arg6[%get3A_93, %get3A_94] {strides = array<i32>} : memref<32x32xi32, #tpu.memory_space<vmem>>, vector<1x16xi32>,
    %get3A_96 = vector.shape_cast %get3A_95 : vector<1x16xi32> to vector<16xi32>
    %get3A_97 = arith.constant 18 : i32
    %get3A_98 = arith.index_cast %get3A_97 : i32 to index
    %get3A_99 = arith.constant 0 : index
    %get3A_100 = tpu.vector_load %arg6[%get3A_98, %get3A_99] {strides = array<i32>} : memref<32x32xi32, #tpu.memory_space<vmem>>, vector<1x16xi32>,
    %get3A_101 = vector.shape_cast %get3A_100 : vector<1x16xi32> to vector<16xi32>
    %get3A_102 = arith.constant 19 : i32
    %get3A_103 = arith.index_cast %get3A_102 : i32 to index
    %get3A_104 = arith.constant 0 : index
    %get3A_105 = tpu.vector_load %arg6[%get3A_103, %get3A_104] {strides = array<i32>} : memref<32x32xi32, #tpu.memory_space<vmem>>, vector<1x16xi32>,
    %get3A_106 = vector.shape_cast %get3A_105 : vector<1x16xi32> to vector<16xi32>
    %get3A_107 = arith.constant 20 : i32
    %get3A_108 = arith.index_cast %get3A_107 : i32 to index
    %get3A_109 = arith.constant 0 : index
    %get3A_110 = tpu.vector_load %arg6[%get3A_108, %get3A_109] {strides = array<i32>} : memref<32x32xi32, #tpu.memory_space<vmem>>, vector<1x16xi32>,
    %get3A_111 = vector.shape_cast %get3A_110 : vector<1x16xi32> to vector<16xi32>
    %get3A_112 = arith.constant 21 : i32
    %get3A_113 = arith.index_cast %get3A_112 : i32 to index
    %get3A_114 = arith.constant 0 : index
    %get3A_115 = tpu.vector_load %arg6[%get3A_113, %get3A_114] {strides = array<i32>} : memref<32x32xi32, #tpu.memory_space<vmem>>, vector<1x16xi32>,
    %get3A_116 = vector.shape_cast %get3A_115 : vector<1x16xi32> to vector<16xi32>
    %get3A_117 = arith.constant 22 : i32
    %get3A_118 = arith.index_cast %get3A_117 : i32 to index
    %get3A_119 = arith.constant 0 : index
    %get3A_120 = tpu.vector_load %arg6[%get3A_118, %get3A_119] {strides = array<i32>} : memref<32x32xi32, #tpu.memory_space<vmem>>, vector<1x16xi32>,
    %get3A_121 = vector.shape_cast %get3A_120 : vector<1x16xi32> to vector<16xi32>
    %get3A_122 = arith.constant 23 : i32
    %get3A_123 = arith.index_cast %get3A_122 : i32 to index
    %get3A_124 = arith.constant 0 : index
    %get3A_125 = tpu.vector_load %arg6[%get3A_123, %get3A_124] {strides = array<i32>} : memref<32x32xi32, #tpu.memory_space<vmem>>, vector<1x16xi32>,
    %get3A_126 = vector.shape_cast %get3A_125 : vector<1x16xi32> to vector<16xi32>
    %get3A_127 = arith.constant 24 : i32
    %get3A_128 = arith.index_cast %get3A_127 : i32 to index
    %get3A_129 = arith.constant 0 : index
    %get3A_130 = tpu.vector_load %arg6[%get3A_128, %get3A_129] {strides = array<i32>} : memref<32x32xi32, #tpu.memory_space<vmem>>, vector<1x16xi32>,
    %get3A_131 = vector.shape_cast %get3A_130 : vector<1x16xi32> to vector<16xi32>
    %get3A_132 = arith.constant 25 : i32
    %get3A_133 = arith.index_cast %get3A_132 : i32 to index
    %get3A_134 = arith.constant 0 : index
    %get3A_135 = tpu.vector_load %arg6[%get3A_133, %get3A_134] {strides = array<i32>} : memref<32x32xi32, #tpu.memory_space<vmem>>, vector<1x16xi32>,
    %get3A_136 = vector.shape_cast %get3A_135 : vector<1x16xi32> to vector<16xi32>
    %get3A_137 = arith.constant 26 : i32
    %get3A_138 = arith.index_cast %get3A_137 : i32 to index
    %get3A_139 = arith.constant 0 : index
    %get3A_140 = tpu.vector_load %arg6[%get3A_138, %get3A_139] {strides = array<i32>} : memref<32x32xi32, #tpu.memory_space<vmem>>, vector<1x16xi32>,
    %get3A_141 = vector.shape_cast %get3A_140 : vector<1x16xi32> to vector<16xi32>
    %get3A_142 = arith.constant 27 : i32
    %get3A_143 = arith.index_cast %get3A_142 : i32 to index
    %get3A_144 = arith.constant 0 : index
    %get3A_145 = tpu.vector_load %arg6[%get3A_143, %get3A_144] {strides = array<i32>} : memref<32x32xi32, #tpu.memory_space<vmem>>, vector<1x16xi32>,
    %get3A_146 = vector.shape_cast %get3A_145 : vector<1x16xi32> to vector<16xi32>
    %get3A_147 = arith.constant 28 : i32
    %get3A_148 = arith.index_cast %get3A_147 : i32 to index
    %get3A_149 = arith.constant 0 : index
    %get3A_150 = tpu.vector_load %arg6[%get3A_148, %get3A_149] {strides = array<i32>} : memref<32x32xi32, #tpu.memory_space<vmem>>, vector<1x16xi32>,
    %get3A_151 = vector.shape_cast %get3A_150 : vector<1x16xi32> to vector<16xi32>
    %get3A_152 = arith.constant 29 : i32
    %get3A_153 = arith.index_cast %get3A_152 : i32 to index
    %get3A_154 = arith.constant 0 : index
    %get3A_155 = tpu.vector_load %arg6[%get3A_153, %get3A_154] {strides = array<i32>} : memref<32x32xi32, #tpu.memory_space<vmem>>, vector<1x16xi32>,
    %get3A_156 = vector.shape_cast %get3A_155 : vector<1x16xi32> to vector<16xi32>
    %get3A_157 = arith.constant 30 : i32
    %get3A_158 = arith.index_cast %get3A_157 : i32 to index
    %get3A_159 = arith.constant 0 : index
    %get3A_160 = tpu.vector_load %arg6[%get3A_158, %get3A_159] {strides = array<i32>} : memref<32x32xi32, #tpu.memory_space<vmem>>, vector<1x16xi32>,
    %get3A_161 = vector.shape_cast %get3A_160 : vector<1x16xi32> to vector<16xi32>
    %get3A_162 = arith.constant 31 : i32
    %get3A_163 = arith.index_cast %get3A_162 : i32 to index
    %get3A_164 = arith.constant 0 : index
    %get3A_165 = tpu.vector_load %arg6[%get3A_163, %get3A_164] {strides = array<i32>} : memref<32x32xi32, #tpu.memory_space<vmem>>, vector<1x16xi32>,
    %get3A_166 = vector.shape_cast %get3A_165 : vector<1x16xi32> to vector<16xi32>
    %ne3A = arith.cmpi ne, %get3A_11, %get3A_16 : vector<16xi32>
    %ne3A_167 = arith.cmpi ne, %get3A_11, %get3A_21 : vector<16xi32>
    %and3A = arith.andi %ne3A, %ne3A_167 : vector<16xi1>
    %ne3A_168 = arith.cmpi ne, %get3A_11, %get3A_26 : vector<16xi32>
    %and3A_169 = arith.andi %and3A, %ne3A_168 : vector<16xi1>
    %mul3A_170 = arith.constant 176 : i32
    %mul3A_171 = vector.broadcast %mul3A_170 : i32 to vector<16xi32>
    %mul3A_172 = arith.muli %get3A_11, %mul3A_171 : vector<16xi32>
    %add3A_173 = arith.addi %mul3A_172, %get3A_31 : vector<16xi32>
    %add3A_174 = arith.constant 25 : i32
    %add3A_175 = vector.broadcast %add3A_174 : i32 to vector<16xi32>
    %add3A_176 = arith.addi %mul3A_172, %add3A_175 : vector<16xi32>
    %add3A_177 = arith.constant 0 : i32
    %add3A_178 = vector.broadcast %add3A_177 : i32 to vector<16xi32>
    %add3A_179 = arith.addi %add3A_176, %add3A_178 : vector<16xi32>
    %add3A_180 = arith.addi %add3A_179, %get3A_51 : vector<16xi32>
    %add3A_181 = arith.constant 25 : i32
    %add3A_182 = vector.broadcast %add3A_181 : i32 to vector<16xi32>
    %add3A_183 = arith.addi %mul3A_172, %add3A_182 : vector<16xi32>
    %add3A_184 = arith.constant 25 : i32
    %add3A_185 = vector.broadcast %add3A_184 : i32 to vector<16xi32>
    %add3A_186 = arith.addi %add3A_183, %add3A_185 : vector<16xi32>
    %add3A_187 = arith.addi %add3A_186, %get3A_56 : vector<16xi32>
    %add3A_188 = arith.constant 25 : i32
    %add3A_189 = vector.broadcast %add3A_188 : i32 to vector<16xi32>
    %add3A_190 = arith.addi %mul3A_172, %add3A_189 : vector<16xi32>
    %add3A_191 = arith.constant 50 : i32
    %add3A_192 = vector.broadcast %add3A_191 : i32 to vector<16xi32>
    %add3A_193 = arith.addi %add3A_190, %add3A_192 : vector<16xi32>
    %add3A_194 = arith.addi %add3A_193, %get3A_61 : vector<16xi32>
    %add3A_195 = arith.constant 100 : i32
    %add3A_196 = vector.broadcast %add3A_195 : i32 to vector<16xi32>
    %add3A_197 = arith.addi %mul3A_172, %add3A_196 : vector<16xi32>
    %add3A_198 = arith.constant 0 : i32
    %add3A_199 = vector.broadcast %add3A_198 : i32 to vector<16xi32>
    %add3A_200 = arith.addi %add3A_197, %add3A_199 : vector<16xi32>
    %add3A_201 = arith.addi %add3A_200, %get3A_111 : vector<16xi32>
    %add3A_202 = arith.constant 100 : i32
    %add3A_203 = vector.broadcast %add3A_202 : i32 to vector<16xi32>
    %add3A_204 = arith.addi %mul3A_172, %add3A_203 : vector<16xi32>
    %add3A_205 = arith.constant 25 : i32
    %add3A_206 = vector.broadcast %add3A_205 : i32 to vector<16xi32>
    %add3A_207 = arith.addi %add3A_204, %add3A_206 : vector<16xi32>
    %add3A_208 = arith.addi %add3A_207, %get3A_116 : vector<16xi32>
    %add3A_209 = arith.constant 100 : i32
    %add3A_210 = vector.broadcast %add3A_209 : i32 to vector<16xi32>
    %add3A_211 = arith.addi %mul3A_172, %add3A_210 : vector<16xi32>
    %add3A_212 = arith.constant 50 : i32
    %add3A_213 = vector.broadcast %add3A_212 : i32 to vector<16xi32>
    %add3A_214 = arith.addi %add3A_211, %add3A_213 : vector<16xi32>
    %add3A_215 = arith.addi %add3A_214, %get3A_121 : vector<16xi32>
    %jit3A = arith.constant 175 : i32
    %broadcast_in_dim3A = vector.broadcast %jit3A : i32 to vector<16xi32>
    %select_n3A = arith.select %and3A_169, %add3A_173, %broadcast_in_dim3A : vector<16xi1>, vector<16xi32>
    %swap3A = arith.constant 0 : i32
    %swap3A_216 = arith.index_cast %swap3A : i32 to index
    %swap3A_217 = arith.constant 0 : index
    %swap3A_218 = tpu.vector_load %arg7[%swap3A_216, %swap3A_217] {strides = array<i32>} : memref<28x32xi32, #tpu.memory_space<vmem>>, vector<1x16xi32>,
    %swap3A_219 = vector.shape_cast %swap3A_218 : vector<1x16xi32> to vector<16xi32>
    %swap3A_220 = vector.shape_cast %select_n3A : vector<16xi32> to vector<1x16xi32>
    tpu.vector_store %arg7[%swap3A_216, %swap3A_217], %swap3A_220 {strides = array<i32>} : memref<28x32xi32, #tpu.memory_space<vmem>>, vector<1x16xi32>,
    %jit3A_221 = arith.constant 175 : i32
    %broadcast_in_dim3A_222 = vector.broadcast %jit3A_221 : i32 to vector<16xi32>
    %select_n3A_223 = arith.select %and3A_169, %add3A_180, %broadcast_in_dim3A_222 : vector<16xi1>, vector<16xi32>
    %swap3A_224 = arith.constant 1 : i32
    %swap3A_225 = arith.index_cast %swap3A_224 : i32 to index
    %swap3A_226 = arith.constant 0 : index
    %swap3A_227 = tpu.vector_load %arg7[%swap3A_225, %swap3A_226] {strides = array<i32>} : memref<28x32xi32, #tpu.memory_space<vmem>>, vector<1x16xi32>,
    %swap3A_228 = vector.shape_cast %swap3A_227 : vector<1x16xi32> to vector<16xi32>
    %swap3A_229 = vector.shape_cast %select_n3A_223 : vector<16xi32> to vector<1x16xi32>
    tpu.vector_store %arg7[%swap3A_225, %swap3A_226], %swap3A_229 {strides = array<i32>} : memref<28x32xi32, #tpu.memory_space<vmem>>, vector<1x16xi32>,
    %jit3A_230 = arith.constant 175 : i32
    %broadcast_in_dim3A_231 = vector.broadcast %jit3A_230 : i32 to vector<16xi32>
    %select_n3A_232 = arith.select %and3A_169, %add3A_187, %broadcast_in_dim3A_231 : vector<16xi1>, vector<16xi32>
    %swap3A_233 = arith.constant 2 : i32
    %swap3A_234 = arith.index_cast %swap3A_233 : i32 to index
    %swap3A_235 = arith.constant 0 : index
    %swap3A_236 = tpu.vector_load %arg7[%swap3A_234, %swap3A_235] {strides = array<i32>} : memref<28x32xi32, #tpu.memory_space<vmem>>, vector<1x16xi32>,
    %swap3A_237 = vector.shape_cast %swap3A_236 : vector<1x16xi32> to vector<16xi32>
    %swap3A_238 = vector.shape_cast %select_n3A_232 : vector<16xi32> to vector<1x16xi32>
    tpu.vector_store %arg7[%swap3A_234, %swap3A_235], %swap3A_238 {strides = array<i32>} : memref<28x32xi32, #tpu.memory_space<vmem>>, vector<1x16xi32>,
    %jit3A_239 = arith.constant 175 : i32
    %broadcast_in_dim3A_240 = vector.broadcast %jit3A_239 : i32 to vector<16xi32>
    %select_n3A_241 = arith.select %and3A_169, %add3A_194, %broadcast_in_dim3A_240 : vector<16xi1>, vector<16xi32>
    %swap3A_242 = arith.constant 3 : i32
    %swap3A_243 = arith.index_cast %swap3A_242 : i32 to index
    %swap3A_244 = arith.constant 0 : index
    %swap3A_245 = tpu.vector_load %arg7[%swap3A_243, %swap3A_244] {strides = array<i32>} : memref<28x32xi32, #tpu.memory_space<vmem>>, vector<1x16xi32>,
    %swap3A_246 = vector.shape_cast %swap3A_245 : vector<1x16xi32> to vector<16xi32>
    %swap3A_247 = vector.shape_cast %select_n3A_241 : vector<16xi32> to vector<1x16xi32>
    tpu.vector_store %arg7[%swap3A_243, %swap3A_244], %swap3A_247 {strides = array<i32>} : memref<28x32xi32, #tpu.memory_space<vmem>>, vector<1x16xi32>,
    %jit3A_248 = arith.constant 175 : i32
    %broadcast_in_dim3A_249 = vector.broadcast %jit3A_248 : i32 to vector<16xi32>
    %select_n3A_250 = arith.select %and3A_169, %add3A_201, %broadcast_in_dim3A_249 : vector<16xi1>, vector<16xi32>
    %swap3A_251 = arith.constant 4 : i32
    %swap3A_252 = arith.index_cast %swap3A_251 : i32 to index
    %swap3A_253 = arith.constant 0 : index
    %swap3A_254 = tpu.vector_load %arg7[%swap3A_252, %swap3A_253] {strides = array<i32>} : memref<28x32xi32, #tpu.memory_space<vmem>>, vector<1x16xi32>,
    %swap3A_255 = vector.shape_cast %swap3A_254 : vector<1x16xi32> to vector<16xi32>
    %swap3A_256 = vector.shape_cast %select_n3A_250 : vector<16xi32> to vector<1x16xi32>
    tpu.vector_store %arg7[%swap3A_252, %swap3A_253], %swap3A_256 {strides = array<i32>} : memref<28x32xi32, #tpu.memory_space<vmem>>, vector<1x16xi32>,
    %jit3A_257 = arith.constant 175 : i32
    %broadcast_in_dim3A_258 = vector.broadcast %jit3A_257 : i32 to vector<16xi32>
    %select_n3A_259 = arith.select %and3A_169, %add3A_208, %broadcast_in_dim3A_258 : vector<16xi1>, vector<16xi32>
    %swap3A_260 = arith.constant 5 : i32
    %swap3A_261 = arith.index_cast %swap3A_260 : i32 to index
    %swap3A_262 = arith.constant 0 : index
    %swap3A_263 = tpu.vector_load %arg7[%swap3A_261, %swap3A_262] {strides = array<i32>} : memref<28x32xi32, #tpu.memory_space<vmem>>, vector<1x16xi32>,
    %swap3A_264 = vector.shape_cast %swap3A_263 : vector<1x16xi32> to vector<16xi32>
    %swap3A_265 = vector.shape_cast %select_n3A_259 : vector<16xi32> to vector<1x16xi32>
    tpu.vector_store %arg7[%swap3A_261, %swap3A_262], %swap3A_265 {strides = array<i32>} : memref<28x32xi32, #tpu.memory_space<vmem>>, vector<1x16xi32>,
    %jit3A_266 = arith.constant 175 : i32
    %broadcast_in_dim3A_267 = vector.broadcast %jit3A_266 : i32 to vector<16xi32>
    %select_n3A_268 = arith.select %and3A_169, %add3A_215, %broadcast_in_dim3A_267 : vector<16xi1>, vector<16xi32>
    %swap3A_269 = arith.constant 6 : i32
    %swap3A_270 = arith.index_cast %swap3A_269 : i32 to index
    %swap3A_271 = arith.constant 0 : index
    %swap3A_272 = tpu.vector_load %arg7[%swap3A_270, %swap3A_271] {strides = array<i32>} : memref<28x32xi32, #tpu.memory_space<vmem>>, vector<1x16xi32>,
    %swap3A_273 = vector.shape_cast %swap3A_272 : vector<1x16xi32> to vector<16xi32>
    %swap3A_274 = vector.shape_cast %select_n3A_268 : vector<16xi32> to vector<1x16xi32>
    tpu.vector_store %arg7[%swap3A_270, %swap3A_271], %swap3A_274 {strides = array<i32>} : memref<28x32xi32, #tpu.memory_space<vmem>>, vector<1x16xi32>,
    %ne3A_275 = arith.cmpi ne, %get3A_16, %get3A_21 : vector<16xi32>
    %ne3A_276 = arith.cmpi ne, %get3A_16, %get3A_26 : vector<16xi32>
    %and3A_277 = arith.andi %ne3A_275, %ne3A_276 : vector<16xi1>
    %mul3A_278 = arith.constant 176 : i32
    %mul3A_279 = vector.broadcast %mul3A_278 : i32 to vector<16xi32>
    %mul3A_280 = arith.muli %get3A_16, %mul3A_279 : vector<16xi32>
    %add3A_281 = arith.addi %mul3A_280, %get3A_36 : vector<16xi32>
    %add3A_282 = arith.constant 25 : i32
    %add3A_283 = vector.broadcast %add3A_282 : i32 to vector<16xi32>
    %add3A_284 = arith.addi %mul3A_280, %add3A_283 : vector<16xi32>
    %add3A_285 = arith.constant 0 : i32
    %add3A_286 = vector.broadcast %add3A_285 : i32 to vector<16xi32>
    %add3A_287 = arith.addi %add3A_284, %add3A_286 : vector<16xi32>
    %add3A_288 = arith.addi %add3A_287, %get3A_66 : vector<16xi32>
    %add3A_289 = arith.constant 25 : i32
    %add3A_290 = vector.broadcast %add3A_289 : i32 to vector<16xi32>
    %add3A_291 = arith.addi %mul3A_280, %add3A_290 : vector<16xi32>
    %add3A_292 = arith.constant 25 : i32
    %add3A_293 = vector.broadcast %add3A_292 : i32 to vector<16xi32>
    %add3A_294 = arith.addi %add3A_291, %add3A_293 : vector<16xi32>
    %add3A_295 = arith.addi %add3A_294, %get3A_71 : vector<16xi32>
    %add3A_296 = arith.constant 25 : i32
    %add3A_297 = vector.broadcast %add3A_296 : i32 to vector<16xi32>
    %add3A_298 = arith.addi %mul3A_280, %add3A_297 : vector<16xi32>
    %add3A_299 = arith.constant 50 : i32
    %add3A_300 = vector.broadcast %add3A_299 : i32 to vector<16xi32>
    %add3A_301 = arith.addi %add3A_298, %add3A_300 : vector<16xi32>
    %add3A_302 = arith.addi %add3A_301, %get3A_76 : vector<16xi32>
    %add3A_303 = arith.constant 100 : i32
    %add3A_304 = vector.broadcast %add3A_303 : i32 to vector<16xi32>
    %add3A_305 = arith.addi %mul3A_280, %add3A_304 : vector<16xi32>
    %add3A_306 = arith.constant 0 : i32
    %add3A_307 = vector.broadcast %add3A_306 : i32 to vector<16xi32>
    %add3A_308 = arith.addi %add3A_305, %add3A_307 : vector<16xi32>
    %add3A_309 = arith.addi %add3A_308, %get3A_126 : vector<16xi32>
    %add3A_310 = arith.constant 100 : i32
    %add3A_311 = vector.broadcast %add3A_310 : i32 to vector<16xi32>
    %add3A_312 = arith.addi %mul3A_280, %add3A_311 : vector<16xi32>
    %add3A_313 = arith.constant 25 : i32
    %add3A_314 = vector.broadcast %add3A_313 : i32 to vector<16xi32>
    %add3A_315 = arith.addi %add3A_312, %add3A_314 : vector<16xi32>
    %add3A_316 = arith.addi %add3A_315, %get3A_131 : vector<16xi32>
    %add3A_317 = arith.constant 100 : i32
    %add3A_318 = vector.broadcast %add3A_317 : i32 to vector<16xi32>
    %add3A_319 = arith.addi %mul3A_280, %add3A_318 : vector<16xi32>
    %add3A_320 = arith.constant 50 : i32
    %add3A_321 = vector.broadcast %add3A_320 : i32 to vector<16xi32>
    %add3A_322 = arith.addi %add3A_319, %add3A_321 : vector<16xi32>
    %add3A_323 = arith.addi %add3A_322, %get3A_136 : vector<16xi32>
    %jit3A_324 = arith.constant 175 : i32
    %broadcast_in_dim3A_325 = vector.broadcast %jit3A_324 : i32 to vector<16xi32>
    %select_n3A_326 = arith.select %and3A_277, %add3A_281, %broadcast_in_dim3A_325 : vector<16xi1>, vector<16xi32>
    %swap3A_327 = arith.constant 7 : i32
    %swap3A_328 = arith.index_cast %swap3A_327 : i32 to index
    %swap3A_329 = arith.constant 0 : index
    %swap3A_330 = tpu.vector_load %arg7[%swap3A_328, %swap3A_329] {strides = array<i32>} : memref<28x32xi32, #tpu.memory_space<vmem>>, vector<1x16xi32>,
    %swap3A_331 = vector.shape_cast %swap3A_330 : vector<1x16xi32> to vector<16xi32>
    %swap3A_332 = vector.shape_cast %select_n3A_326 : vector<16xi32> to vector<1x16xi32>
    tpu.vector_store %arg7[%swap3A_328, %swap3A_329], %swap3A_332 {strides = array<i32>} : memref<28x32xi32, #tpu.memory_space<vmem>>, vector<1x16xi32>,
    %jit3A_333 = arith.constant 175 : i32
    %broadcast_in_dim3A_334 = vector.broadcast %jit3A_333 : i32 to vector<16xi32>
    %select_n3A_335 = arith.select %and3A_277, %add3A_288, %broadcast_in_dim3A_334 : vector<16xi1>, vector<16xi32>
    %swap3A_336 = arith.constant 8 : i32
    %swap3A_337 = arith.index_cast %swap3A_336 : i32 to index
    %swap3A_338 = arith.constant 0 : index
    %swap3A_339 = tpu.vector_load %arg7[%swap3A_337, %swap3A_338] {strides = array<i32>} : memref<28x32xi32, #tpu.memory_space<vmem>>, vector<1x16xi32>,
    %swap3A_340 = vector.shape_cast %swap3A_339 : vector<1x16xi32> to vector<16xi32>
    %swap3A_341 = vector.shape_cast %select_n3A_335 : vector<16xi32> to vector<1x16xi32>
    tpu.vector_store %arg7[%swap3A_337, %swap3A_338], %swap3A_341 {strides = array<i32>} : memref<28x32xi32, #tpu.memory_space<vmem>>, vector<1x16xi32>,
    %jit3A_342 = arith.constant 175 : i32
    %broadcast_in_dim3A_343 = vector.broadcast %jit3A_342 : i32 to vector<16xi32>
    %select_n3A_344 = arith.select %and3A_277, %add3A_295, %broadcast_in_dim3A_343 : vector<16xi1>, vector<16xi32>
    %swap3A_345 = arith.constant 9 : i32
    %swap3A_346 = arith.index_cast %swap3A_345 : i32 to index
    %swap3A_347 = arith.constant 0 : index
    %swap3A_348 = tpu.vector_load %arg7[%swap3A_346, %swap3A_347] {strides = array<i32>} : memref<28x32xi32, #tpu.memory_space<vmem>>, vector<1x16xi32>,
    %swap3A_349 = vector.shape_cast %swap3A_348 : vector<1x16xi32> to vector<16xi32>
    %swap3A_350 = vector.shape_cast %select_n3A_344 : vector<16xi32> to vector<1x16xi32>
    tpu.vector_store %arg7[%swap3A_346, %swap3A_347], %swap3A_350 {strides = array<i32>} : memref<28x32xi32, #tpu.memory_space<vmem>>, vector<1x16xi32>,
    %jit3A_351 = arith.constant 175 : i32
    %broadcast_in_dim3A_352 = vector.broadcast %jit3A_351 : i32 to vector<16xi32>
    %select_n3A_353 = arith.select %and3A_277, %add3A_302, %broadcast_in_dim3A_352 : vector<16xi1>, vector<16xi32>
    %swap3A_354 = arith.constant 10 : i32
    %swap3A_355 = arith.index_cast %swap3A_354 : i32 to index
    %swap3A_356 = arith.constant 0 : index
    %swap3A_357 = tpu.vector_load %arg7[%swap3A_355, %swap3A_356] {strides = array<i32>} : memref<28x32xi32, #tpu.memory_space<vmem>>, vector<1x16xi32>,
    %swap3A_358 = vector.shape_cast %swap3A_357 : vector<1x16xi32> to vector<16xi32>
    %swap3A_359 = vector.shape_cast %select_n3A_353 : vector<16xi32> to vector<1x16xi32>
    tpu.vector_store %arg7[%swap3A_355, %swap3A_356], %swap3A_359 {strides = array<i32>} : memref<28x32xi32, #tpu.memory_space<vmem>>, vector<1x16xi32>,
    %jit3A_360 = arith.constant 175 : i32
    %broadcast_in_dim3A_361 = vector.broadcast %jit3A_360 : i32 to vector<16xi32>
    %select_n3A_362 = arith.select %and3A_277, %add3A_309, %broadcast_in_dim3A_361 : vector<16xi1>, vector<16xi32>
    %swap3A_363 = arith.constant 11 : i32
    %swap3A_364 = arith.index_cast %swap3A_363 : i32 to index
    %swap3A_365 = arith.constant 0 : index
    %swap3A_366 = tpu.vector_load %arg7[%swap3A_364, %swap3A_365] {strides = array<i32>} : memref<28x32xi32, #tpu.memory_space<vmem>>, vector<1x16xi32>,
    %swap3A_367 = vector.shape_cast %swap3A_366 : vector<1x16xi32> to vector<16xi32>
    %swap3A_368 = vector.shape_cast %select_n3A_362 : vector<16xi32> to vector<1x16xi32>
    tpu.vector_store %arg7[%swap3A_364, %swap3A_365], %swap3A_368 {strides = array<i32>} : memref<28x32xi32, #tpu.memory_space<vmem>>, vector<1x16xi32>,
    %jit3A_369 = arith.constant 175 : i32
    %broadcast_in_dim3A_370 = vector.broadcast %jit3A_369 : i32 to vector<16xi32>
    %select_n3A_371 = arith.select %and3A_277, %add3A_316, %broadcast_in_dim3A_370 : vector<16xi1>, vector<16xi32>
    %swap3A_372 = arith.constant 12 : i32
    %swap3A_373 = arith.index_cast %swap3A_372 : i32 to index
    %swap3A_374 = arith.constant 0 : index
    %swap3A_375 = tpu.vector_load %arg7[%swap3A_373, %swap3A_374] {strides = array<i32>} : memref<28x32xi32, #tpu.memory_space<vmem>>, vector<1x16xi32>,
    %swap3A_376 = vector.shape_cast %swap3A_375 : vector<1x16xi32> to vector<16xi32>
    %swap3A_377 = vector.shape_cast %select_n3A_371 : vector<16xi32> to vector<1x16xi32>
    tpu.vector_store %arg7[%swap3A_373, %swap3A_374], %swap3A_377 {strides = array<i32>} : memref<28x32xi32, #tpu.memory_space<vmem>>, vector<1x16xi32>,
    %jit3A_378 = arith.constant 175 : i32
    %broadcast_in_dim3A_379 = vector.broadcast %jit3A_378 : i32 to vector<16xi32>
    %select_n3A_380 = arith.select %and3A_277, %add3A_323, %broadcast_in_dim3A_379 : vector<16xi1>, vector<16xi32>
    %swap3A_381 = arith.constant 13 : i32
    %swap3A_382 = arith.index_cast %swap3A_381 : i32 to index
    %swap3A_383 = arith.constant 0 : index
    %swap3A_384 = tpu.vector_load %arg7[%swap3A_382, %swap3A_383] {strides = array<i32>} : memref<28x32xi32, #tpu.memory_space<vmem>>, vector<1x16xi32>,
    %swap3A_385 = vector.shape_cast %swap3A_384 : vector<1x16xi32> to vector<16xi32>
    %swap3A_386 = vector.shape_cast %select_n3A_380 : vector<16xi32> to vector<1x16xi32>
    tpu.vector_store %arg7[%swap3A_382, %swap3A_383], %swap3A_386 {strides = array<i32>} : memref<28x32xi32, #tpu.memory_space<vmem>>, vector<1x16xi32>,
    %ne3A_387 = arith.cmpi ne, %get3A_21, %get3A_26 : vector<16xi32>
    %mul3A_388 = arith.constant 176 : i32
    %mul3A_389 = vector.broadcast %mul3A_388 : i32 to vector<16xi32>
    %mul3A_390 = arith.muli %get3A_21, %mul3A_389 : vector<16xi32>
    %add3A_391 = arith.addi %mul3A_390, %get3A_41 : vector<16xi32>
    %add3A_392 = arith.constant 25 : i32
    %add3A_393 = vector.broadcast %add3A_392 : i32 to vector<16xi32>
    %add3A_394 = arith.addi %mul3A_390, %add3A_393 : vector<16xi32>
    %add3A_395 = arith.constant 0 : i32
    %add3A_396 = vector.broadcast %add3A_395 : i32 to vector<16xi32>
    %add3A_397 = arith.addi %add3A_394, %add3A_396 : vector<16xi32>
    %add3A_398 = arith.addi %add3A_397, %get3A_81 : vector<16xi32>
    %add3A_399 = arith.constant 25 : i32
    %add3A_400 = vector.broadcast %add3A_399 : i32 to vector<16xi32>
    %add3A_401 = arith.addi %mul3A_390, %add3A_400 : vector<16xi32>
    %add3A_402 = arith.constant 25 : i32
    %add3A_403 = vector.broadcast %add3A_402 : i32 to vector<16xi32>
    %add3A_404 = arith.addi %add3A_401, %add3A_403 : vector<16xi32>
    %add3A_405 = arith.addi %add3A_404, %get3A_86 : vector<16xi32>
    %add3A_406 = arith.constant 25 : i32
    %add3A_407 = vector.broadcast %add3A_406 : i32 to vector<16xi32>
    %add3A_408 = arith.addi %mul3A_390, %add3A_407 : vector<16xi32>
    %add3A_409 = arith.constant 50 : i32
    %add3A_410 = vector.broadcast %add3A_409 : i32 to vector<16xi32>
    %add3A_411 = arith.addi %add3A_408, %add3A_410 : vector<16xi32>
    %add3A_412 = arith.addi %add3A_411, %get3A_91 : vector<16xi32>
    %add3A_413 = arith.constant 100 : i32
    %add3A_414 = vector.broadcast %add3A_413 : i32 to vector<16xi32>
    %add3A_415 = arith.addi %mul3A_390, %add3A_414 : vector<16xi32>
    %add3A_416 = arith.constant 0 : i32
    %add3A_417 = vector.broadcast %add3A_416 : i32 to vector<16xi32>
    %add3A_418 = arith.addi %add3A_415, %add3A_417 : vector<16xi32>
    %add3A_419 = arith.addi %add3A_418, %get3A_141 : vector<16xi32>
    %add3A_420 = arith.constant 100 : i32
    %add3A_421 = vector.broadcast %add3A_420 : i32 to vector<16xi32>
    %add3A_422 = arith.addi %mul3A_390, %add3A_421 : vector<16xi32>
    %add3A_423 = arith.constant 25 : i32
    %add3A_424 = vector.broadcast %add3A_423 : i32 to vector<16xi32>
    %add3A_425 = arith.addi %add3A_422, %add3A_424 : vector<16xi32>
    %add3A_426 = arith.addi %add3A_425, %get3A_146 : vector<16xi32>
    %add3A_427 = arith.constant 100 : i32
    %add3A_428 = vector.broadcast %add3A_427 : i32 to vector<16xi32>
    %add3A_429 = arith.addi %mul3A_390, %add3A_428 : vector<16xi32>
    %add3A_430 = arith.constant 50 : i32
    %add3A_431 = vector.broadcast %add3A_430 : i32 to vector<16xi32>
    %add3A_432 = arith.addi %add3A_429, %add3A_431 : vector<16xi32>
    %add3A_433 = arith.addi %add3A_432, %get3A_151 : vector<16xi32>
    %jit3A_434 = arith.constant 175 : i32
    %broadcast_in_dim3A_435 = vector.broadcast %jit3A_434 : i32 to vector<16xi32>
    %select_n3A_436 = arith.select %ne3A_387, %add3A_391, %broadcast_in_dim3A_435 : vector<16xi1>, vector<16xi32>
    %swap3A_437 = arith.constant 14 : i32
    %swap3A_438 = arith.index_cast %swap3A_437 : i32 to index
    %swap3A_439 = arith.constant 0 : index
    %swap3A_440 = tpu.vector_load %arg7[%swap3A_438, %swap3A_439] {strides = array<i32>} : memref<28x32xi32, #tpu.memory_space<vmem>>, vector<1x16xi32>,
    %swap3A_441 = vector.shape_cast %swap3A_440 : vector<1x16xi32> to vector<16xi32>
    %swap3A_442 = vector.shape_cast %select_n3A_436 : vector<16xi32> to vector<1x16xi32>
    tpu.vector_store %arg7[%swap3A_438, %swap3A_439], %swap3A_442 {strides = array<i32>} : memref<28x32xi32, #tpu.memory_space<vmem>>, vector<1x16xi32>,
    %jit3A_443 = arith.constant 175 : i32
    %broadcast_in_dim3A_444 = vector.broadcast %jit3A_443 : i32 to vector<16xi32>
    %select_n3A_445 = arith.select %ne3A_387, %add3A_398, %broadcast_in_dim3A_444 : vector<16xi1>, vector<16xi32>
    %swap3A_446 = arith.constant 15 : i32
    %swap3A_447 = arith.index_cast %swap3A_446 : i32 to index
    %swap3A_448 = arith.constant 0 : index
    %swap3A_449 = tpu.vector_load %arg7[%swap3A_447, %swap3A_448] {strides = array<i32>} : memref<28x32xi32, #tpu.memory_space<vmem>>, vector<1x16xi32>,
    %swap3A_450 = vector.shape_cast %swap3A_449 : vector<1x16xi32> to vector<16xi32>
    %swap3A_451 = vector.shape_cast %select_n3A_445 : vector<16xi32> to vector<1x16xi32>
    tpu.vector_store %arg7[%swap3A_447, %swap3A_448], %swap3A_451 {strides = array<i32>} : memref<28x32xi32, #tpu.memory_space<vmem>>, vector<1x16xi32>,
    %jit3A_452 = arith.constant 175 : i32
    %broadcast_in_dim3A_453 = vector.broadcast %jit3A_452 : i32 to vector<16xi32>
    %select_n3A_454 = arith.select %ne3A_387, %add3A_405, %broadcast_in_dim3A_453 : vector<16xi1>, vector<16xi32>
    %swap3A_455 = arith.constant 16 : i32
    %swap3A_456 = arith.index_cast %swap3A_455 : i32 to index
    %swap3A_457 = arith.constant 0 : index
    %swap3A_458 = tpu.vector_load %arg7[%swap3A_456, %swap3A_457] {strides = array<i32>} : memref<28x32xi32, #tpu.memory_space<vmem>>, vector<1x16xi32>,
    %swap3A_459 = vector.shape_cast %swap3A_458 : vector<1x16xi32> to vector<16xi32>
    %swap3A_460 = vector.shape_cast %select_n3A_454 : vector<16xi32> to vector<1x16xi32>
    tpu.vector_store %arg7[%swap3A_456, %swap3A_457], %swap3A_460 {strides = array<i32>} : memref<28x32xi32, #tpu.memory_space<vmem>>, vector<1x16xi32>,
    %jit3A_461 = arith.constant 175 : i32
    %broadcast_in_dim3A_462 = vector.broadcast %jit3A_461 : i32 to vector<16xi32>
    %select_n3A_463 = arith.select %ne3A_387, %add3A_412, %broadcast_in_dim3A_462 : vector<16xi1>, vector<16xi32>
    %swap3A_464 = arith.constant 17 : i32
    %swap3A_465 = arith.index_cast %swap3A_464 : i32 to index
    %swap3A_466 = arith.constant 0 : index
    %swap3A_467 = tpu.vector_load %arg7[%swap3A_465, %swap3A_466] {strides = array<i32>} : memref<28x32xi32, #tpu.memory_space<vmem>>, vector<1x16xi32>,
    %swap3A_468 = vector.shape_cast %swap3A_467 : vector<1x16xi32> to vector<16xi32>
    %swap3A_469 = vector.shape_cast %select_n3A_463 : vector<16xi32> to vector<1x16xi32>
    tpu.vector_store %arg7[%swap3A_465, %swap3A_466], %swap3A_469 {strides = array<i32>} : memref<28x32xi32, #tpu.memory_space<vmem>>, vector<1x16xi32>,
    %jit3A_470 = arith.constant 175 : i32
    %broadcast_in_dim3A_471 = vector.broadcast %jit3A_470 : i32 to vector<16xi32>
    %select_n3A_472 = arith.select %ne3A_387, %add3A_419, %broadcast_in_dim3A_471 : vector<16xi1>, vector<16xi32>
    %swap3A_473 = arith.constant 18 : i32
    %swap3A_474 = arith.index_cast %swap3A_473 : i32 to index
    %swap3A_475 = arith.constant 0 : index
    %swap3A_476 = tpu.vector_load %arg7[%swap3A_474, %swap3A_475] {strides = array<i32>} : memref<28x32xi32, #tpu.memory_space<vmem>>, vector<1x16xi32>,
    %swap3A_477 = vector.shape_cast %swap3A_476 : vector<1x16xi32> to vector<16xi32>
    %swap3A_478 = vector.shape_cast %select_n3A_472 : vector<16xi32> to vector<1x16xi32>
    tpu.vector_store %arg7[%swap3A_474, %swap3A_475], %swap3A_478 {strides = array<i32>} : memref<28x32xi32, #tpu.memory_space<vmem>>, vector<1x16xi32>,
    %jit3A_479 = arith.constant 175 : i32
    %broadcast_in_dim3A_480 = vector.broadcast %jit3A_479 : i32 to vector<16xi32>
    %select_n3A_481 = arith.select %ne3A_387, %add3A_426, %broadcast_in_dim3A_480 : vector<16xi1>, vector<16xi32>
    %swap3A_482 = arith.constant 19 : i32
    %swap3A_483 = arith.index_cast %swap3A_482 : i32 to index
    %swap3A_484 = arith.constant 0 : index
    %swap3A_485 = tpu.vector_load %arg7[%swap3A_483, %swap3A_484] {strides = array<i32>} : memref<28x32xi32, #tpu.memory_space<vmem>>, vector<1x16xi32>,
    %swap3A_486 = vector.shape_cast %swap3A_485 : vector<1x16xi32> to vector<16xi32>
    %swap3A_487 = vector.shape_cast %select_n3A_481 : vector<16xi32> to vector<1x16xi32>
    tpu.vector_store %arg7[%swap3A_483, %swap3A_484], %swap3A_487 {strides = array<i32>} : memref<28x32xi32, #tpu.memory_space<vmem>>, vector<1x16xi32>,
    %jit3A_488 = arith.constant 175 : i32
    %broadcast_in_dim3A_489 = vector.broadcast %jit3A_488 : i32 to vector<16xi32>
    %select_n3A_490 = arith.select %ne3A_387, %add3A_433, %broadcast_in_dim3A_489 : vector<16xi1>, vector<16xi32>
    %swap3A_491 = arith.constant 20 : i32
    %swap3A_492 = arith.index_cast %swap3A_491 : i32 to index
    %swap3A_493 = arith.constant 0 : index
    %swap3A_494 = tpu.vector_load %arg7[%swap3A_492, %swap3A_493] {strides = array<i32>} : memref<28x32xi32, #tpu.memory_space<vmem>>, vector<1x16xi32>,
    %swap3A_495 = vector.shape_cast %swap3A_494 : vector<1x16xi32> to vector<16xi32>
    %swap3A_496 = vector.shape_cast %select_n3A_490 : vector<16xi32> to vector<1x16xi32>
    tpu.vector_store %arg7[%swap3A_492, %swap3A_493], %swap3A_496 {strides = array<i32>} : memref<28x32xi32, #tpu.memory_space<vmem>>, vector<1x16xi32>,
    %mul3A_497 = arith.constant 176 : i32
    %mul3A_498 = vector.broadcast %mul3A_497 : i32 to vector<16xi32>
    %mul3A_499 = arith.muli %get3A_26, %mul3A_498 : vector<16xi32>
    %add3A_500 = arith.addi %mul3A_499, %get3A_46 : vector<16xi32>
    %add3A_501 = arith.constant 25 : i32
    %add3A_502 = vector.broadcast %add3A_501 : i32 to vector<16xi32>
    %add3A_503 = arith.addi %mul3A_499, %add3A_502 : vector<16xi32>
    %add3A_504 = arith.constant 0 : i32
    %add3A_505 = vector.broadcast %add3A_504 : i32 to vector<16xi32>
    %add3A_506 = arith.addi %add3A_503, %add3A_505 : vector<16xi32>
    %add3A_507 = arith.addi %add3A_506, %get3A_96 : vector<16xi32>
    %add3A_508 = arith.constant 25 : i32
    %add3A_509 = vector.broadcast %add3A_508 : i32 to vector<16xi32>
    %add3A_510 = arith.addi %mul3A_499, %add3A_509 : vector<16xi32>
    %add3A_511 = arith.constant 25 : i32
    %add3A_512 = vector.broadcast %add3A_511 : i32 to vector<16xi32>
    %add3A_513 = arith.addi %add3A_510, %add3A_512 : vector<16xi32>
    %add3A_514 = arith.addi %add3A_513, %get3A_101 : vector<16xi32>
    %add3A_515 = arith.constant 25 : i32
    %add3A_516 = vector.broadcast %add3A_515 : i32 to vector<16xi32>
    %add3A_517 = arith.addi %mul3A_499, %add3A_516 : vector<16xi32>
    %add3A_518 = arith.constant 50 : i32
    %add3A_519 = vector.broadcast %add3A_518 : i32 to vector<16xi32>
    %add3A_520 = arith.addi %add3A_517, %add3A_519 : vector<16xi32>
    %add3A_521 = arith.addi %add3A_520, %get3A_106 : vector<16xi32>
    %add3A_522 = arith.constant 100 : i32
    %add3A_523 = vector.broadcast %add3A_522 : i32 to vector<16xi32>
    %add3A_524 = arith.addi %mul3A_499, %add3A_523 : vector<16xi32>
    %add3A_525 = arith.constant 0 : i32
    %add3A_526 = vector.broadcast %add3A_525 : i32 to vector<16xi32>
    %add3A_527 = arith.addi %add3A_524, %add3A_526 : vector<16xi32>
    %add3A_528 = arith.addi %add3A_527, %get3A_156 : vector<16xi32>
    %add3A_529 = arith.constant 100 : i32
    %add3A_530 = vector.broadcast %add3A_529 : i32 to vector<16xi32>
    %add3A_531 = arith.addi %mul3A_499, %add3A_530 : vector<16xi32>
    %add3A_532 = arith.constant 25 : i32
    %add3A_533 = vector.broadcast %add3A_532 : i32 to vector<16xi32>
    %add3A_534 = arith.addi %add3A_531, %add3A_533 : vector<16xi32>
    %add3A_535 = arith.addi %add3A_534, %get3A_161 : vector<16xi32>
    %add3A_536 = arith.constant 100 : i32
    %add3A_537 = vector.broadcast %add3A_536 : i32 to vector<16xi32>
    %add3A_538 = arith.addi %mul3A_499, %add3A_537 : vector<16xi32>
    %add3A_539 = arith.constant 50 : i32
    %add3A_540 = vector.broadcast %add3A_539 : i32 to vector<16xi32>
    %add3A_541 = arith.addi %add3A_538, %add3A_540 : vector<16xi32>
    %add3A_542 = arith.addi %add3A_541, %get3A_166 : vector<16xi32>
    %swap3A_543 = arith.constant 21 : i32
    %swap3A_544 = arith.index_cast %swap3A_543 : i32 to index
    %swap3A_545 = arith.constant 0 : index
    %swap3A_546 = tpu.vector_load %arg7[%swap3A_544, %swap3A_545] {strides = array<i32>} : memref<28x32xi32, #tpu.memory_space<vmem>>, vector<1x16xi32>,
    %swap3A_547 = vector.shape_cast %swap3A_546 : vector<1x16xi32> to vector<16xi32>
    %swap3A_548 = vector.shape_cast %add3A_500 : vector<16xi32> to vector<1x16xi32>
    tpu.vector_store %arg7[%swap3A_544, %swap3A_545], %swap3A_548 {strides = array<i32>} : memref<28x32xi32, #tpu.memory_space<vmem>>, vector<1x16xi32>,
    %swap3A_549 = arith.constant 22 : i32
    %swap3A_550 = arith.index_cast %swap3A_549 : i32 to index
    %swap3A_551 = arith.constant 0 : index
    %swap3A_552 = tpu.vector_load %arg7[%swap3A_550, %swap3A_551] {strides = array<i32>} : memref<28x32xi32, #tpu.memory_space<vmem>>, vector<1x16xi32>,
    %swap3A_553 = vector.shape_cast %swap3A_552 : vector<1x16xi32> to vector<16xi32>
    %swap3A_554 = vector.shape_cast %add3A_507 : vector<16xi32> to vector<1x16xi32>
    tpu.vector_store %arg7[%swap3A_550, %swap3A_551], %swap3A_554 {strides = array<i32>} : memref<28x32xi32, #tpu.memory_space<vmem>>, vector<1x16xi32>,
    %swap3A_555 = arith.constant 23 : i32
    %swap3A_556 = arith.index_cast %swap3A_555 : i32 to index
    %swap3A_557 = arith.constant 0 : index
    %swap3A_558 = tpu.vector_load %arg7[%swap3A_556, %swap3A_557] {strides = array<i32>} : memref<28x32xi32, #tpu.memory_space<vmem>>, vector<1x16xi32>,
    %swap3A_559 = vector.shape_cast %swap3A_558 : vector<1x16xi32> to vector<16xi32>
    %swap3A_560 = vector.shape_cast %add3A_514 : vector<16xi32> to vector<1x16xi32>
    tpu.vector_store %arg7[%swap3A_556, %swap3A_557], %swap3A_560 {strides = array<i32>} : memref<28x32xi32, #tpu.memory_space<vmem>>, vector<1x16xi32>,
    %swap3A_561 = arith.constant 24 : i32
    %swap3A_562 = arith.index_cast %swap3A_561 : i32 to index
    %swap3A_563 = arith.constant 0 : index
    %swap3A_564 = tpu.vector_load %arg7[%swap3A_562, %swap3A_563] {strides = array<i32>} : memref<28x32xi32, #tpu.memory_space<vmem>>, vector<1x16xi32>,
    %swap3A_565 = vector.shape_cast %swap3A_564 : vector<1x16xi32> to vector<16xi32>
    %swap3A_566 = vector.shape_cast %add3A_521 : vector<16xi32> to vector<1x16xi32>
    tpu.vector_store %arg7[%swap3A_562, %swap3A_563], %swap3A_566 {strides = array<i32>} : memref<28x32xi32, #tpu.memory_space<vmem>>, vector<1x16xi32>,
    %swap3A_567 = arith.constant 25 : i32
    %swap3A_568 = arith.index_cast %swap3A_567 : i32 to index
    %swap3A_569 = arith.constant 0 : index
    %swap3A_570 = tpu.vector_load %arg7[%swap3A_568, %swap3A_569] {strides = array<i32>} : memref<28x32xi32, #tpu.memory_space<vmem>>, vector<1x16xi32>,
    %swap3A_571 = vector.shape_cast %swap3A_570 : vector<1x16xi32> to vector<16xi32>
    %swap3A_572 = vector.shape_cast %add3A_528 : vector<16xi32> to vector<1x16xi32>
    tpu.vector_store %arg7[%swap3A_568, %swap3A_569], %swap3A_572 {strides = array<i32>} : memref<28x32xi32, #tpu.memory_space<vmem>>, vector<1x16xi32>,
    %swap3A_573 = arith.constant 26 : i32
    %swap3A_574 = arith.index_cast %swap3A_573 : i32 to index
    %swap3A_575 = arith.constant 0 : index
    %swap3A_576 = tpu.vector_load %arg7[%swap3A_574, %swap3A_575] {strides = array<i32>} : memref<28x32xi32, #tpu.memory_space<vmem>>, vector<1x16xi32>,
    %swap3A_577 = vector.shape_cast %swap3A_576 : vector<1x16xi32> to vector<16xi32>
    %swap3A_578 = vector.shape_cast %add3A_535 : vector<16xi32> to vector<1x16xi32>
    tpu.vector_store %arg7[%swap3A_574, %swap3A_575], %swap3A_578 {strides = array<i32>} : memref<28x32xi32, #tpu.memory_space<vmem>>, vector<1x16xi32>,
    %swap3A_579 = arith.constant 27 : i32
    %swap3A_580 = arith.index_cast %swap3A_579 : i32 to index
    %swap3A_581 = arith.constant 0 : index
    %swap3A_582 = tpu.vector_load %arg7[%swap3A_580, %swap3A_581] {strides = array<i32>} : memref<28x32xi32, #tpu.memory_space<vmem>>, vector<1x16xi32>,
    %swap3A_583 = vector.shape_cast %swap3A_582 : vector<1x16xi32> to vector<16xi32>
    %swap3A_584 = vector.shape_cast %add3A_542 : vector<16xi32> to vector<1x16xi32>
    tpu.vector_store %arg7[%swap3A_580, %swap3A_581], %swap3A_584 {strides = array<i32>} : memref<28x32xi32, #tpu.memory_space<vmem>>, vector<1x16xi32>,
    %get3A_585 = arith.constant 0 : i32
    %get3A_586 = arith.index_cast %get3A_585 : i32 to index
    %get3A_587 = arith.constant 16 : index
    %get3A_588 = tpu.vector_load %arg6[%get3A_586, %get3A_587] {strides = array<i32>} : memref<32x32xi32, #tpu.memory_space<vmem>>, vector<1x16xi32>,
    %get3A_589 = vector.shape_cast %get3A_588 : vector<1x16xi32> to vector<16xi32>
    %get3A_590 = arith.constant 1 : i32
    %get3A_591 = arith.index_cast %get3A_590 : i32 to index
    %get3A_592 = arith.constant 16 : index
    %get3A_593 = tpu.vector_load %arg6[%get3A_591, %get3A_592] {strides = array<i32>} : memref<32x32xi32, #tpu.memory_space<vmem>>, vector<1x16xi32>,
    %get3A_594 = vector.shape_cast %get3A_593 : vector<1x16xi32> to vector<16xi32>
    %get3A_595 = arith.constant 2 : i32
    %get3A_596 = arith.index_cast %get3A_595 : i32 to index
    %get3A_597 = arith.constant 16 : index
    %get3A_598 = tpu.vector_load %arg6[%get3A_596, %get3A_597] {strides = array<i32>} : memref<32x32xi32, #tpu.memory_space<vmem>>, vector<1x16xi32>,
    %get3A_599 = vector.shape_cast %get3A_598 : vector<1x16xi32> to vector<16xi32>
    %get3A_600 = arith.constant 3 : i32
    %get3A_601 = arith.index_cast %get3A_600 : i32 to index
    %get3A_602 = arith.constant 16 : index
    %get3A_603 = tpu.vector_load %arg6[%get3A_601, %get3A_602] {strides = array<i32>} : memref<32x32xi32, #tpu.memory_space<vmem>>, vector<1x16xi32>,
    %get3A_604 = vector.shape_cast %get3A_603 : vector<1x16xi32> to vector<16xi32>
    %get3A_605 = arith.constant 4 : i32
    %get3A_606 = arith.index_cast %get3A_605 : i32 to index
    %get3A_607 = arith.constant 16 : index
    %get3A_608 = tpu.vector_load %arg6[%get3A_606, %get3A_607] {strides = array<i32>} : memref<32x32xi32, #tpu.memory_space<vmem>>, vector<1x16xi32>,
    %get3A_609 = vector.shape_cast %get3A_608 : vector<1x16xi32> to vector<16xi32>
    %get3A_610 = arith.constant 5 : i32
    %get3A_611 = arith.index_cast %get3A_610 : i32 to index
    %get3A_612 = arith.constant 16 : index
    %get3A_613 = tpu.vector_load %arg6[%get3A_611, %get3A_612] {strides = array<i32>} : memref<32x32xi32, #tpu.memory_space<vmem>>, vector<1x16xi32>,
    %get3A_614 = vector.shape_cast %get3A_613 : vector<1x16xi32> to vector<16xi32>
    %get3A_615 = arith.constant 6 : i32
    %get3A_616 = arith.index_cast %get3A_615 : i32 to index
    %get3A_617 = arith.constant 16 : index
    %get3A_618 = tpu.vector_load %arg6[%get3A_616, %get3A_617] {strides = array<i32>} : memref<32x32xi32, #tpu.memory_space<vmem>>, vector<1x16xi32>,
    %get3A_619 = vector.shape_cast %get3A_618 : vector<1x16xi32> to vector<16xi32>
    %get3A_620 = arith.constant 7 : i32
    %get3A_621 = arith.index_cast %get3A_620 : i32 to index
    %get3A_622 = arith.constant 16 : index
    %get3A_623 = tpu.vector_load %arg6[%get3A_621, %get3A_622] {strides = array<i32>} : memref<32x32xi32, #tpu.memory_space<vmem>>, vector<1x16xi32>,
    %get3A_624 = vector.shape_cast %get3A_623 : vector<1x16xi32> to vector<16xi32>
    %get3A_625 = arith.constant 8 : i32
    %get3A_626 = arith.index_cast %get3A_625 : i32 to index
    %get3A_627 = arith.constant 16 : index
    %get3A_628 = tpu.vector_load %arg6[%get3A_626, %get3A_627] {strides = array<i32>} : memref<32x32xi32, #tpu.memory_space<vmem>>, vector<1x16xi32>,
    %get3A_629 = vector.shape_cast %get3A_628 : vector<1x16xi32> to vector<16xi32>
    %get3A_630 = arith.constant 9 : i32
    %get3A_631 = arith.index_cast %get3A_630 : i32 to index
    %get3A_632 = arith.constant 16 : index
    %get3A_633 = tpu.vector_load %arg6[%get3A_631, %get3A_632] {strides = array<i32>} : memref<32x32xi32, #tpu.memory_space<vmem>>, vector<1x16xi32>,
    %get3A_634 = vector.shape_cast %get3A_633 : vector<1x16xi32> to vector<16xi32>
    %get3A_635 = arith.constant 10 : i32
    %get3A_636 = arith.index_cast %get3A_635 : i32 to index
    %get3A_637 = arith.constant 16 : index
    %get3A_638 = tpu.vector_load %arg6[%get3A_636, %get3A_637] {strides = array<i32>} : memref<32x32xi32, #tpu.memory_space<vmem>>, vector<1x16xi32>,
    %get3A_639 = vector.shape_cast %get3A_638 : vector<1x16xi32> to vector<16xi32>
    %get3A_640 = arith.constant 11 : i32
    %get3A_641 = arith.index_cast %get3A_640 : i32 to index
    %get3A_642 = arith.constant 16 : index
    %get3A_643 = tpu.vector_load %arg6[%get3A_641, %get3A_642] {strides = array<i32>} : memref<32x32xi32, #tpu.memory_space<vmem>>, vector<1x16xi32>,
    %get3A_644 = vector.shape_cast %get3A_643 : vector<1x16xi32> to vector<16xi32>
    %get3A_645 = arith.constant 12 : i32
    %get3A_646 = arith.index_cast %get3A_645 : i32 to index
    %get3A_647 = arith.constant 16 : index
    %get3A_648 = tpu.vector_load %arg6[%get3A_646, %get3A_647] {strides = array<i32>} : memref<32x32xi32, #tpu.memory_space<vmem>>, vector<1x16xi32>,
    %get3A_649 = vector.shape_cast %get3A_648 : vector<1x16xi32> to vector<16xi32>
    %get3A_650 = arith.constant 13 : i32
    %get3A_651 = arith.index_cast %get3A_650 : i32 to index
    %get3A_652 = arith.constant 16 : index
    %get3A_653 = tpu.vector_load %arg6[%get3A_651, %get3A_652] {strides = array<i32>} : memref<32x32xi32, #tpu.memory_space<vmem>>, vector<1x16xi32>,
    %get3A_654 = vector.shape_cast %get3A_653 : vector<1x16xi32> to vector<16xi32>
    %get3A_655 = arith.constant 14 : i32
    %get3A_656 = arith.index_cast %get3A_655 : i32 to index
    %get3A_657 = arith.constant 16 : index
    %get3A_658 = tpu.vector_load %arg6[%get3A_656, %get3A_657] {strides = array<i32>} : memref<32x32xi32, #tpu.memory_space<vmem>>, vector<1x16xi32>,
    %get3A_659 = vector.shape_cast %get3A_658 : vector<1x16xi32> to vector<16xi32>
    %get3A_660 = arith.constant 15 : i32
    %get3A_661 = arith.index_cast %get3A_660 : i32 to index
    %get3A_662 = arith.constant 16 : index
    %get3A_663 = tpu.vector_load %arg6[%get3A_661, %get3A_662] {strides = array<i32>} : memref<32x32xi32, #tpu.memory_space<vmem>>, vector<1x16xi32>,
    %get3A_664 = vector.shape_cast %get3A_663 : vector<1x16xi32> to vector<16xi32>
    %get3A_665 = arith.constant 16 : i32
    %get3A_666 = arith.index_cast %get3A_665 : i32 to index
    %get3A_667 = arith.constant 16 : index
    %get3A_668 = tpu.vector_load %arg6[%get3A_666, %get3A_667] {strides = array<i32>} : memref<32x32xi32, #tpu.memory_space<vmem>>, vector<1x16xi32>,
    %get3A_669 = vector.shape_cast %get3A_668 : vector<1x16xi32> to vector<16xi32>
    %get3A_670 = arith.constant 17 : i32
    %get3A_671 = arith.index_cast %get3A_670 : i32 to index
    %get3A_672 = arith.constant 16 : index
    %get3A_673 = tpu.vector_load %arg6[%get3A_671, %get3A_672] {strides = array<i32>} : memref<32x32xi32, #tpu.memory_space<vmem>>, vector<1x16xi32>,
    %get3A_674 = vector.shape_cast %get3A_673 : vector<1x16xi32> to vector<16xi32>
    %get3A_675 = arith.constant 18 : i32
    %get3A_676 = arith.index_cast %get3A_675 : i32 to index
    %get3A_677 = arith.constant 16 : index
    %get3A_678 = tpu.vector_load %arg6[%get3A_676, %get3A_677] {strides = array<i32>} : memref<32x32xi32, #tpu.memory_space<vmem>>, vector<1x16xi32>,
    %get3A_679 = vector.shape_cast %get3A_678 : vector<1x16xi32> to vector<16xi32>
    %get3A_680 = arith.constant 19 : i32
    %get3A_681 = arith.index_cast %get3A_680 : i32 to index
    %get3A_682 = arith.constant 16 : index
    %get3A_683 = tpu.vector_load %arg6[%get3A_681, %get3A_682] {strides = array<i32>} : memref<32x32xi32, #tpu.memory_space<vmem>>, vector<1x16xi32>,
    %get3A_684 = vector.shape_cast %get3A_683 : vector<1x16xi32> to vector<16xi32>
    %get3A_685 = arith.constant 20 : i32
    %get3A_686 = arith.index_cast %get3A_685 : i32 to index
    %get3A_687 = arith.constant 16 : index
    %get3A_688 = tpu.vector_load %arg6[%get3A_686, %get3A_687] {strides = array<i32>} : memref<32x32xi32, #tpu.memory_space<vmem>>, vector<1x16xi32>,
    %get3A_689 = vector.shape_cast %get3A_688 : vector<1x16xi32> to vector<16xi32>
    %get3A_690 = arith.constant 21 : i32
    %get3A_691 = arith.index_cast %get3A_690 : i32 to index
    %get3A_692 = arith.constant 16 : index
    %get3A_693 = tpu.vector_load %arg6[%get3A_691, %get3A_692] {strides = array<i32>} : memref<32x32xi32, #tpu.memory_space<vmem>>, vector<1x16xi32>,
    %get3A_694 = vector.shape_cast %get3A_693 : vector<1x16xi32> to vector<16xi32>
    %get3A_695 = arith.constant 22 : i32
    %get3A_696 = arith.index_cast %get3A_695 : i32 to index
    %get3A_697 = arith.constant 16 : index
    %get3A_698 = tpu.vector_load %arg6[%get3A_696, %get3A_697] {strides = array<i32>} : memref<32x32xi32, #tpu.memory_space<vmem>>, vector<1x16xi32>,
    %get3A_699 = vector.shape_cast %get3A_698 : vector<1x16xi32> to vector<16xi32>
    %get3A_700 = arith.constant 23 : i32
    %get3A_701 = arith.index_cast %get3A_700 : i32 to index
    %get3A_702 = arith.constant 16 : index
    %get3A_703 = tpu.vector_load %arg6[%get3A_701, %get3A_702] {strides = array<i32>} : memref<32x32xi32, #tpu.memory_space<vmem>>, vector<1x16xi32>,
    %get3A_704 = vector.shape_cast %get3A_703 : vector<1x16xi32> to vector<16xi32>
    %get3A_705 = arith.constant 24 : i32
    %get3A_706 = arith.index_cast %get3A_705 : i32 to index
    %get3A_707 = arith.constant 16 : index
    %get3A_708 = tpu.vector_load %arg6[%get3A_706, %get3A_707] {strides = array<i32>} : memref<32x32xi32, #tpu.memory_space<vmem>>, vector<1x16xi32>,
    %get3A_709 = vector.shape_cast %get3A_708 : vector<1x16xi32> to vector<16xi32>
    %get3A_710 = arith.constant 25 : i32
    %get3A_711 = arith.index_cast %get3A_710 : i32 to index
    %get3A_712 = arith.constant 16 : index
    %get3A_713 = tpu.vector_load %arg6[%get3A_711, %get3A_712] {strides = array<i32>} : memref<32x32xi32, #tpu.memory_space<vmem>>, vector<1x16xi32>,
    %get3A_714 = vector.shape_cast %get3A_713 : vector<1x16xi32> to vector<16xi32>
    %get3A_715 = arith.constant 26 : i32
    %get3A_716 = arith.index_cast %get3A_715 : i32 to index
    %get3A_717 = arith.constant 16 : index
    %get3A_718 = tpu.vector_load %arg6[%get3A_716, %get3A_717] {strides = array<i32>} : memref<32x32xi32, #tpu.memory_space<vmem>>, vector<1x16xi32>,
    %get3A_719 = vector.shape_cast %get3A_718 : vector<1x16xi32> to vector<16xi32>
    %get3A_720 = arith.constant 27 : i32
    %get3A_721 = arith.index_cast %get3A_720 : i32 to index
    %get3A_722 = arith.constant 16 : index
    %get3A_723 = tpu.vector_load %arg6[%get3A_721, %get3A_722] {strides = array<i32>} : memref<32x32xi32, #tpu.memory_space<vmem>>, vector<1x16xi32>,
    %get3A_724 = vector.shape_cast %get3A_723 : vector<1x16xi32> to vector<16xi32>
    %get3A_725 = arith.constant 28 : i32
    %get3A_726 = arith.index_cast %get3A_725 : i32 to index
    %get3A_727 = arith.constant 16 : index
    %get3A_728 = tpu.vector_load %arg6[%get3A_726, %get3A_727] {strides = array<i32>} : memref<32x32xi32, #tpu.memory_space<vmem>>, vector<1x16xi32>,
    %get3A_729 = vector.shape_cast %get3A_728 : vector<1x16xi32> to vector<16xi32>
    %get3A_730 = arith.constant 29 : i32
    %get3A_731 = arith.index_cast %get3A_730 : i32 to index
    %get3A_732 = arith.constant 16 : index
    %get3A_733 = tpu.vector_load %arg6[%get3A_731, %get3A_732] {strides = array<i32>} : memref<32x32xi32, #tpu.memory_space<vmem>>, vector<1x16xi32>,
    %get3A_734 = vector.shape_cast %get3A_733 : vector<1x16xi32> to vector<16xi32>
    %get3A_735 = arith.constant 30 : i32
    %get3A_736 = arith.index_cast %get3A_735 : i32 to index
    %get3A_737 = arith.constant 16 : index
    %get3A_738 = tpu.vector_load %arg6[%get3A_736, %get3A_737] {strides = array<i32>} : memref<32x32xi32, #tpu.memory_space<vmem>>, vector<1x16xi32>,
    %get3A_739 = vector.shape_cast %get3A_738 : vector<1x16xi32> to vector<16xi32>
    %get3A_740 = arith.constant 31 : i32
    %get3A_741 = arith.index_cast %get3A_740 : i32 to index
    %get3A_742 = arith.constant 16 : index
    %get3A_743 = tpu.vector_load %arg6[%get3A_741, %get3A_742] {strides = array<i32>} : memref<32x32xi32, #tpu.memory_space<vmem>>, vector<1x16xi32>,
    %get3A_744 = vector.shape_cast %get3A_743 : vector<1x16xi32> to vector<16xi32>
    %ne3A_745 = arith.cmpi ne, %get3A_589, %get3A_594 : vector<16xi32>
    %ne3A_746 = arith.cmpi ne, %get3A_589, %get3A_599 : vector<16xi32>
    %and3A_747 = arith.andi %ne3A_745, %ne3A_746 : vector<16xi1>
    %ne3A_748 = arith.cmpi ne, %get3A_589, %get3A_604 : vector<16xi32>
    %and3A_749 = arith.andi %and3A_747, %ne3A_748 : vector<16xi1>
    %mul3A_750 = arith.constant 176 : i32
    %mul3A_751 = vector.broadcast %mul3A_750 : i32 to vector<16xi32>
    %mul3A_752 = arith.muli %get3A_589, %mul3A_751 : vector<16xi32>
    %add3A_753 = arith.addi %mul3A_752, %get3A_609 : vector<16xi32>
    %add3A_754 = arith.constant 25 : i32
    %add3A_755 = vector.broadcast %add3A_754 : i32 to vector<16xi32>
    %add3A_756 = arith.addi %mul3A_752, %add3A_755 : vector<16xi32>
    %add3A_757 = arith.constant 0 : i32
    %add3A_758 = vector.broadcast %add3A_757 : i32 to vector<16xi32>
    %add3A_759 = arith.addi %add3A_756, %add3A_758 : vector<16xi32>
    %add3A_760 = arith.addi %add3A_759, %get3A_629 : vector<16xi32>
    %add3A_761 = arith.constant 25 : i32
    %add3A_762 = vector.broadcast %add3A_761 : i32 to vector<16xi32>
    %add3A_763 = arith.addi %mul3A_752, %add3A_762 : vector<16xi32>
    %add3A_764 = arith.constant 25 : i32
    %add3A_765 = vector.broadcast %add3A_764 : i32 to vector<16xi32>
    %add3A_766 = arith.addi %add3A_763, %add3A_765 : vector<16xi32>
    %add3A_767 = arith.addi %add3A_766, %get3A_634 : vector<16xi32>
    %add3A_768 = arith.constant 25 : i32
    %add3A_769 = vector.broadcast %add3A_768 : i32 to vector<16xi32>
    %add3A_770 = arith.addi %mul3A_752, %add3A_769 : vector<16xi32>
    %add3A_771 = arith.constant 50 : i32
    %add3A_772 = vector.broadcast %add3A_771 : i32 to vector<16xi32>
    %add3A_773 = arith.addi %add3A_770, %add3A_772 : vector<16xi32>
    %add3A_774 = arith.addi %add3A_773, %get3A_639 : vector<16xi32>
    %add3A_775 = arith.constant 100 : i32
    %add3A_776 = vector.broadcast %add3A_775 : i32 to vector<16xi32>
    %add3A_777 = arith.addi %mul3A_752, %add3A_776 : vector<16xi32>
    %add3A_778 = arith.constant 0 : i32
    %add3A_779 = vector.broadcast %add3A_778 : i32 to vector<16xi32>
    %add3A_780 = arith.addi %add3A_777, %add3A_779 : vector<16xi32>
    %add3A_781 = arith.addi %add3A_780, %get3A_689 : vector<16xi32>
    %add3A_782 = arith.constant 100 : i32
    %add3A_783 = vector.broadcast %add3A_782 : i32 to vector<16xi32>
    %add3A_784 = arith.addi %mul3A_752, %add3A_783 : vector<16xi32>
    %add3A_785 = arith.constant 25 : i32
    %add3A_786 = vector.broadcast %add3A_785 : i32 to vector<16xi32>
    %add3A_787 = arith.addi %add3A_784, %add3A_786 : vector<16xi32>
    %add3A_788 = arith.addi %add3A_787, %get3A_694 : vector<16xi32>
    %add3A_789 = arith.constant 100 : i32
    %add3A_790 = vector.broadcast %add3A_789 : i32 to vector<16xi32>
    %add3A_791 = arith.addi %mul3A_752, %add3A_790 : vector<16xi32>
    %add3A_792 = arith.constant 50 : i32
    %add3A_793 = vector.broadcast %add3A_792 : i32 to vector<16xi32>
    %add3A_794 = arith.addi %add3A_791, %add3A_793 : vector<16xi32>
    %add3A_795 = arith.addi %add3A_794, %get3A_699 : vector<16xi32>
    %jit3A_796 = arith.constant 175 : i32
    %broadcast_in_dim3A_797 = vector.broadcast %jit3A_796 : i32 to vector<16xi32>
    %select_n3A_798 = arith.select %and3A_749, %add3A_753, %broadcast_in_dim3A_797 : vector<16xi1>, vector<16xi32>
    %swap3A_799 = arith.constant 0 : i32
    %swap3A_800 = arith.index_cast %swap3A_799 : i32 to index
    %swap3A_801 = arith.constant 16 : index
    %swap3A_802 = tpu.vector_load %arg7[%swap3A_800, %swap3A_801] {strides = array<i32>} : memref<28x32xi32, #tpu.memory_space<vmem>>, vector<1x16xi32>,
    %swap3A_803 = vector.shape_cast %swap3A_802 : vector<1x16xi32> to vector<16xi32>
    %swap3A_804 = vector.shape_cast %select_n3A_798 : vector<16xi32> to vector<1x16xi32>
    tpu.vector_store %arg7[%swap3A_800, %swap3A_801], %swap3A_804 {strides = array<i32>} : memref<28x32xi32, #tpu.memory_space<vmem>>, vector<1x16xi32>,
    %jit3A_805 = arith.constant 175 : i32
    %broadcast_in_dim3A_806 = vector.broadcast %jit3A_805 : i32 to vector<16xi32>
    %select_n3A_807 = arith.select %and3A_749, %add3A_760, %broadcast_in_dim3A_806 : vector<16xi1>, vector<16xi32>
    %swap3A_808 = arith.constant 1 : i32
    %swap3A_809 = arith.index_cast %swap3A_808 : i32 to index
    %swap3A_810 = arith.constant 16 : index
    %swap3A_811 = tpu.vector_load %arg7[%swap3A_809, %swap3A_810] {strides = array<i32>} : memref<28x32xi32, #tpu.memory_space<vmem>>, vector<1x16xi32>,
    %swap3A_812 = vector.shape_cast %swap3A_811 : vector<1x16xi32> to vector<16xi32>
    %swap3A_813 = vector.shape_cast %select_n3A_807 : vector<16xi32> to vector<1x16xi32>
    tpu.vector_store %arg7[%swap3A_809, %swap3A_810], %swap3A_813 {strides = array<i32>} : memref<28x32xi32, #tpu.memory_space<vmem>>, vector<1x16xi32>,
    %jit3A_814 = arith.constant 175 : i32
    %broadcast_in_dim3A_815 = vector.broadcast %jit3A_814 : i32 to vector<16xi32>
    %select_n3A_816 = arith.select %and3A_749, %add3A_767, %broadcast_in_dim3A_815 : vector<16xi1>, vector<16xi32>
    %swap3A_817 = arith.constant 2 : i32
    %swap3A_818 = arith.index_cast %swap3A_817 : i32 to index
    %swap3A_819 = arith.constant 16 : index
    %swap3A_820 = tpu.vector_load %arg7[%swap3A_818, %swap3A_819] {strides = array<i32>} : memref<28x32xi32, #tpu.memory_space<vmem>>, vector<1x16xi32>,
    %swap3A_821 = vector.shape_cast %swap3A_820 : vector<1x16xi32> to vector<16xi32>
    %swap3A_822 = vector.shape_cast %select_n3A_816 : vector<16xi32> to vector<1x16xi32>
    tpu.vector_store %arg7[%swap3A_818, %swap3A_819], %swap3A_822 {strides = array<i32>} : memref<28x32xi32, #tpu.memory_space<vmem>>, vector<1x16xi32>,
    %jit3A_823 = arith.constant 175 : i32
    %broadcast_in_dim3A_824 = vector.broadcast %jit3A_823 : i32 to vector<16xi32>
    %select_n3A_825 = arith.select %and3A_749, %add3A_774, %broadcast_in_dim3A_824 : vector<16xi1>, vector<16xi32>
    %swap3A_826 = arith.constant 3 : i32
    %swap3A_827 = arith.index_cast %swap3A_826 : i32 to index
    %swap3A_828 = arith.constant 16 : index
    %swap3A_829 = tpu.vector_load %arg7[%swap3A_827, %swap3A_828] {strides = array<i32>} : memref<28x32xi32, #tpu.memory_space<vmem>>, vector<1x16xi32>,
    %swap3A_830 = vector.shape_cast %swap3A_829 : vector<1x16xi32> to vector<16xi32>
    %swap3A_831 = vector.shape_cast %select_n3A_825 : vector<16xi32> to vector<1x16xi32>
    tpu.vector_store %arg7[%swap3A_827, %swap3A_828], %swap3A_831 {strides = array<i32>} : memref<28x32xi32, #tpu.memory_space<vmem>>, vector<1x16xi32>,
    %jit3A_832 = arith.constant 175 : i32
    %broadcast_in_dim3A_833 = vector.broadcast %jit3A_832 : i32 to vector<16xi32>
    %select_n3A_834 = arith.select %and3A_749, %add3A_781, %broadcast_in_dim3A_833 : vector<16xi1>, vector<16xi32>
    %swap3A_835 = arith.constant 4 : i32
    %swap3A_836 = arith.index_cast %swap3A_835 : i32 to index
    %swap3A_837 = arith.constant 16 : index
    %swap3A_838 = tpu.vector_load %arg7[%swap3A_836, %swap3A_837] {strides = array<i32>} : memref<28x32xi32, #tpu.memory_space<vmem>>, vector<1x16xi32>,
    %swap3A_839 = vector.shape_cast %swap3A_838 : vector<1x16xi32> to vector<16xi32>
    %swap3A_840 = vector.shape_cast %select_n3A_834 : vector<16xi32> to vector<1x16xi32>
    tpu.vector_store %arg7[%swap3A_836, %swap3A_837], %swap3A_840 {strides = array<i32>} : memref<28x32xi32, #tpu.memory_space<vmem>>, vector<1x16xi32>,
    %jit3A_841 = arith.constant 175 : i32
    %broadcast_in_dim3A_842 = vector.broadcast %jit3A_841 : i32 to vector<16xi32>
    %select_n3A_843 = arith.select %and3A_749, %add3A_788, %broadcast_in_dim3A_842 : vector<16xi1>, vector<16xi32>
    %swap3A_844 = arith.constant 5 : i32
    %swap3A_845 = arith.index_cast %swap3A_844 : i32 to index
    %swap3A_846 = arith.constant 16 : index
    %swap3A_847 = tpu.vector_load %arg7[%swap3A_845, %swap3A_846] {strides = array<i32>} : memref<28x32xi32, #tpu.memory_space<vmem>>, vector<1x16xi32>,
    %swap3A_848 = vector.shape_cast %swap3A_847 : vector<1x16xi32> to vector<16xi32>
    %swap3A_849 = vector.shape_cast %select_n3A_843 : vector<16xi32> to vector<1x16xi32>
    tpu.vector_store %arg7[%swap3A_845, %swap3A_846], %swap3A_849 {strides = array<i32>} : memref<28x32xi32, #tpu.memory_space<vmem>>, vector<1x16xi32>,
    %jit3A_850 = arith.constant 175 : i32
    %broadcast_in_dim3A_851 = vector.broadcast %jit3A_850 : i32 to vector<16xi32>
    %select_n3A_852 = arith.select %and3A_749, %add3A_795, %broadcast_in_dim3A_851 : vector<16xi1>, vector<16xi32>
    %swap3A_853 = arith.constant 6 : i32
    %swap3A_854 = arith.index_cast %swap3A_853 : i32 to index
    %swap3A_855 = arith.constant 16 : index
    %swap3A_856 = tpu.vector_load %arg7[%swap3A_854, %swap3A_855] {strides = array<i32>} : memref<28x32xi32, #tpu.memory_space<vmem>>, vector<1x16xi32>,
    %swap3A_857 = vector.shape_cast %swap3A_856 : vector<1x16xi32> to vector<16xi32>
    %swap3A_858 = vector.shape_cast %select_n3A_852 : vector<16xi32> to vector<1x16xi32>
    tpu.vector_store %arg7[%swap3A_854, %swap3A_855], %swap3A_858 {strides = array<i32>} : memref<28x32xi32, #tpu.memory_space<vmem>>, vector<1x16xi32>,
    %ne3A_859 = arith.cmpi ne, %get3A_594, %get3A_599 : vector<16xi32>
    %ne3A_860 = arith.cmpi ne, %get3A_594, %get3A_604 : vector<16xi32>
    %and3A_861 = arith.andi %ne3A_859, %ne3A_860 : vector<16xi1>
    %mul3A_862 = arith.constant 176 : i32
    %mul3A_863 = vector.broadcast %mul3A_862 : i32 to vector<16xi32>
    %mul3A_864 = arith.muli %get3A_594, %mul3A_863 : vector<16xi32>
    %add3A_865 = arith.addi %mul3A_864, %get3A_614 : vector<16xi32>
    %add3A_866 = arith.constant 25 : i32
    %add3A_867 = vector.broadcast %add3A_866 : i32 to vector<16xi32>
    %add3A_868 = arith.addi %mul3A_864, %add3A_867 : vector<16xi32>
    %add3A_869 = arith.constant 0 : i32
    %add3A_870 = vector.broadcast %add3A_869 : i32 to vector<16xi32>
    %add3A_871 = arith.addi %add3A_868, %add3A_870 : vector<16xi32>
    %add3A_872 = arith.addi %add3A_871, %get3A_644 : vector<16xi32>
    %add3A_873 = arith.constant 25 : i32
    %add3A_874 = vector.broadcast %add3A_873 : i32 to vector<16xi32>
    %add3A_875 = arith.addi %mul3A_864, %add3A_874 : vector<16xi32>
    %add3A_876 = arith.constant 25 : i32
    %add3A_877 = vector.broadcast %add3A_876 : i32 to vector<16xi32>
    %add3A_878 = arith.addi %add3A_875, %add3A_877 : vector<16xi32>
    %add3A_879 = arith.addi %add3A_878, %get3A_649 : vector<16xi32>
    %add3A_880 = arith.constant 25 : i32
    %add3A_881 = vector.broadcast %add3A_880 : i32 to vector<16xi32>
    %add3A_882 = arith.addi %mul3A_864, %add3A_881 : vector<16xi32>
    %add3A_883 = arith.constant 50 : i32
    %add3A_884 = vector.broadcast %add3A_883 : i32 to vector<16xi32>
    %add3A_885 = arith.addi %add3A_882, %add3A_884 : vector<16xi32>
    %add3A_886 = arith.addi %add3A_885, %get3A_654 : vector<16xi32>
    %add3A_887 = arith.constant 100 : i32
    %add3A_888 = vector.broadcast %add3A_887 : i32 to vector<16xi32>
    %add3A_889 = arith.addi %mul3A_864, %add3A_888 : vector<16xi32>
    %add3A_890 = arith.constant 0 : i32
    %add3A_891 = vector.broadcast %add3A_890 : i32 to vector<16xi32>
    %add3A_892 = arith.addi %add3A_889, %add3A_891 : vector<16xi32>
    %add3A_893 = arith.addi %add3A_892, %get3A_704 : vector<16xi32>
    %add3A_894 = arith.constant 100 : i32
    %add3A_895 = vector.broadcast %add3A_894 : i32 to vector<16xi32>
    %add3A_896 = arith.addi %mul3A_864, %add3A_895 : vector<16xi32>
    %add3A_897 = arith.constant 25 : i32
    %add3A_898 = vector.broadcast %add3A_897 : i32 to vector<16xi32>
    %add3A_899 = arith.addi %add3A_896, %add3A_898 : vector<16xi32>
    %add3A_900 = arith.addi %add3A_899, %get3A_709 : vector<16xi32>
    %add3A_901 = arith.constant 100 : i32
    %add3A_902 = vector.broadcast %add3A_901 : i32 to vector<16xi32>
    %add3A_903 = arith.addi %mul3A_864, %add3A_902 : vector<16xi32>
    %add3A_904 = arith.constant 50 : i32
    %add3A_905 = vector.broadcast %add3A_904 : i32 to vector<16xi32>
    %add3A_906 = arith.addi %add3A_903, %add3A_905 : vector<16xi32>
    %add3A_907 = arith.addi %add3A_906, %get3A_714 : vector<16xi32>
    %jit3A_908 = arith.constant 175 : i32
    %broadcast_in_dim3A_909 = vector.broadcast %jit3A_908 : i32 to vector<16xi32>
    %select_n3A_910 = arith.select %and3A_861, %add3A_865, %broadcast_in_dim3A_909 : vector<16xi1>, vector<16xi32>
    %swap3A_911 = arith.constant 7 : i32
    %swap3A_912 = arith.index_cast %swap3A_911 : i32 to index
    %swap3A_913 = arith.constant 16 : index
    %swap3A_914 = tpu.vector_load %arg7[%swap3A_912, %swap3A_913] {strides = array<i32>} : memref<28x32xi32, #tpu.memory_space<vmem>>, vector<1x16xi32>,
    %swap3A_915 = vector.shape_cast %swap3A_914 : vector<1x16xi32> to vector<16xi32>
    %swap3A_916 = vector.shape_cast %select_n3A_910 : vector<16xi32> to vector<1x16xi32>
    tpu.vector_store %arg7[%swap3A_912, %swap3A_913], %swap3A_916 {strides = array<i32>} : memref<28x32xi32, #tpu.memory_space<vmem>>, vector<1x16xi32>,
    %jit3A_917 = arith.constant 175 : i32
    %broadcast_in_dim3A_918 = vector.broadcast %jit3A_917 : i32 to vector<16xi32>
    %select_n3A_919 = arith.select %and3A_861, %add3A_872, %broadcast_in_dim3A_918 : vector<16xi1>, vector<16xi32>
    %swap3A_920 = arith.constant 8 : i32
    %swap3A_921 = arith.index_cast %swap3A_920 : i32 to index
    %swap3A_922 = arith.constant 16 : index
    %swap3A_923 = tpu.vector_load %arg7[%swap3A_921, %swap3A_922] {strides = array<i32>} : memref<28x32xi32, #tpu.memory_space<vmem>>, vector<1x16xi32>,
    %swap3A_924 = vector.shape_cast %swap3A_923 : vector<1x16xi32> to vector<16xi32>
    %swap3A_925 = vector.shape_cast %select_n3A_919 : vector<16xi32> to vector<1x16xi32>
    tpu.vector_store %arg7[%swap3A_921, %swap3A_922], %swap3A_925 {strides = array<i32>} : memref<28x32xi32, #tpu.memory_space<vmem>>, vector<1x16xi32>,
    %jit3A_926 = arith.constant 175 : i32
    %broadcast_in_dim3A_927 = vector.broadcast %jit3A_926 : i32 to vector<16xi32>
    %select_n3A_928 = arith.select %and3A_861, %add3A_879, %broadcast_in_dim3A_927 : vector<16xi1>, vector<16xi32>
    %swap3A_929 = arith.constant 9 : i32
    %swap3A_930 = arith.index_cast %swap3A_929 : i32 to index
    %swap3A_931 = arith.constant 16 : index
    %swap3A_932 = tpu.vector_load %arg7[%swap3A_930, %swap3A_931] {strides = array<i32>} : memref<28x32xi32, #tpu.memory_space<vmem>>, vector<1x16xi32>,
    %swap3A_933 = vector.shape_cast %swap3A_932 : vector<1x16xi32> to vector<16xi32>
    %swap3A_934 = vector.shape_cast %select_n3A_928 : vector<16xi32> to vector<1x16xi32>
    tpu.vector_store %arg7[%swap3A_930, %swap3A_931], %swap3A_934 {strides = array<i32>} : memref<28x32xi32, #tpu.memory_space<vmem>>, vector<1x16xi32>,
    %jit3A_935 = arith.constant 175 : i32
    %broadcast_in_dim3A_936 = vector.broadcast %jit3A_935 : i32 to vector<16xi32>
    %select_n3A_937 = arith.select %and3A_861, %add3A_886, %broadcast_in_dim3A_936 : vector<16xi1>, vector<16xi32>
    %swap3A_938 = arith.constant 10 : i32
    %swap3A_939 = arith.index_cast %swap3A_938 : i32 to index
    %swap3A_940 = arith.constant 16 : index
    %swap3A_941 = tpu.vector_load %arg7[%swap3A_939, %swap3A_940] {strides = array<i32>} : memref<28x32xi32, #tpu.memory_space<vmem>>, vector<1x16xi32>,
    %swap3A_942 = vector.shape_cast %swap3A_941 : vector<1x16xi32> to vector<16xi32>
    %swap3A_943 = vector.shape_cast %select_n3A_937 : vector<16xi32> to vector<1x16xi32>
    tpu.vector_store %arg7[%swap3A_939, %swap3A_940], %swap3A_943 {strides = array<i32>} : memref<28x32xi32, #tpu.memory_space<vmem>>, vector<1x16xi32>,
    %jit3A_944 = arith.constant 175 : i32
    %broadcast_in_dim3A_945 = vector.broadcast %jit3A_944 : i32 to vector<16xi32>
    %select_n3A_946 = arith.select %and3A_861, %add3A_893, %broadcast_in_dim3A_945 : vector<16xi1>, vector<16xi32>
    %swap3A_947 = arith.constant 11 : i32
    %swap3A_948 = arith.index_cast %swap3A_947 : i32 to index
    %swap3A_949 = arith.constant 16 : index
    %swap3A_950 = tpu.vector_load %arg7[%swap3A_948, %swap3A_949] {strides = array<i32>} : memref<28x32xi32, #tpu.memory_space<vmem>>, vector<1x16xi32>,
    %swap3A_951 = vector.shape_cast %swap3A_950 : vector<1x16xi32> to vector<16xi32>
    %swap3A_952 = vector.shape_cast %select_n3A_946 : vector<16xi32> to vector<1x16xi32>
    tpu.vector_store %arg7[%swap3A_948, %swap3A_949], %swap3A_952 {strides = array<i32>} : memref<28x32xi32, #tpu.memory_space<vmem>>, vector<1x16xi32>,
    %jit3A_953 = arith.constant 175 : i32
    %broadcast_in_dim3A_954 = vector.broadcast %jit3A_953 : i32 to vector<16xi32>
    %select_n3A_955 = arith.select %and3A_861, %add3A_900, %broadcast_in_dim3A_954 : vector<16xi1>, vector<16xi32>
    %swap3A_956 = arith.constant 12 : i32
    %swap3A_957 = arith.index_cast %swap3A_956 : i32 to index
    %swap3A_958 = arith.constant 16 : index
    %swap3A_959 = tpu.vector_load %arg7[%swap3A_957, %swap3A_958] {strides = array<i32>} : memref<28x32xi32, #tpu.memory_space<vmem>>, vector<1x16xi32>,
    %swap3A_960 = vector.shape_cast %swap3A_959 : vector<1x16xi32> to vector<16xi32>
    %swap3A_961 = vector.shape_cast %select_n3A_955 : vector<16xi32> to vector<1x16xi32>
    tpu.vector_store %arg7[%swap3A_957, %swap3A_958], %swap3A_961 {strides = array<i32>} : memref<28x32xi32, #tpu.memory_space<vmem>>, vector<1x16xi32>,
    %jit3A_962 = arith.constant 175 : i32
    %broadcast_in_dim3A_963 = vector.broadcast %jit3A_962 : i32 to vector<16xi32>
    %select_n3A_964 = arith.select %and3A_861, %add3A_907, %broadcast_in_dim3A_963 : vector<16xi1>, vector<16xi32>
    %swap3A_965 = arith.constant 13 : i32
    %swap3A_966 = arith.index_cast %swap3A_965 : i32 to index
    %swap3A_967 = arith.constant 16 : index
    %swap3A_968 = tpu.vector_load %arg7[%swap3A_966, %swap3A_967] {strides = array<i32>} : memref<28x32xi32, #tpu.memory_space<vmem>>, vector<1x16xi32>,
    %swap3A_969 = vector.shape_cast %swap3A_968 : vector<1x16xi32> to vector<16xi32>
    %swap3A_970 = vector.shape_cast %select_n3A_964 : vector<16xi32> to vector<1x16xi32>
    tpu.vector_store %arg7[%swap3A_966, %swap3A_967], %swap3A_970 {strides = array<i32>} : memref<28x32xi32, #tpu.memory_space<vmem>>, vector<1x16xi32>,
    %ne3A_971 = arith.cmpi ne, %get3A_599, %get3A_604 : vector<16xi32>
    %mul3A_972 = arith.constant 176 : i32
    %mul3A_973 = vector.broadcast %mul3A_972 : i32 to vector<16xi32>
    %mul3A_974 = arith.muli %get3A_599, %mul3A_973 : vector<16xi32>
    %add3A_975 = arith.addi %mul3A_974, %get3A_619 : vector<16xi32>
    %add3A_976 = arith.constant 25 : i32
    %add3A_977 = vector.broadcast %add3A_976 : i32 to vector<16xi32>
    %add3A_978 = arith.addi %mul3A_974, %add3A_977 : vector<16xi32>
    %add3A_979 = arith.constant 0 : i32
    %add3A_980 = vector.broadcast %add3A_979 : i32 to vector<16xi32>
    %add3A_981 = arith.addi %add3A_978, %add3A_980 : vector<16xi32>
    %add3A_982 = arith.addi %add3A_981, %get3A_659 : vector<16xi32>
    %add3A_983 = arith.constant 25 : i32
    %add3A_984 = vector.broadcast %add3A_983 : i32 to vector<16xi32>
    %add3A_985 = arith.addi %mul3A_974, %add3A_984 : vector<16xi32>
    %add3A_986 = arith.constant 25 : i32
    %add3A_987 = vector.broadcast %add3A_986 : i32 to vector<16xi32>
    %add3A_988 = arith.addi %add3A_985, %add3A_987 : vector<16xi32>
    %add3A_989 = arith.addi %add3A_988, %get3A_664 : vector<16xi32>
    %add3A_990 = arith.constant 25 : i32
    %add3A_991 = vector.broadcast %add3A_990 : i32 to vector<16xi32>
    %add3A_992 = arith.addi %mul3A_974, %add3A_991 : vector<16xi32>
    %add3A_993 = arith.constant 50 : i32
    %add3A_994 = vector.broadcast %add3A_993 : i32 to vector<16xi32>
    %add3A_995 = arith.addi %add3A_992, %add3A_994 : vector<16xi32>
    %add3A_996 = arith.addi %add3A_995, %get3A_669 : vector<16xi32>
    %add3A_997 = arith.constant 100 : i32
    %add3A_998 = vector.broadcast %add3A_997 : i32 to vector<16xi32>
    %add3A_999 = arith.addi %mul3A_974, %add3A_998 : vector<16xi32>
    %add3A_1000 = arith.constant 0 : i32
    %add3A_1001 = vector.broadcast %add3A_1000 : i32 to vector<16xi32>
    %add3A_1002 = arith.addi %add3A_999, %add3A_1001 : vector<16xi32>
    %add3A_1003 = arith.addi %add3A_1002, %get3A_719 : vector<16xi32>
    %add3A_1004 = arith.constant 100 : i32
    %add3A_1005 = vector.broadcast %add3A_1004 : i32 to vector<16xi32>
    %add3A_1006 = arith.addi %mul3A_974, %add3A_1005 : vector<16xi32>
    %add3A_1007 = arith.constant 25 : i32
    %add3A_1008 = vector.broadcast %add3A_1007 : i32 to vector<16xi32>
    %add3A_1009 = arith.addi %add3A_1006, %add3A_1008 : vector<16xi32>
    %add3A_1010 = arith.addi %add3A_1009, %get3A_724 : vector<16xi32>
    %add3A_1011 = arith.constant 100 : i32
    %add3A_1012 = vector.broadcast %add3A_1011 : i32 to vector<16xi32>
    %add3A_1013 = arith.addi %mul3A_974, %add3A_1012 : vector<16xi32>
    %add3A_1014 = arith.constant 50 : i32
    %add3A_1015 = vector.broadcast %add3A_1014 : i32 to vector<16xi32>
    %add3A_1016 = arith.addi %add3A_1013, %add3A_1015 : vector<16xi32>
    %add3A_1017 = arith.addi %add3A_1016, %get3A_729 : vector<16xi32>
    %jit3A_1018 = arith.constant 175 : i32
    %broadcast_in_dim3A_1019 = vector.broadcast %jit3A_1018 : i32 to vector<16xi32>
    %select_n3A_1020 = arith.select %ne3A_971, %add3A_975, %broadcast_in_dim3A_1019 : vector<16xi1>, vector<16xi32>
    %swap3A_1021 = arith.constant 14 : i32
    %swap3A_1022 = arith.index_cast %swap3A_1021 : i32 to index
    %swap3A_1023 = arith.constant 16 : index
    %swap3A_1024 = tpu.vector_load %arg7[%swap3A_1022, %swap3A_1023] {strides = array<i32>} : memref<28x32xi32, #tpu.memory_space<vmem>>, vector<1x16xi32>,
    %swap3A_1025 = vector.shape_cast %swap3A_1024 : vector<1x16xi32> to vector<16xi32>
    %swap3A_1026 = vector.shape_cast %select_n3A_1020 : vector<16xi32> to vector<1x16xi32>
    tpu.vector_store %arg7[%swap3A_1022, %swap3A_1023], %swap3A_1026 {strides = array<i32>} : memref<28x32xi32, #tpu.memory_space<vmem>>, vector<1x16xi32>,
    %jit3A_1027 = arith.constant 175 : i32
    %broadcast_in_dim3A_1028 = vector.broadcast %jit3A_1027 : i32 to vector<16xi32>
    %select_n3A_1029 = arith.select %ne3A_971, %add3A_982, %broadcast_in_dim3A_1028 : vector<16xi1>, vector<16xi32>
    %swap3A_1030 = arith.constant 15 : i32
    %swap3A_1031 = arith.index_cast %swap3A_1030 : i32 to index
    %swap3A_1032 = arith.constant 16 : index
    %swap3A_1033 = tpu.vector_load %arg7[%swap3A_1031, %swap3A_1032] {strides = array<i32>} : memref<28x32xi32, #tpu.memory_space<vmem>>, vector<1x16xi32>,
    %swap3A_1034 = vector.shape_cast %swap3A_1033 : vector<1x16xi32> to vector<16xi32>
    %swap3A_1035 = vector.shape_cast %select_n3A_1029 : vector<16xi32> to vector<1x16xi32>
    tpu.vector_store %arg7[%swap3A_1031, %swap3A_1032], %swap3A_1035 {strides = array<i32>} : memref<28x32xi32, #tpu.memory_space<vmem>>, vector<1x16xi32>,
    %jit3A_1036 = arith.constant 175 : i32
    %broadcast_in_dim3A_1037 = vector.broadcast %jit3A_1036 : i32 to vector<16xi32>
    %select_n3A_1038 = arith.select %ne3A_971, %add3A_989, %broadcast_in_dim3A_1037 : vector<16xi1>, vector<16xi32>
    %swap3A_1039 = arith.constant 16 : i32
    %swap3A_1040 = arith.index_cast %swap3A_1039 : i32 to index
    %swap3A_1041 = arith.constant 16 : index
    %swap3A_1042 = tpu.vector_load %arg7[%swap3A_1040, %swap3A_1041] {strides = array<i32>} : memref<28x32xi32, #tpu.memory_space<vmem>>, vector<1x16xi32>,
    %swap3A_1043 = vector.shape_cast %swap3A_1042 : vector<1x16xi32> to vector<16xi32>
    %swap3A_1044 = vector.shape_cast %select_n3A_1038 : vector<16xi32> to vector<1x16xi32>
    tpu.vector_store %arg7[%swap3A_1040, %swap3A_1041], %swap3A_1044 {strides = array<i32>} : memref<28x32xi32, #tpu.memory_space<vmem>>, vector<1x16xi32>,
    %jit3A_1045 = arith.constant 175 : i32
    %broadcast_in_dim3A_1046 = vector.broadcast %jit3A_1045 : i32 to vector<16xi32>
    %select_n3A_1047 = arith.select %ne3A_971, %add3A_996, %broadcast_in_dim3A_1046 : vector<16xi1>, vector<16xi32>
    %swap3A_1048 = arith.constant 17 : i32
    %swap3A_1049 = arith.index_cast %swap3A_1048 : i32 to index
    %swap3A_1050 = arith.constant 16 : index
    %swap3A_1051 = tpu.vector_load %arg7[%swap3A_1049, %swap3A_1050] {strides = array<i32>} : memref<28x32xi32, #tpu.memory_space<vmem>>, vector<1x16xi32>,
    %swap3A_1052 = vector.shape_cast %swap3A_1051 : vector<1x16xi32> to vector<16xi32>
    %swap3A_1053 = vector.shape_cast %select_n3A_1047 : vector<16xi32> to vector<1x16xi32>
    tpu.vector_store %arg7[%swap3A_1049, %swap3A_1050], %swap3A_1053 {strides = array<i32>} : memref<28x32xi32, #tpu.memory_space<vmem>>, vector<1x16xi32>,
    %jit3A_1054 = arith.constant 175 : i32
    %broadcast_in_dim3A_1055 = vector.broadcast %jit3A_1054 : i32 to vector<16xi32>
    %select_n3A_1056 = arith.select %ne3A_971, %add3A_1003, %broadcast_in_dim3A_1055 : vector<16xi1>, vector<16xi32>
    %swap3A_1057 = arith.constant 18 : i32
    %swap3A_1058 = arith.index_cast %swap3A_1057 : i32 to index
    %swap3A_1059 = arith.constant 16 : index
    %swap3A_1060 = tpu.vector_load %arg7[%swap3A_1058, %swap3A_1059] {strides = array<i32>} : memref<28x32xi32, #tpu.memory_space<vmem>>, vector<1x16xi32>,
    %swap3A_1061 = vector.shape_cast %swap3A_1060 : vector<1x16xi32> to vector<16xi32>
    %swap3A_1062 = vector.shape_cast %select_n3A_1056 : vector<16xi32> to vector<1x16xi32>
    tpu.vector_store %arg7[%swap3A_1058, %swap3A_1059], %swap3A_1062 {strides = array<i32>} : memref<28x32xi32, #tpu.memory_space<vmem>>, vector<1x16xi32>,
    %jit3A_1063 = arith.constant 175 : i32
    %broadcast_in_dim3A_1064 = vector.broadcast %jit3A_1063 : i32 to vector<16xi32>
    %select_n3A_1065 = arith.select %ne3A_971, %add3A_1010, %broadcast_in_dim3A_1064 : vector<16xi1>, vector<16xi32>
    %swap3A_1066 = arith.constant 19 : i32
    %swap3A_1067 = arith.index_cast %swap3A_1066 : i32 to index
    %swap3A_1068 = arith.constant 16 : index
    %swap3A_1069 = tpu.vector_load %arg7[%swap3A_1067, %swap3A_1068] {strides = array<i32>} : memref<28x32xi32, #tpu.memory_space<vmem>>, vector<1x16xi32>,
    %swap3A_1070 = vector.shape_cast %swap3A_1069 : vector<1x16xi32> to vector<16xi32>
    %swap3A_1071 = vector.shape_cast %select_n3A_1065 : vector<16xi32> to vector<1x16xi32>
    tpu.vector_store %arg7[%swap3A_1067, %swap3A_1068], %swap3A_1071 {strides = array<i32>} : memref<28x32xi32, #tpu.memory_space<vmem>>, vector<1x16xi32>,
    %jit3A_1072 = arith.constant 175 : i32
    %broadcast_in_dim3A_1073 = vector.broadcast %jit3A_1072 : i32 to vector<16xi32>
    %select_n3A_1074 = arith.select %ne3A_971, %add3A_1017, %broadcast_in_dim3A_1073 : vector<16xi1>, vector<16xi32>
    %swap3A_1075 = arith.constant 20 : i32
    %swap3A_1076 = arith.index_cast %swap3A_1075 : i32 to index
    %swap3A_1077 = arith.constant 16 : index
    %swap3A_1078 = tpu.vector_load %arg7[%swap3A_1076, %swap3A_1077] {strides = array<i32>} : memref<28x32xi32, #tpu.memory_space<vmem>>, vector<1x16xi32>,
    %swap3A_1079 = vector.shape_cast %swap3A_1078 : vector<1x16xi32> to vector<16xi32>
    %swap3A_1080 = vector.shape_cast %select_n3A_1074 : vector<16xi32> to vector<1x16xi32>
    tpu.vector_store %arg7[%swap3A_1076, %swap3A_1077], %swap3A_1080 {strides = array<i32>} : memref<28x32xi32, #tpu.memory_space<vmem>>, vector<1x16xi32>,
    %mul3A_1081 = arith.constant 176 : i32
    %mul3A_1082 = vector.broadcast %mul3A_1081 : i32 to vector<16xi32>
    %mul3A_1083 = arith.muli %get3A_604, %mul3A_1082 : vector<16xi32>
    %add3A_1084 = arith.addi %mul3A_1083, %get3A_624 : vector<16xi32>
    %add3A_1085 = arith.constant 25 : i32
    %add3A_1086 = vector.broadcast %add3A_1085 : i32 to vector<16xi32>
    %add3A_1087 = arith.addi %mul3A_1083, %add3A_1086 : vector<16xi32>
    %add3A_1088 = arith.constant 0 : i32
    %add3A_1089 = vector.broadcast %add3A_1088 : i32 to vector<16xi32>
    %add3A_1090 = arith.addi %add3A_1087, %add3A_1089 : vector<16xi32>
    %add3A_1091 = arith.addi %add3A_1090, %get3A_674 : vector<16xi32>
    %add3A_1092 = arith.constant 25 : i32
    %add3A_1093 = vector.broadcast %add3A_1092 : i32 to vector<16xi32>
    %add3A_1094 = arith.addi %mul3A_1083, %add3A_1093 : vector<16xi32>
    %add3A_1095 = arith.constant 25 : i32
    %add3A_1096 = vector.broadcast %add3A_1095 : i32 to vector<16xi32>
    %add3A_1097 = arith.addi %add3A_1094, %add3A_1096 : vector<16xi32>
    %add3A_1098 = arith.addi %add3A_1097, %get3A_679 : vector<16xi32>
    %add3A_1099 = arith.constant 25 : i32
    %add3A_1100 = vector.broadcast %add3A_1099 : i32 to vector<16xi32>
    %add3A_1101 = arith.addi %mul3A_1083, %add3A_1100 : vector<16xi32>
    %add3A_1102 = arith.constant 50 : i32
    %add3A_1103 = vector.broadcast %add3A_1102 : i32 to vector<16xi32>
    %add3A_1104 = arith.addi %add3A_1101, %add3A_1103 : vector<16xi32>
    %add3A_1105 = arith.addi %add3A_1104, %get3A_684 : vector<16xi32>
    %add3A_1106 = arith.constant 100 : i32
    %add3A_1107 = vector.broadcast %add3A_1106 : i32 to vector<16xi32>
    %add3A_1108 = arith.addi %mul3A_1083, %add3A_1107 : vector<16xi32>
    %add3A_1109 = arith.constant 0 : i32
    %add3A_1110 = vector.broadcast %add3A_1109 : i32 to vector<16xi32>
    %add3A_1111 = arith.addi %add3A_1108, %add3A_1110 : vector<16xi32>
    %add3A_1112 = arith.addi %add3A_1111, %get3A_734 : vector<16xi32>
    %add3A_1113 = arith.constant 100 : i32
    %add3A_1114 = vector.broadcast %add3A_1113 : i32 to vector<16xi32>
    %add3A_1115 = arith.addi %mul3A_1083, %add3A_1114 : vector<16xi32>
    %add3A_1116 = arith.constant 25 : i32
    %add3A_1117 = vector.broadcast %add3A_1116 : i32 to vector<16xi32>
    %add3A_1118 = arith.addi %add3A_1115, %add3A_1117 : vector<16xi32>
    %add3A_1119 = arith.addi %add3A_1118, %get3A_739 : vector<16xi32>
    %add3A_1120 = arith.constant 100 : i32
    %add3A_1121 = vector.broadcast %add3A_1120 : i32 to vector<16xi32>
    %add3A_1122 = arith.addi %mul3A_1083, %add3A_1121 : vector<16xi32>
    %add3A_1123 = arith.constant 50 : i32
    %add3A_1124 = vector.broadcast %add3A_1123 : i32 to vector<16xi32>
    %add3A_1125 = arith.addi %add3A_1122, %add3A_1124 : vector<16xi32>
    %add3A_1126 = arith.addi %add3A_1125, %get3A_744 : vector<16xi32>
    %swap3A_1127 = arith.constant 21 : i32
    %swap3A_1128 = arith.index_cast %swap3A_1127 : i32 to index
    %swap3A_1129 = arith.constant 16 : index
    %swap3A_1130 = tpu.vector_load %arg7[%swap3A_1128, %swap3A_1129] {strides = array<i32>} : memref<28x32xi32, #tpu.memory_space<vmem>>, vector<1x16xi32>,
    %swap3A_1131 = vector.shape_cast %swap3A_1130 : vector<1x16xi32> to vector<16xi32>
    %swap3A_1132 = vector.shape_cast %add3A_1084 : vector<16xi32> to vector<1x16xi32>
    tpu.vector_store %arg7[%swap3A_1128, %swap3A_1129], %swap3A_1132 {strides = array<i32>} : memref<28x32xi32, #tpu.memory_space<vmem>>, vector<1x16xi32>,
    %swap3A_1133 = arith.constant 22 : i32
    %swap3A_1134 = arith.index_cast %swap3A_1133 : i32 to index
    %swap3A_1135 = arith.constant 16 : index
    %swap3A_1136 = tpu.vector_load %arg7[%swap3A_1134, %swap3A_1135] {strides = array<i32>} : memref<28x32xi32, #tpu.memory_space<vmem>>, vector<1x16xi32>,
    %swap3A_1137 = vector.shape_cast %swap3A_1136 : vector<1x16xi32> to vector<16xi32>
    %swap3A_1138 = vector.shape_cast %add3A_1091 : vector<16xi32> to vector<1x16xi32>
    tpu.vector_store %arg7[%swap3A_1134, %swap3A_1135], %swap3A_1138 {strides = array<i32>} : memref<28x32xi32, #tpu.memory_space<vmem>>, vector<1x16xi32>,
    %swap3A_1139 = arith.constant 23 : i32
    %swap3A_1140 = arith.index_cast %swap3A_1139 : i32 to index
    %swap3A_1141 = arith.constant 16 : index
    %swap3A_1142 = tpu.vector_load %arg7[%swap3A_1140, %swap3A_1141] {strides = array<i32>} : memref<28x32xi32, #tpu.memory_space<vmem>>, vector<1x16xi32>,
    %swap3A_1143 = vector.shape_cast %swap3A_1142 : vector<1x16xi32> to vector<16xi32>
    %swap3A_1144 = vector.shape_cast %add3A_1098 : vector<16xi32> to vector<1x16xi32>
    tpu.vector_store %arg7[%swap3A_1140, %swap3A_1141], %swap3A_1144 {strides = array<i32>} : memref<28x32xi32, #tpu.memory_space<vmem>>, vector<1x16xi32>,
    %swap3A_1145 = arith.constant 24 : i32
    %swap3A_1146 = arith.index_cast %swap3A_1145 : i32 to index
    %swap3A_1147 = arith.constant 16 : index
    %swap3A_1148 = tpu.vector_load %arg7[%swap3A_1146, %swap3A_1147] {strides = array<i32>} : memref<28x32xi32, #tpu.memory_space<vmem>>, vector<1x16xi32>,
    %swap3A_1149 = vector.shape_cast %swap3A_1148 : vector<1x16xi32> to vector<16xi32>
    %swap3A_1150 = vector.shape_cast %add3A_1105 : vector<16xi32> to vector<1x16xi32>
    tpu.vector_store %arg7[%swap3A_1146, %swap3A_1147], %swap3A_1150 {strides = array<i32>} : memref<28x32xi32, #tpu.memory_space<vmem>>, vector<1x16xi32>,
    %swap3A_1151 = arith.constant 25 : i32
    %swap3A_1152 = arith.index_cast %swap3A_1151 : i32 to index
    %swap3A_1153 = arith.constant 16 : index
    %swap3A_1154 = tpu.vector_load %arg7[%swap3A_1152, %swap3A_1153] {strides = array<i32>} : memref<28x32xi32, #tpu.memory_space<vmem>>, vector<1x16xi32>,
    %swap3A_1155 = vector.shape_cast %swap3A_1154 : vector<1x16xi32> to vector<16xi32>
    %swap3A_1156 = vector.shape_cast %add3A_1112 : vector<16xi32> to vector<1x16xi32>
    tpu.vector_store %arg7[%swap3A_1152, %swap3A_1153], %swap3A_1156 {strides = array<i32>} : memref<28x32xi32, #tpu.memory_space<vmem>>, vector<1x16xi32>,
    %swap3A_1157 = arith.constant 26 : i32
    %swap3A_1158 = arith.index_cast %swap3A_1157 : i32 to index
    %swap3A_1159 = arith.constant 16 : index
    %swap3A_1160 = tpu.vector_load %arg7[%swap3A_1158, %swap3A_1159] {strides = array<i32>} : memref<28x32xi32, #tpu.memory_space<vmem>>, vector<1x16xi32>,
    %swap3A_1161 = vector.shape_cast %swap3A_1160 : vector<1x16xi32> to vector<16xi32>
    %swap3A_1162 = vector.shape_cast %add3A_1119 : vector<16xi32> to vector<1x16xi32>
    tpu.vector_store %arg7[%swap3A_1158, %swap3A_1159], %swap3A_1162 {strides = array<i32>} : memref<28x32xi32, #tpu.memory_space<vmem>>, vector<1x16xi32>,
    %swap3A_1163 = arith.constant 27 : i32
    %swap3A_1164 = arith.index_cast %swap3A_1163 : i32 to index
    %swap3A_1165 = arith.constant 16 : index
    %swap3A_1166 = tpu.vector_load %arg7[%swap3A_1164, %swap3A_1165] {strides = array<i32>} : memref<28x32xi32, #tpu.memory_space<vmem>>, vector<1x16xi32>,
    %swap3A_1167 = vector.shape_cast %swap3A_1166 : vector<1x16xi32> to vector<16xi32>
    %swap3A_1168 = vector.shape_cast %add3A_1126 : vector<16xi32> to vector<1x16xi32>
    tpu.vector_store %arg7[%swap3A_1164, %swap3A_1165], %swap3A_1168 {strides = array<i32>} : memref<28x32xi32, #tpu.memory_space<vmem>>, vector<1x16xi32>,
    %get3A_1169 = arith.constant 0 : index
    %get3A_1170 = tpu.vector_load %arg8[%get3A_1169] {strides = array<i32>} : memref<64xf32, #tpu.memory_space<vmem>>, vector<16xf32>,
    %get3A_1171 = vector.shape_cast %get3A_1170 : vector<16xf32> to vector<16xf32>
    %get3A_1172 = arith.constant 16 : index
    %get3A_1173 = tpu.vector_load %arg8[%get3A_1172] {strides = array<i32>} : memref<64xf32, #tpu.memory_space<vmem>>, vector<16xf32>,
    %get3A_1174 = vector.shape_cast %get3A_1173 : vector<16xf32> to vector<16xf32>
    %get3A_1175 = arith.constant 32 : index
    %get3A_1176 = tpu.vector_load %arg8[%get3A_1175] {strides = array<i32>} : memref<64xf32, #tpu.memory_space<vmem>>, vector<16xf32>,
    %get3A_1177 = vector.shape_cast %get3A_1176 : vector<16xf32> to vector<16xf32>
    %get3A_1178 = arith.constant 48 : index
    %get3A_1179 = tpu.vector_load %arg8[%get3A_1178] {strides = array<i32>} : memref<64xf32, #tpu.memory_space<vmem>>, vector<16xf32>,
    %get3A_1180 = vector.shape_cast %get3A_1179 : vector<16xf32> to vector<16xf32>
    %scan3A = arith.constant 0 : i32
    %scan3A_1181 = arith.constant 0 : i32
    %scan3A_1182 = arith.constant 32 : i32
    %scan3A_1183 = arith.addi %scan3A_1181, %scan3A_1182 : i32
    %scan3A_1184 = arith.constant 1 : i32
    scf.for %scan3A_1583 = %scan3A_1181 to %scan3A_1183 step %scan3A_1184  : i32 {
      %swap3A_1584 = arith.index_cast %scan3A_1583 : i32 to index
      %swap3A_1585 = arith.constant 0 : index
      %swap3A_1586 = tpu.vector_load %arg9[%swap3A_1584, %swap3A_1585] {strides = array<i32>} : memref<32x64xf32, #tpu.memory_space<vmem>>, vector<1x16xf32>,
      %swap3A_1587 = vector.shape_cast %swap3A_1586 : vector<1x16xf32> to vector<16xf32>
      %swap3A_1588 = vector.shape_cast %get3A_1171 : vector<16xf32> to vector<1x16xf32>
      tpu.vector_store %arg9[%swap3A_1584, %swap3A_1585], %swap3A_1588 {strides = array<i32>} : memref<32x64xf32, #tpu.memory_space<vmem>>, vector<1x16xf32>,
      %swap3A_1589 = arith.index_cast %scan3A_1583 : i32 to index
      %swap3A_1590 = arith.constant 16 : index
      %swap3A_1591 = tpu.vector_load %arg9[%swap3A_1589, %swap3A_1590] {strides = array<i32>} : memref<32x64xf32, #tpu.memory_space<vmem>>, vector<1x16xf32>,
      %swap3A_1592 = vector.shape_cast %swap3A_1591 : vector<1x16xf32> to vector<16xf32>
      %swap3A_1593 = vector.shape_cast %get3A_1174 : vector<16xf32> to vector<1x16xf32>
      tpu.vector_store %arg9[%swap3A_1589, %swap3A_1590], %swap3A_1593 {strides = array<i32>} : memref<32x64xf32, #tpu.memory_space<vmem>>, vector<1x16xf32>,
      %swap3A_1594 = arith.index_cast %scan3A_1583 : i32 to index
      %swap3A_1595 = arith.constant 32 : index
      %swap3A_1596 = tpu.vector_load %arg9[%swap3A_1594, %swap3A_1595] {strides = array<i32>} : memref<32x64xf32, #tpu.memory_space<vmem>>, vector<1x16xf32>,
      %swap3A_1597 = vector.shape_cast %swap3A_1596 : vector<1x16xf32> to vector<16xf32>
      %swap3A_1598 = vector.shape_cast %get3A_1177 : vector<16xf32> to vector<1x16xf32>
      tpu.vector_store %arg9[%swap3A_1594, %swap3A_1595], %swap3A_1598 {strides = array<i32>} : memref<32x64xf32, #tpu.memory_space<vmem>>, vector<1x16xf32>,
      %swap3A_1599 = arith.index_cast %scan3A_1583 : i32 to index
      %swap3A_1600 = arith.constant 48 : index
      %swap3A_1601 = tpu.vector_load %arg9[%swap3A_1599, %swap3A_1600] {strides = array<i32>} : memref<32x64xf32, #tpu.memory_space<vmem>>, vector<1x16xf32>,
      %swap3A_1602 = vector.shape_cast %swap3A_1601 : vector<1x16xf32> to vector<16xf32>
      %swap3A_1603 = vector.shape_cast %get3A_1180 : vector<16xf32> to vector<1x16xf32>
      tpu.vector_store %arg9[%swap3A_1599, %swap3A_1600], %swap3A_1603 {strides = array<i32>} : memref<32x64xf32, #tpu.memory_space<vmem>>, vector<1x16xf32>,
    }
    %scan3A_1185 = arith.constant 32 : i32
    %dma_wait3A = arith.constant 0 : i32
    %dma_wait3A_1186 = tpu.memref_slice %arg10[%mul3A_4, %dma_wait3A] : memref<17600x64xf32, #tpu.memory_space<vmem_shared>> -> memref<1100x64xf32, #tpu.memory_space<vmem_shared>>
    %dma_wait3A_1187 = arith.constant 0 : i32
    %dma_wait3A_1188 = tpu.memref_slice %arg3[%mul3A_2, %dma_wait3A_1187] : memref<17600x64xf32, #tpu.memory_space<hbm>> -> memref<1100x64xf32, #tpu.memory_space<hbm>>
    tpu.wait_dma2 semaphore(%arg12 : memref<!tpu.dma_semaphore, #tpu.memory_space<semaphore_mem>>) src(%dma_wait3A_1188 : memref<1100x64xf32, #tpu.memory_space<hbm>>) dst(%dma_wait3A_1186 : memref<1100x64xf32, #tpu.memory_space<vmem_shared>>)
    %barrier3A = arith.constant 0 : index
    tpu.barrier barrier_id(%barrier3A)
    %dma_start3A_1189 = arith.constant 0 : i32
    %dma_start3A_1190 = arith.constant 0 : i32
    %dma_start3A_1191 = tpu.memref_slice %arg7[%dma_start3A_1189, %dma_start3A_1190] : memref<28x32xi32, #tpu.memory_space<vmem>> -> memref<1x32xi32, #tpu.memory_space<vmem>>
    %dma_start3A_1192 = tpu.memref_squeeze %dma_start3A_1191 : memref<1x32xi32, #tpu.memory_space<vmem>> -> memref<32xi32, #tpu.memory_space<vmem>>
    %dma_start3A_1193 = arith.constant 0 : i32
    %dma_start3A_1194 = arith.constant 0 : i32
    %dma_start3A_1195 = tpu.memref_slice %arg10[%dma_start3A_1193, %dma_start3A_1194] : memref<17600x64xf32, #tpu.memory_space<vmem_shared>> -> memref<17600x64xf32, #tpu.memory_space<vmem_shared>>
    tpu.enqueue_indirect_dma source(%dma_start3A_1195 : memref<17600x64xf32, #tpu.memory_space<vmem_shared>>) target(%arg9 : memref<32x64xf32, #tpu.memory_space<vmem>>) offsets(%dma_start3A_1192 : memref<32xi32, #tpu.memory_space<vmem>>) semaphore(%arg11 : memref<!tpu.dma_semaphore, #tpu.memory_space<semaphore_mem>>) {add = true}
    %dma_start3A_1196 = arith.constant 1 : i32
    %dma_start3A_1197 = arith.constant 0 : i32
    %dma_start3A_1198 = tpu.memref_slice %arg7[%dma_start3A_1196, %dma_start3A_1197] : memref<28x32xi32, #tpu.memory_space<vmem>> -> memref<1x32xi32, #tpu.memory_space<vmem>>
    %dma_start3A_1199 = tpu.memref_squeeze %dma_start3A_1198 : memref<1x32xi32, #tpu.memory_space<vmem>> -> memref<32xi32, #tpu.memory_space<vmem>>
    %dma_start3A_1200 = arith.constant 0 : i32
    %dma_start3A_1201 = arith.constant 0 : i32
    %dma_start3A_1202 = tpu.memref_slice %arg10[%dma_start3A_1200, %dma_start3A_1201] : memref<17600x64xf32, #tpu.memory_space<vmem_shared>> -> memref<17600x64xf32, #tpu.memory_space<vmem_shared>>
    tpu.enqueue_indirect_dma source(%dma_start3A_1202 : memref<17600x64xf32, #tpu.memory_space<vmem_shared>>) target(%arg9 : memref<32x64xf32, #tpu.memory_space<vmem>>) offsets(%dma_start3A_1199 : memref<32xi32, #tpu.memory_space<vmem>>) semaphore(%arg11 : memref<!tpu.dma_semaphore, #tpu.memory_space<semaphore_mem>>) {add = true}
    %dma_start3A_1203 = arith.constant 2 : i32
    %dma_start3A_1204 = arith.constant 0 : i32
    %dma_start3A_1205 = tpu.memref_slice %arg7[%dma_start3A_1203, %dma_start3A_1204] : memref<28x32xi32, #tpu.memory_space<vmem>> -> memref<1x32xi32, #tpu.memory_space<vmem>>
    %dma_start3A_1206 = tpu.memref_squeeze %dma_start3A_1205 : memref<1x32xi32, #tpu.memory_space<vmem>> -> memref<32xi32, #tpu.memory_space<vmem>>
    %dma_start3A_1207 = arith.constant 0 : i32
    %dma_start3A_1208 = arith.constant 0 : i32
    %dma_start3A_1209 = tpu.memref_slice %arg10[%dma_start3A_1207, %dma_start3A_1208] : memref<17600x64xf32, #tpu.memory_space<vmem_shared>> -> memref<17600x64xf32, #tpu.memory_space<vmem_shared>>
    tpu.enqueue_indirect_dma source(%dma_start3A_1209 : memref<17600x64xf32, #tpu.memory_space<vmem_shared>>) target(%arg9 : memref<32x64xf32, #tpu.memory_space<vmem>>) offsets(%dma_start3A_1206 : memref<32xi32, #tpu.memory_space<vmem>>) semaphore(%arg11 : memref<!tpu.dma_semaphore, #tpu.memory_space<semaphore_mem>>) {add = true}
    %dma_start3A_1210 = arith.constant 3 : i32
    %dma_start3A_1211 = arith.constant 0 : i32
    %dma_start3A_1212 = tpu.memref_slice %arg7[%dma_start3A_1210, %dma_start3A_1211] : memref<28x32xi32, #tpu.memory_space<vmem>> -> memref<1x32xi32, #tpu.memory_space<vmem>>
    %dma_start3A_1213 = tpu.memref_squeeze %dma_start3A_1212 : memref<1x32xi32, #tpu.memory_space<vmem>> -> memref<32xi32, #tpu.memory_space<vmem>>
    %dma_start3A_1214 = arith.constant 0 : i32
    %dma_start3A_1215 = arith.constant 0 : i32
    %dma_start3A_1216 = tpu.memref_slice %arg10[%dma_start3A_1214, %dma_start3A_1215] : memref<17600x64xf32, #tpu.memory_space<vmem_shared>> -> memref<17600x64xf32, #tpu.memory_space<vmem_shared>>
    tpu.enqueue_indirect_dma source(%dma_start3A_1216 : memref<17600x64xf32, #tpu.memory_space<vmem_shared>>) target(%arg9 : memref<32x64xf32, #tpu.memory_space<vmem>>) offsets(%dma_start3A_1213 : memref<32xi32, #tpu.memory_space<vmem>>) semaphore(%arg11 : memref<!tpu.dma_semaphore, #tpu.memory_space<semaphore_mem>>) {add = true}
    %dma_start3A_1217 = arith.constant 4 : i32
    %dma_start3A_1218 = arith.constant 0 : i32
    %dma_start3A_1219 = tpu.memref_slice %arg7[%dma_start3A_1217, %dma_start3A_1218] : memref<28x32xi32, #tpu.memory_space<vmem>> -> memref<1x32xi32, #tpu.memory_space<vmem>>
    %dma_start3A_1220 = tpu.memref_squeeze %dma_start3A_1219 : memref<1x32xi32, #tpu.memory_space<vmem>> -> memref<32xi32, #tpu.memory_space<vmem>>
    %dma_start3A_1221 = arith.constant 0 : i32
    %dma_start3A_1222 = arith.constant 0 : i32
    %dma_start3A_1223 = tpu.memref_slice %arg10[%dma_start3A_1221, %dma_start3A_1222] : memref<17600x64xf32, #tpu.memory_space<vmem_shared>> -> memref<17600x64xf32, #tpu.memory_space<vmem_shared>>
    tpu.enqueue_indirect_dma source(%dma_start3A_1223 : memref<17600x64xf32, #tpu.memory_space<vmem_shared>>) target(%arg9 : memref<32x64xf32, #tpu.memory_space<vmem>>) offsets(%dma_start3A_1220 : memref<32xi32, #tpu.memory_space<vmem>>) semaphore(%arg11 : memref<!tpu.dma_semaphore, #tpu.memory_space<semaphore_mem>>) {add = true}
    %dma_start3A_1224 = arith.constant 5 : i32
    %dma_start3A_1225 = arith.constant 0 : i32
    %dma_start3A_1226 = tpu.memref_slice %arg7[%dma_start3A_1224, %dma_start3A_1225] : memref<28x32xi32, #tpu.memory_space<vmem>> -> memref<1x32xi32, #tpu.memory_space<vmem>>
    %dma_start3A_1227 = tpu.memref_squeeze %dma_start3A_1226 : memref<1x32xi32, #tpu.memory_space<vmem>> -> memref<32xi32, #tpu.memory_space<vmem>>
    %dma_start3A_1228 = arith.constant 0 : i32
    %dma_start3A_1229 = arith.constant 0 : i32
    %dma_start3A_1230 = tpu.memref_slice %arg10[%dma_start3A_1228, %dma_start3A_1229] : memref<17600x64xf32, #tpu.memory_space<vmem_shared>> -> memref<17600x64xf32, #tpu.memory_space<vmem_shared>>
    tpu.enqueue_indirect_dma source(%dma_start3A_1230 : memref<17600x64xf32, #tpu.memory_space<vmem_shared>>) target(%arg9 : memref<32x64xf32, #tpu.memory_space<vmem>>) offsets(%dma_start3A_1227 : memref<32xi32, #tpu.memory_space<vmem>>) semaphore(%arg11 : memref<!tpu.dma_semaphore, #tpu.memory_space<semaphore_mem>>) {add = true}
    %dma_start3A_1231 = arith.constant 6 : i32
    %dma_start3A_1232 = arith.constant 0 : i32
    %dma_start3A_1233 = tpu.memref_slice %arg7[%dma_start3A_1231, %dma_start3A_1232] : memref<28x32xi32, #tpu.memory_space<vmem>> -> memref<1x32xi32, #tpu.memory_space<vmem>>
    %dma_start3A_1234 = tpu.memref_squeeze %dma_start3A_1233 : memref<1x32xi32, #tpu.memory_space<vmem>> -> memref<32xi32, #tpu.memory_space<vmem>>
    %dma_start3A_1235 = arith.constant 0 : i32
    %dma_start3A_1236 = arith.constant 0 : i32
    %dma_start3A_1237 = tpu.memref_slice %arg10[%dma_start3A_1235, %dma_start3A_1236] : memref<17600x64xf32, #tpu.memory_space<vmem_shared>> -> memref<17600x64xf32, #tpu.memory_space<vmem_shared>>
    tpu.enqueue_indirect_dma source(%dma_start3A_1237 : memref<17600x64xf32, #tpu.memory_space<vmem_shared>>) target(%arg9 : memref<32x64xf32, #tpu.memory_space<vmem>>) offsets(%dma_start3A_1234 : memref<32xi32, #tpu.memory_space<vmem>>) semaphore(%arg11 : memref<!tpu.dma_semaphore, #tpu.memory_space<semaphore_mem>>) {add = true}
    %dma_start3A_1238 = arith.constant 7 : i32
    %dma_start3A_1239 = arith.constant 0 : i32
    %dma_start3A_1240 = tpu.memref_slice %arg7[%dma_start3A_1238, %dma_start3A_1239] : memref<28x32xi32, #tpu.memory_space<vmem>> -> memref<1x32xi32, #tpu.memory_space<vmem>>
    %dma_start3A_1241 = tpu.memref_squeeze %dma_start3A_1240 : memref<1x32xi32, #tpu.memory_space<vmem>> -> memref<32xi32, #tpu.memory_space<vmem>>
    %dma_start3A_1242 = arith.constant 0 : i32
    %dma_start3A_1243 = arith.constant 0 : i32
    %dma_start3A_1244 = tpu.memref_slice %arg10[%dma_start3A_1242, %dma_start3A_1243] : memref<17600x64xf32, #tpu.memory_space<vmem_shared>> -> memref<17600x64xf32, #tpu.memory_space<vmem_shared>>
    tpu.enqueue_indirect_dma source(%dma_start3A_1244 : memref<17600x64xf32, #tpu.memory_space<vmem_shared>>) target(%arg9 : memref<32x64xf32, #tpu.memory_space<vmem>>) offsets(%dma_start3A_1241 : memref<32xi32, #tpu.memory_space<vmem>>) semaphore(%arg11 : memref<!tpu.dma_semaphore, #tpu.memory_space<semaphore_mem>>) {add = true}
    %dma_start3A_1245 = arith.constant 8 : i32
    %dma_start3A_1246 = arith.constant 0 : i32
    %dma_start3A_1247 = tpu.memref_slice %arg7[%dma_start3A_1245, %dma_start3A_1246] : memref<28x32xi32, #tpu.memory_space<vmem>> -> memref<1x32xi32, #tpu.memory_space<vmem>>
    %dma_start3A_1248 = tpu.memref_squeeze %dma_start3A_1247 : memref<1x32xi32, #tpu.memory_space<vmem>> -> memref<32xi32, #tpu.memory_space<vmem>>
    %dma_start3A_1249 = arith.constant 0 : i32
    %dma_start3A_1250 = arith.constant 0 : i32
    %dma_start3A_1251 = tpu.memref_slice %arg10[%dma_start3A_1249, %dma_start3A_1250] : memref<17600x64xf32, #tpu.memory_space<vmem_shared>> -> memref<17600x64xf32, #tpu.memory_space<vmem_shared>>
    tpu.enqueue_indirect_dma source(%dma_start3A_1251 : memref<17600x64xf32, #tpu.memory_space<vmem_shared>>) target(%arg9 : memref<32x64xf32, #tpu.memory_space<vmem>>) offsets(%dma_start3A_1248 : memref<32xi32, #tpu.memory_space<vmem>>) semaphore(%arg11 : memref<!tpu.dma_semaphore, #tpu.memory_space<semaphore_mem>>) {add = true}
    %dma_start3A_1252 = arith.constant 9 : i32
    %dma_start3A_1253 = arith.constant 0 : i32
    %dma_start3A_1254 = tpu.memref_slice %arg7[%dma_start3A_1252, %dma_start3A_1253] : memref<28x32xi32, #tpu.memory_space<vmem>> -> memref<1x32xi32, #tpu.memory_space<vmem>>
    %dma_start3A_1255 = tpu.memref_squeeze %dma_start3A_1254 : memref<1x32xi32, #tpu.memory_space<vmem>> -> memref<32xi32, #tpu.memory_space<vmem>>
    %dma_start3A_1256 = arith.constant 0 : i32
    %dma_start3A_1257 = arith.constant 0 : i32
    %dma_start3A_1258 = tpu.memref_slice %arg10[%dma_start3A_1256, %dma_start3A_1257] : memref<17600x64xf32, #tpu.memory_space<vmem_shared>> -> memref<17600x64xf32, #tpu.memory_space<vmem_shared>>
    tpu.enqueue_indirect_dma source(%dma_start3A_1258 : memref<17600x64xf32, #tpu.memory_space<vmem_shared>>) target(%arg9 : memref<32x64xf32, #tpu.memory_space<vmem>>) offsets(%dma_start3A_1255 : memref<32xi32, #tpu.memory_space<vmem>>) semaphore(%arg11 : memref<!tpu.dma_semaphore, #tpu.memory_space<semaphore_mem>>) {add = true}
    %dma_start3A_1259 = arith.constant 10 : i32
    %dma_start3A_1260 = arith.constant 0 : i32
    %dma_start3A_1261 = tpu.memref_slice %arg7[%dma_start3A_1259, %dma_start3A_1260] : memref<28x32xi32, #tpu.memory_space<vmem>> -> memref<1x32xi32, #tpu.memory_space<vmem>>
    %dma_start3A_1262 = tpu.memref_squeeze %dma_start3A_1261 : memref<1x32xi32, #tpu.memory_space<vmem>> -> memref<32xi32, #tpu.memory_space<vmem>>
    %dma_start3A_1263 = arith.constant 0 : i32
    %dma_start3A_1264 = arith.constant 0 : i32
    %dma_start3A_1265 = tpu.memref_slice %arg10[%dma_start3A_1263, %dma_start3A_1264] : memref<17600x64xf32, #tpu.memory_space<vmem_shared>> -> memref<17600x64xf32, #tpu.memory_space<vmem_shared>>
    tpu.enqueue_indirect_dma source(%dma_start3A_1265 : memref<17600x64xf32, #tpu.memory_space<vmem_shared>>) target(%arg9 : memref<32x64xf32, #tpu.memory_space<vmem>>) offsets(%dma_start3A_1262 : memref<32xi32, #tpu.memory_space<vmem>>) semaphore(%arg11 : memref<!tpu.dma_semaphore, #tpu.memory_space<semaphore_mem>>) {add = true}
    %dma_start3A_1266 = arith.constant 11 : i32
    %dma_start3A_1267 = arith.constant 0 : i32
    %dma_start3A_1268 = tpu.memref_slice %arg7[%dma_start3A_1266, %dma_start3A_1267] : memref<28x32xi32, #tpu.memory_space<vmem>> -> memref<1x32xi32, #tpu.memory_space<vmem>>
    %dma_start3A_1269 = tpu.memref_squeeze %dma_start3A_1268 : memref<1x32xi32, #tpu.memory_space<vmem>> -> memref<32xi32, #tpu.memory_space<vmem>>
    %dma_start3A_1270 = arith.constant 0 : i32
    %dma_start3A_1271 = arith.constant 0 : i32
    %dma_start3A_1272 = tpu.memref_slice %arg10[%dma_start3A_1270, %dma_start3A_1271] : memref<17600x64xf32, #tpu.memory_space<vmem_shared>> -> memref<17600x64xf32, #tpu.memory_space<vmem_shared>>
    tpu.enqueue_indirect_dma source(%dma_start3A_1272 : memref<17600x64xf32, #tpu.memory_space<vmem_shared>>) target(%arg9 : memref<32x64xf32, #tpu.memory_space<vmem>>) offsets(%dma_start3A_1269 : memref<32xi32, #tpu.memory_space<vmem>>) semaphore(%arg11 : memref<!tpu.dma_semaphore, #tpu.memory_space<semaphore_mem>>) {add = true}
    %dma_start3A_1273 = arith.constant 12 : i32
    %dma_start3A_1274 = arith.constant 0 : i32
    %dma_start3A_1275 = tpu.memref_slice %arg7[%dma_start3A_1273, %dma_start3A_1274] : memref<28x32xi32, #tpu.memory_space<vmem>> -> memref<1x32xi32, #tpu.memory_space<vmem>>
    %dma_start3A_1276 = tpu.memref_squeeze %dma_start3A_1275 : memref<1x32xi32, #tpu.memory_space<vmem>> -> memref<32xi32, #tpu.memory_space<vmem>>
    %dma_start3A_1277 = arith.constant 0 : i32
    %dma_start3A_1278 = arith.constant 0 : i32
    %dma_start3A_1279 = tpu.memref_slice %arg10[%dma_start3A_1277, %dma_start3A_1278] : memref<17600x64xf32, #tpu.memory_space<vmem_shared>> -> memref<17600x64xf32, #tpu.memory_space<vmem_shared>>
    tpu.enqueue_indirect_dma source(%dma_start3A_1279 : memref<17600x64xf32, #tpu.memory_space<vmem_shared>>) target(%arg9 : memref<32x64xf32, #tpu.memory_space<vmem>>) offsets(%dma_start3A_1276 : memref<32xi32, #tpu.memory_space<vmem>>) semaphore(%arg11 : memref<!tpu.dma_semaphore, #tpu.memory_space<semaphore_mem>>) {add = true}
    %dma_start3A_1280 = arith.constant 13 : i32
    %dma_start3A_1281 = arith.constant 0 : i32
    %dma_start3A_1282 = tpu.memref_slice %arg7[%dma_start3A_1280, %dma_start3A_1281] : memref<28x32xi32, #tpu.memory_space<vmem>> -> memref<1x32xi32, #tpu.memory_space<vmem>>
    %dma_start3A_1283 = tpu.memref_squeeze %dma_start3A_1282 : memref<1x32xi32, #tpu.memory_space<vmem>> -> memref<32xi32, #tpu.memory_space<vmem>>
    %dma_start3A_1284 = arith.constant 0 : i32
    %dma_start3A_1285 = arith.constant 0 : i32
    %dma_start3A_1286 = tpu.memref_slice %arg10[%dma_start3A_1284, %dma_start3A_1285] : memref<17600x64xf32, #tpu.memory_space<vmem_shared>> -> memref<17600x64xf32, #tpu.memory_space<vmem_shared>>
    tpu.enqueue_indirect_dma source(%dma_start3A_1286 : memref<17600x64xf32, #tpu.memory_space<vmem_shared>>) target(%arg9 : memref<32x64xf32, #tpu.memory_space<vmem>>) offsets(%dma_start3A_1283 : memref<32xi32, #tpu.memory_space<vmem>>) semaphore(%arg11 : memref<!tpu.dma_semaphore, #tpu.memory_space<semaphore_mem>>) {add = true}
    %dma_start3A_1287 = arith.constant 14 : i32
    %dma_start3A_1288 = arith.constant 0 : i32
    %dma_start3A_1289 = tpu.memref_slice %arg7[%dma_start3A_1287, %dma_start3A_1288] : memref<28x32xi32, #tpu.memory_space<vmem>> -> memref<1x32xi32, #tpu.memory_space<vmem>>
    %dma_start3A_1290 = tpu.memref_squeeze %dma_start3A_1289 : memref<1x32xi32, #tpu.memory_space<vmem>> -> memref<32xi32, #tpu.memory_space<vmem>>
    %dma_start3A_1291 = arith.constant 0 : i32
    %dma_start3A_1292 = arith.constant 0 : i32
    %dma_start3A_1293 = tpu.memref_slice %arg10[%dma_start3A_1291, %dma_start3A_1292] : memref<17600x64xf32, #tpu.memory_space<vmem_shared>> -> memref<17600x64xf32, #tpu.memory_space<vmem_shared>>
    tpu.enqueue_indirect_dma source(%dma_start3A_1293 : memref<17600x64xf32, #tpu.memory_space<vmem_shared>>) target(%arg9 : memref<32x64xf32, #tpu.memory_space<vmem>>) offsets(%dma_start3A_1290 : memref<32xi32, #tpu.memory_space<vmem>>) semaphore(%arg11 : memref<!tpu.dma_semaphore, #tpu.memory_space<semaphore_mem>>) {add = true}
    %dma_start3A_1294 = arith.constant 15 : i32
    %dma_start3A_1295 = arith.constant 0 : i32
    %dma_start3A_1296 = tpu.memref_slice %arg7[%dma_start3A_1294, %dma_start3A_1295] : memref<28x32xi32, #tpu.memory_space<vmem>> -> memref<1x32xi32, #tpu.memory_space<vmem>>
    %dma_start3A_1297 = tpu.memref_squeeze %dma_start3A_1296 : memref<1x32xi32, #tpu.memory_space<vmem>> -> memref<32xi32, #tpu.memory_space<vmem>>
    %dma_start3A_1298 = arith.constant 0 : i32
    %dma_start3A_1299 = arith.constant 0 : i32
    %dma_start3A_1300 = tpu.memref_slice %arg10[%dma_start3A_1298, %dma_start3A_1299] : memref<17600x64xf32, #tpu.memory_space<vmem_shared>> -> memref<17600x64xf32, #tpu.memory_space<vmem_shared>>
    tpu.enqueue_indirect_dma source(%dma_start3A_1300 : memref<17600x64xf32, #tpu.memory_space<vmem_shared>>) target(%arg9 : memref<32x64xf32, #tpu.memory_space<vmem>>) offsets(%dma_start3A_1297 : memref<32xi32, #tpu.memory_space<vmem>>) semaphore(%arg11 : memref<!tpu.dma_semaphore, #tpu.memory_space<semaphore_mem>>) {add = true}
    %dma_start3A_1301 = arith.constant 16 : i32
    %dma_start3A_1302 = arith.constant 0 : i32
    %dma_start3A_1303 = tpu.memref_slice %arg7[%dma_start3A_1301, %dma_start3A_1302] : memref<28x32xi32, #tpu.memory_space<vmem>> -> memref<1x32xi32, #tpu.memory_space<vmem>>
    %dma_start3A_1304 = tpu.memref_squeeze %dma_start3A_1303 : memref<1x32xi32, #tpu.memory_space<vmem>> -> memref<32xi32, #tpu.memory_space<vmem>>
    %dma_start3A_1305 = arith.constant 0 : i32
    %dma_start3A_1306 = arith.constant 0 : i32
    %dma_start3A_1307 = tpu.memref_slice %arg10[%dma_start3A_1305, %dma_start3A_1306] : memref<17600x64xf32, #tpu.memory_space<vmem_shared>> -> memref<17600x64xf32, #tpu.memory_space<vmem_shared>>
    tpu.enqueue_indirect_dma source(%dma_start3A_1307 : memref<17600x64xf32, #tpu.memory_space<vmem_shared>>) target(%arg9 : memref<32x64xf32, #tpu.memory_space<vmem>>) offsets(%dma_start3A_1304 : memref<32xi32, #tpu.memory_space<vmem>>) semaphore(%arg11 : memref<!tpu.dma_semaphore, #tpu.memory_space<semaphore_mem>>) {add = true}
    %dma_start3A_1308 = arith.constant 17 : i32
    %dma_start3A_1309 = arith.constant 0 : i32
    %dma_start3A_1310 = tpu.memref_slice %arg7[%dma_start3A_1308, %dma_start3A_1309] : memref<28x32xi32, #tpu.memory_space<vmem>> -> memref<1x32xi32, #tpu.memory_space<vmem>>
    %dma_start3A_1311 = tpu.memref_squeeze %dma_start3A_1310 : memref<1x32xi32, #tpu.memory_space<vmem>> -> memref<32xi32, #tpu.memory_space<vmem>>
    %dma_start3A_1312 = arith.constant 0 : i32
    %dma_start3A_1313 = arith.constant 0 : i32
    %dma_start3A_1314 = tpu.memref_slice %arg10[%dma_start3A_1312, %dma_start3A_1313] : memref<17600x64xf32, #tpu.memory_space<vmem_shared>> -> memref<17600x64xf32, #tpu.memory_space<vmem_shared>>
    tpu.enqueue_indirect_dma source(%dma_start3A_1314 : memref<17600x64xf32, #tpu.memory_space<vmem_shared>>) target(%arg9 : memref<32x64xf32, #tpu.memory_space<vmem>>) offsets(%dma_start3A_1311 : memref<32xi32, #tpu.memory_space<vmem>>) semaphore(%arg11 : memref<!tpu.dma_semaphore, #tpu.memory_space<semaphore_mem>>) {add = true}
    %dma_start3A_1315 = arith.constant 18 : i32
    %dma_start3A_1316 = arith.constant 0 : i32
    %dma_start3A_1317 = tpu.memref_slice %arg7[%dma_start3A_1315, %dma_start3A_1316] : memref<28x32xi32, #tpu.memory_space<vmem>> -> memref<1x32xi32, #tpu.memory_space<vmem>>
    %dma_start3A_1318 = tpu.memref_squeeze %dma_start3A_1317 : memref<1x32xi32, #tpu.memory_space<vmem>> -> memref<32xi32, #tpu.memory_space<vmem>>
    %dma_start3A_1319 = arith.constant 0 : i32
    %dma_start3A_1320 = arith.constant 0 : i32
    %dma_start3A_1321 = tpu.memref_slice %arg10[%dma_start3A_1319, %dma_start3A_1320] : memref<17600x64xf32, #tpu.memory_space<vmem_shared>> -> memref<17600x64xf32, #tpu.memory_space<vmem_shared>>
    tpu.enqueue_indirect_dma source(%dma_start3A_1321 : memref<17600x64xf32, #tpu.memory_space<vmem_shared>>) target(%arg9 : memref<32x64xf32, #tpu.memory_space<vmem>>) offsets(%dma_start3A_1318 : memref<32xi32, #tpu.memory_space<vmem>>) semaphore(%arg11 : memref<!tpu.dma_semaphore, #tpu.memory_space<semaphore_mem>>) {add = true}
    %dma_start3A_1322 = arith.constant 19 : i32
    %dma_start3A_1323 = arith.constant 0 : i32
    %dma_start3A_1324 = tpu.memref_slice %arg7[%dma_start3A_1322, %dma_start3A_1323] : memref<28x32xi32, #tpu.memory_space<vmem>> -> memref<1x32xi32, #tpu.memory_space<vmem>>
    %dma_start3A_1325 = tpu.memref_squeeze %dma_start3A_1324 : memref<1x32xi32, #tpu.memory_space<vmem>> -> memref<32xi32, #tpu.memory_space<vmem>>
    %dma_start3A_1326 = arith.constant 0 : i32
    %dma_start3A_1327 = arith.constant 0 : i32
    %dma_start3A_1328 = tpu.memref_slice %arg10[%dma_start3A_1326, %dma_start3A_1327] : memref<17600x64xf32, #tpu.memory_space<vmem_shared>> -> memref<17600x64xf32, #tpu.memory_space<vmem_shared>>
    tpu.enqueue_indirect_dma source(%dma_start3A_1328 : memref<17600x64xf32, #tpu.memory_space<vmem_shared>>) target(%arg9 : memref<32x64xf32, #tpu.memory_space<vmem>>) offsets(%dma_start3A_1325 : memref<32xi32, #tpu.memory_space<vmem>>) semaphore(%arg11 : memref<!tpu.dma_semaphore, #tpu.memory_space<semaphore_mem>>) {add = true}
    %dma_start3A_1329 = arith.constant 20 : i32
    %dma_start3A_1330 = arith.constant 0 : i32
    %dma_start3A_1331 = tpu.memref_slice %arg7[%dma_start3A_1329, %dma_start3A_1330] : memref<28x32xi32, #tpu.memory_space<vmem>> -> memref<1x32xi32, #tpu.memory_space<vmem>>
    %dma_start3A_1332 = tpu.memref_squeeze %dma_start3A_1331 : memref<1x32xi32, #tpu.memory_space<vmem>> -> memref<32xi32, #tpu.memory_space<vmem>>
    %dma_start3A_1333 = arith.constant 0 : i32
    %dma_start3A_1334 = arith.constant 0 : i32
    %dma_start3A_1335 = tpu.memref_slice %arg10[%dma_start3A_1333, %dma_start3A_1334] : memref<17600x64xf32, #tpu.memory_space<vmem_shared>> -> memref<17600x64xf32, #tpu.memory_space<vmem_shared>>
    tpu.enqueue_indirect_dma source(%dma_start3A_1335 : memref<17600x64xf32, #tpu.memory_space<vmem_shared>>) target(%arg9 : memref<32x64xf32, #tpu.memory_space<vmem>>) offsets(%dma_start3A_1332 : memref<32xi32, #tpu.memory_space<vmem>>) semaphore(%arg11 : memref<!tpu.dma_semaphore, #tpu.memory_space<semaphore_mem>>) {add = true}
    %dma_start3A_1336 = arith.constant 21 : i32
    %dma_start3A_1337 = arith.constant 0 : i32
    %dma_start3A_1338 = tpu.memref_slice %arg7[%dma_start3A_1336, %dma_start3A_1337] : memref<28x32xi32, #tpu.memory_space<vmem>> -> memref<1x32xi32, #tpu.memory_space<vmem>>
    %dma_start3A_1339 = tpu.memref_squeeze %dma_start3A_1338 : memref<1x32xi32, #tpu.memory_space<vmem>> -> memref<32xi32, #tpu.memory_space<vmem>>
    %dma_start3A_1340 = arith.constant 0 : i32
    %dma_start3A_1341 = arith.constant 0 : i32
    %dma_start3A_1342 = tpu.memref_slice %arg10[%dma_start3A_1340, %dma_start3A_1341] : memref<17600x64xf32, #tpu.memory_space<vmem_shared>> -> memref<17600x64xf32, #tpu.memory_space<vmem_shared>>
    tpu.enqueue_indirect_dma source(%dma_start3A_1342 : memref<17600x64xf32, #tpu.memory_space<vmem_shared>>) target(%arg9 : memref<32x64xf32, #tpu.memory_space<vmem>>) offsets(%dma_start3A_1339 : memref<32xi32, #tpu.memory_space<vmem>>) semaphore(%arg11 : memref<!tpu.dma_semaphore, #tpu.memory_space<semaphore_mem>>) {add = true}
    %dma_start3A_1343 = arith.constant 22 : i32
    %dma_start3A_1344 = arith.constant 0 : i32
    %dma_start3A_1345 = tpu.memref_slice %arg7[%dma_start3A_1343, %dma_start3A_1344] : memref<28x32xi32, #tpu.memory_space<vmem>> -> memref<1x32xi32, #tpu.memory_space<vmem>>
    %dma_start3A_1346 = tpu.memref_squeeze %dma_start3A_1345 : memref<1x32xi32, #tpu.memory_space<vmem>> -> memref<32xi32, #tpu.memory_space<vmem>>
    %dma_start3A_1347 = arith.constant 0 : i32
    %dma_start3A_1348 = arith.constant 0 : i32
    %dma_start3A_1349 = tpu.memref_slice %arg10[%dma_start3A_1347, %dma_start3A_1348] : memref<17600x64xf32, #tpu.memory_space<vmem_shared>> -> memref<17600x64xf32, #tpu.memory_space<vmem_shared>>
    tpu.enqueue_indirect_dma source(%dma_start3A_1349 : memref<17600x64xf32, #tpu.memory_space<vmem_shared>>) target(%arg9 : memref<32x64xf32, #tpu.memory_space<vmem>>) offsets(%dma_start3A_1346 : memref<32xi32, #tpu.memory_space<vmem>>) semaphore(%arg11 : memref<!tpu.dma_semaphore, #tpu.memory_space<semaphore_mem>>) {add = true}
    %dma_start3A_1350 = arith.constant 23 : i32
    %dma_start3A_1351 = arith.constant 0 : i32
    %dma_start3A_1352 = tpu.memref_slice %arg7[%dma_start3A_1350, %dma_start3A_1351] : memref<28x32xi32, #tpu.memory_space<vmem>> -> memref<1x32xi32, #tpu.memory_space<vmem>>
    %dma_start3A_1353 = tpu.memref_squeeze %dma_start3A_1352 : memref<1x32xi32, #tpu.memory_space<vmem>> -> memref<32xi32, #tpu.memory_space<vmem>>
    %dma_start3A_1354 = arith.constant 0 : i32
    %dma_start3A_1355 = arith.constant 0 : i32
    %dma_start3A_1356 = tpu.memref_slice %arg10[%dma_start3A_1354, %dma_start3A_1355] : memref<17600x64xf32, #tpu.memory_space<vmem_shared>> -> memref<17600x64xf32, #tpu.memory_space<vmem_shared>>
    tpu.enqueue_indirect_dma source(%dma_start3A_1356 : memref<17600x64xf32, #tpu.memory_space<vmem_shared>>) target(%arg9 : memref<32x64xf32, #tpu.memory_space<vmem>>) offsets(%dma_start3A_1353 : memref<32xi32, #tpu.memory_space<vmem>>) semaphore(%arg11 : memref<!tpu.dma_semaphore, #tpu.memory_space<semaphore_mem>>) {add = true}
    %dma_start3A_1357 = arith.constant 24 : i32
    %dma_start3A_1358 = arith.constant 0 : i32
    %dma_start3A_1359 = tpu.memref_slice %arg7[%dma_start3A_1357, %dma_start3A_1358] : memref<28x32xi32, #tpu.memory_space<vmem>> -> memref<1x32xi32, #tpu.memory_space<vmem>>
    %dma_start3A_1360 = tpu.memref_squeeze %dma_start3A_1359 : memref<1x32xi32, #tpu.memory_space<vmem>> -> memref<32xi32, #tpu.memory_space<vmem>>
    %dma_start3A_1361 = arith.constant 0 : i32
    %dma_start3A_1362 = arith.constant 0 : i32
    %dma_start3A_1363 = tpu.memref_slice %arg10[%dma_start3A_1361, %dma_start3A_1362] : memref<17600x64xf32, #tpu.memory_space<vmem_shared>> -> memref<17600x64xf32, #tpu.memory_space<vmem_shared>>
    tpu.enqueue_indirect_dma source(%dma_start3A_1363 : memref<17600x64xf32, #tpu.memory_space<vmem_shared>>) target(%arg9 : memref<32x64xf32, #tpu.memory_space<vmem>>) offsets(%dma_start3A_1360 : memref<32xi32, #tpu.memory_space<vmem>>) semaphore(%arg11 : memref<!tpu.dma_semaphore, #tpu.memory_space<semaphore_mem>>) {add = true}
    %dma_start3A_1364 = arith.constant 25 : i32
    %dma_start3A_1365 = arith.constant 0 : i32
    %dma_start3A_1366 = tpu.memref_slice %arg7[%dma_start3A_1364, %dma_start3A_1365] : memref<28x32xi32, #tpu.memory_space<vmem>> -> memref<1x32xi32, #tpu.memory_space<vmem>>
    %dma_start3A_1367 = tpu.memref_squeeze %dma_start3A_1366 : memref<1x32xi32, #tpu.memory_space<vmem>> -> memref<32xi32, #tpu.memory_space<vmem>>
    %dma_start3A_1368 = arith.constant 0 : i32
    %dma_start3A_1369 = arith.constant 0 : i32
    %dma_start3A_1370 = tpu.memref_slice %arg10[%dma_start3A_1368, %dma_start3A_1369] : memref<17600x64xf32, #tpu.memory_space<vmem_shared>> -> memref<17600x64xf32, #tpu.memory_space<vmem_shared>>
    tpu.enqueue_indirect_dma source(%dma_start3A_1370 : memref<17600x64xf32, #tpu.memory_space<vmem_shared>>) target(%arg9 : memref<32x64xf32, #tpu.memory_space<vmem>>) offsets(%dma_start3A_1367 : memref<32xi32, #tpu.memory_space<vmem>>) semaphore(%arg11 : memref<!tpu.dma_semaphore, #tpu.memory_space<semaphore_mem>>) {add = true}
    %dma_start3A_1371 = arith.constant 26 : i32
    %dma_start3A_1372 = arith.constant 0 : i32
    %dma_start3A_1373 = tpu.memref_slice %arg7[%dma_start3A_1371, %dma_start3A_1372] : memref<28x32xi32, #tpu.memory_space<vmem>> -> memref<1x32xi32, #tpu.memory_space<vmem>>
    %dma_start3A_1374 = tpu.memref_squeeze %dma_start3A_1373 : memref<1x32xi32, #tpu.memory_space<vmem>> -> memref<32xi32, #tpu.memory_space<vmem>>
    %dma_start3A_1375 = arith.constant 0 : i32
    %dma_start3A_1376 = arith.constant 0 : i32
    %dma_start3A_1377 = tpu.memref_slice %arg10[%dma_start3A_1375, %dma_start3A_1376] : memref<17600x64xf32, #tpu.memory_space<vmem_shared>> -> memref<17600x64xf32, #tpu.memory_space<vmem_shared>>
    tpu.enqueue_indirect_dma source(%dma_start3A_1377 : memref<17600x64xf32, #tpu.memory_space<vmem_shared>>) target(%arg9 : memref<32x64xf32, #tpu.memory_space<vmem>>) offsets(%dma_start3A_1374 : memref<32xi32, #tpu.memory_space<vmem>>) semaphore(%arg11 : memref<!tpu.dma_semaphore, #tpu.memory_space<semaphore_mem>>) {add = true}
    %dma_start3A_1378 = arith.constant 27 : i32
    %dma_start3A_1379 = arith.constant 0 : i32
    %dma_start3A_1380 = tpu.memref_slice %arg7[%dma_start3A_1378, %dma_start3A_1379] : memref<28x32xi32, #tpu.memory_space<vmem>> -> memref<1x32xi32, #tpu.memory_space<vmem>>
    %dma_start3A_1381 = tpu.memref_squeeze %dma_start3A_1380 : memref<1x32xi32, #tpu.memory_space<vmem>> -> memref<32xi32, #tpu.memory_space<vmem>>
    %dma_start3A_1382 = arith.constant 0 : i32
    %dma_start3A_1383 = arith.constant 0 : i32
    %dma_start3A_1384 = tpu.memref_slice %arg10[%dma_start3A_1382, %dma_start3A_1383] : memref<17600x64xf32, #tpu.memory_space<vmem_shared>> -> memref<17600x64xf32, #tpu.memory_space<vmem_shared>>
    tpu.enqueue_indirect_dma source(%dma_start3A_1384 : memref<17600x64xf32, #tpu.memory_space<vmem_shared>>) target(%arg9 : memref<32x64xf32, #tpu.memory_space<vmem>>) offsets(%dma_start3A_1381 : memref<32xi32, #tpu.memory_space<vmem>>) semaphore(%arg11 : memref<!tpu.dma_semaphore, #tpu.memory_space<semaphore_mem>>) {add = true}
    %dma_wait3A_1385 = arith.constant 0 : i32
    %dma_wait3A_1386 = arith.constant 0 : i32
    %dma_wait3A_1387 = tpu.memref_slice %arg7[%dma_wait3A_1385, %dma_wait3A_1386] : memref<28x32xi32, #tpu.memory_space<vmem>> -> memref<1x32xi32, #tpu.memory_space<vmem>>
    %dma_wait3A_1388 = tpu.memref_squeeze %dma_wait3A_1387 : memref<1x32xi32, #tpu.memory_space<vmem>> -> memref<32xi32, #tpu.memory_space<vmem>>
    %dma_wait3A_1389 = arith.constant 0 : i32
    %dma_wait3A_1390 = arith.constant 0 : i32
    %dma_wait3A_1391 = tpu.memref_slice %arg10[%dma_wait3A_1389, %dma_wait3A_1390] : memref<17600x64xf32, #tpu.memory_space<vmem_shared>> -> memref<17600x64xf32, #tpu.memory_space<vmem_shared>>
    tpu.wait_indirect_dma semaphore(%arg11 : memref<!tpu.dma_semaphore, #tpu.memory_space<semaphore_mem>>) src(%dma_wait3A_1391 : memref<17600x64xf32, #tpu.memory_space<vmem_shared>>) dst(%arg9 : memref<32x64xf32, #tpu.memory_space<vmem>>)
    %dma_wait3A_1392 = arith.constant 1 : i32
    %dma_wait3A_1393 = arith.constant 0 : i32
    %dma_wait3A_1394 = tpu.memref_slice %arg7[%dma_wait3A_1392, %dma_wait3A_1393] : memref<28x32xi32, #tpu.memory_space<vmem>> -> memref<1x32xi32, #tpu.memory_space<vmem>>
    %dma_wait3A_1395 = tpu.memref_squeeze %dma_wait3A_1394 : memref<1x32xi32, #tpu.memory_space<vmem>> -> memref<32xi32, #tpu.memory_space<vmem>>
    %dma_wait3A_1396 = arith.constant 0 : i32
    %dma_wait3A_1397 = arith.constant 0 : i32
    %dma_wait3A_1398 = tpu.memref_slice %arg10[%dma_wait3A_1396, %dma_wait3A_1397] : memref<17600x64xf32, #tpu.memory_space<vmem_shared>> -> memref<17600x64xf32, #tpu.memory_space<vmem_shared>>
    tpu.wait_indirect_dma semaphore(%arg11 : memref<!tpu.dma_semaphore, #tpu.memory_space<semaphore_mem>>) src(%dma_wait3A_1398 : memref<17600x64xf32, #tpu.memory_space<vmem_shared>>) dst(%arg9 : memref<32x64xf32, #tpu.memory_space<vmem>>)
    %dma_wait3A_1399 = arith.constant 2 : i32
    %dma_wait3A_1400 = arith.constant 0 : i32
    %dma_wait3A_1401 = tpu.memref_slice %arg7[%dma_wait3A_1399, %dma_wait3A_1400] : memref<28x32xi32, #tpu.memory_space<vmem>> -> memref<1x32xi32, #tpu.memory_space<vmem>>
    %dma_wait3A_1402 = tpu.memref_squeeze %dma_wait3A_1401 : memref<1x32xi32, #tpu.memory_space<vmem>> -> memref<32xi32, #tpu.memory_space<vmem>>
    %dma_wait3A_1403 = arith.constant 0 : i32
    %dma_wait3A_1404 = arith.constant 0 : i32
    %dma_wait3A_1405 = tpu.memref_slice %arg10[%dma_wait3A_1403, %dma_wait3A_1404] : memref<17600x64xf32, #tpu.memory_space<vmem_shared>> -> memref<17600x64xf32, #tpu.memory_space<vmem_shared>>
    tpu.wait_indirect_dma semaphore(%arg11 : memref<!tpu.dma_semaphore, #tpu.memory_space<semaphore_mem>>) src(%dma_wait3A_1405 : memref<17600x64xf32, #tpu.memory_space<vmem_shared>>) dst(%arg9 : memref<32x64xf32, #tpu.memory_space<vmem>>)
    %dma_wait3A_1406 = arith.constant 3 : i32
    %dma_wait3A_1407 = arith.constant 0 : i32
    %dma_wait3A_1408 = tpu.memref_slice %arg7[%dma_wait3A_1406, %dma_wait3A_1407] : memref<28x32xi32, #tpu.memory_space<vmem>> -> memref<1x32xi32, #tpu.memory_space<vmem>>
    %dma_wait3A_1409 = tpu.memref_squeeze %dma_wait3A_1408 : memref<1x32xi32, #tpu.memory_space<vmem>> -> memref<32xi32, #tpu.memory_space<vmem>>
    %dma_wait3A_1410 = arith.constant 0 : i32
    %dma_wait3A_1411 = arith.constant 0 : i32
    %dma_wait3A_1412 = tpu.memref_slice %arg10[%dma_wait3A_1410, %dma_wait3A_1411] : memref<17600x64xf32, #tpu.memory_space<vmem_shared>> -> memref<17600x64xf32, #tpu.memory_space<vmem_shared>>
    tpu.wait_indirect_dma semaphore(%arg11 : memref<!tpu.dma_semaphore, #tpu.memory_space<semaphore_mem>>) src(%dma_wait3A_1412 : memref<17600x64xf32, #tpu.memory_space<vmem_shared>>) dst(%arg9 : memref<32x64xf32, #tpu.memory_space<vmem>>)
    %dma_wait3A_1413 = arith.constant 4 : i32
    %dma_wait3A_1414 = arith.constant 0 : i32
    %dma_wait3A_1415 = tpu.memref_slice %arg7[%dma_wait3A_1413, %dma_wait3A_1414] : memref<28x32xi32, #tpu.memory_space<vmem>> -> memref<1x32xi32, #tpu.memory_space<vmem>>
    %dma_wait3A_1416 = tpu.memref_squeeze %dma_wait3A_1415 : memref<1x32xi32, #tpu.memory_space<vmem>> -> memref<32xi32, #tpu.memory_space<vmem>>
    %dma_wait3A_1417 = arith.constant 0 : i32
    %dma_wait3A_1418 = arith.constant 0 : i32
    %dma_wait3A_1419 = tpu.memref_slice %arg10[%dma_wait3A_1417, %dma_wait3A_1418] : memref<17600x64xf32, #tpu.memory_space<vmem_shared>> -> memref<17600x64xf32, #tpu.memory_space<vmem_shared>>
    tpu.wait_indirect_dma semaphore(%arg11 : memref<!tpu.dma_semaphore, #tpu.memory_space<semaphore_mem>>) src(%dma_wait3A_1419 : memref<17600x64xf32, #tpu.memory_space<vmem_shared>>) dst(%arg9 : memref<32x64xf32, #tpu.memory_space<vmem>>)
    %dma_wait3A_1420 = arith.constant 5 : i32
    %dma_wait3A_1421 = arith.constant 0 : i32
    %dma_wait3A_1422 = tpu.memref_slice %arg7[%dma_wait3A_1420, %dma_wait3A_1421] : memref<28x32xi32, #tpu.memory_space<vmem>> -> memref<1x32xi32, #tpu.memory_space<vmem>>
    %dma_wait3A_1423 = tpu.memref_squeeze %dma_wait3A_1422 : memref<1x32xi32, #tpu.memory_space<vmem>> -> memref<32xi32, #tpu.memory_space<vmem>>
    %dma_wait3A_1424 = arith.constant 0 : i32
    %dma_wait3A_1425 = arith.constant 0 : i32
    %dma_wait3A_1426 = tpu.memref_slice %arg10[%dma_wait3A_1424, %dma_wait3A_1425] : memref<17600x64xf32, #tpu.memory_space<vmem_shared>> -> memref<17600x64xf32, #tpu.memory_space<vmem_shared>>
    tpu.wait_indirect_dma semaphore(%arg11 : memref<!tpu.dma_semaphore, #tpu.memory_space<semaphore_mem>>) src(%dma_wait3A_1426 : memref<17600x64xf32, #tpu.memory_space<vmem_shared>>) dst(%arg9 : memref<32x64xf32, #tpu.memory_space<vmem>>)
    %dma_wait3A_1427 = arith.constant 6 : i32
    %dma_wait3A_1428 = arith.constant 0 : i32
    %dma_wait3A_1429 = tpu.memref_slice %arg7[%dma_wait3A_1427, %dma_wait3A_1428] : memref<28x32xi32, #tpu.memory_space<vmem>> -> memref<1x32xi32, #tpu.memory_space<vmem>>
    %dma_wait3A_1430 = tpu.memref_squeeze %dma_wait3A_1429 : memref<1x32xi32, #tpu.memory_space<vmem>> -> memref<32xi32, #tpu.memory_space<vmem>>
    %dma_wait3A_1431 = arith.constant 0 : i32
    %dma_wait3A_1432 = arith.constant 0 : i32
    %dma_wait3A_1433 = tpu.memref_slice %arg10[%dma_wait3A_1431, %dma_wait3A_1432] : memref<17600x64xf32, #tpu.memory_space<vmem_shared>> -> memref<17600x64xf32, #tpu.memory_space<vmem_shared>>
    tpu.wait_indirect_dma semaphore(%arg11 : memref<!tpu.dma_semaphore, #tpu.memory_space<semaphore_mem>>) src(%dma_wait3A_1433 : memref<17600x64xf32, #tpu.memory_space<vmem_shared>>) dst(%arg9 : memref<32x64xf32, #tpu.memory_space<vmem>>)
    %dma_wait3A_1434 = arith.constant 7 : i32
    %dma_wait3A_1435 = arith.constant 0 : i32
    %dma_wait3A_1436 = tpu.memref_slice %arg7[%dma_wait3A_1434, %dma_wait3A_1435] : memref<28x32xi32, #tpu.memory_space<vmem>> -> memref<1x32xi32, #tpu.memory_space<vmem>>
    %dma_wait3A_1437 = tpu.memref_squeeze %dma_wait3A_1436 : memref<1x32xi32, #tpu.memory_space<vmem>> -> memref<32xi32, #tpu.memory_space<vmem>>
    %dma_wait3A_1438 = arith.constant 0 : i32
    %dma_wait3A_1439 = arith.constant 0 : i32
    %dma_wait3A_1440 = tpu.memref_slice %arg10[%dma_wait3A_1438, %dma_wait3A_1439] : memref<17600x64xf32, #tpu.memory_space<vmem_shared>> -> memref<17600x64xf32, #tpu.memory_space<vmem_shared>>
    tpu.wait_indirect_dma semaphore(%arg11 : memref<!tpu.dma_semaphore, #tpu.memory_space<semaphore_mem>>) src(%dma_wait3A_1440 : memref<17600x64xf32, #tpu.memory_space<vmem_shared>>) dst(%arg9 : memref<32x64xf32, #tpu.memory_space<vmem>>)
    %dma_wait3A_1441 = arith.constant 8 : i32
    %dma_wait3A_1442 = arith.constant 0 : i32
    %dma_wait3A_1443 = tpu.memref_slice %arg7[%dma_wait3A_1441, %dma_wait3A_1442] : memref<28x32xi32, #tpu.memory_space<vmem>> -> memref<1x32xi32, #tpu.memory_space<vmem>>
    %dma_wait3A_1444 = tpu.memref_squeeze %dma_wait3A_1443 : memref<1x32xi32, #tpu.memory_space<vmem>> -> memref<32xi32, #tpu.memory_space<vmem>>
    %dma_wait3A_1445 = arith.constant 0 : i32
    %dma_wait3A_1446 = arith.constant 0 : i32
    %dma_wait3A_1447 = tpu.memref_slice %arg10[%dma_wait3A_1445, %dma_wait3A_1446] : memref<17600x64xf32, #tpu.memory_space<vmem_shared>> -> memref<17600x64xf32, #tpu.memory_space<vmem_shared>>
    tpu.wait_indirect_dma semaphore(%arg11 : memref<!tpu.dma_semaphore, #tpu.memory_space<semaphore_mem>>) src(%dma_wait3A_1447 : memref<17600x64xf32, #tpu.memory_space<vmem_shared>>) dst(%arg9 : memref<32x64xf32, #tpu.memory_space<vmem>>)
    %dma_wait3A_1448 = arith.constant 9 : i32
    %dma_wait3A_1449 = arith.constant 0 : i32
    %dma_wait3A_1450 = tpu.memref_slice %arg7[%dma_wait3A_1448, %dma_wait3A_1449] : memref<28x32xi32, #tpu.memory_space<vmem>> -> memref<1x32xi32, #tpu.memory_space<vmem>>
    %dma_wait3A_1451 = tpu.memref_squeeze %dma_wait3A_1450 : memref<1x32xi32, #tpu.memory_space<vmem>> -> memref<32xi32, #tpu.memory_space<vmem>>
    %dma_wait3A_1452 = arith.constant 0 : i32
    %dma_wait3A_1453 = arith.constant 0 : i32
    %dma_wait3A_1454 = tpu.memref_slice %arg10[%dma_wait3A_1452, %dma_wait3A_1453] : memref<17600x64xf32, #tpu.memory_space<vmem_shared>> -> memref<17600x64xf32, #tpu.memory_space<vmem_shared>>
    tpu.wait_indirect_dma semaphore(%arg11 : memref<!tpu.dma_semaphore, #tpu.memory_space<semaphore_mem>>) src(%dma_wait3A_1454 : memref<17600x64xf32, #tpu.memory_space<vmem_shared>>) dst(%arg9 : memref<32x64xf32, #tpu.memory_space<vmem>>)
    %dma_wait3A_1455 = arith.constant 10 : i32
    %dma_wait3A_1456 = arith.constant 0 : i32
    %dma_wait3A_1457 = tpu.memref_slice %arg7[%dma_wait3A_1455, %dma_wait3A_1456] : memref<28x32xi32, #tpu.memory_space<vmem>> -> memref<1x32xi32, #tpu.memory_space<vmem>>
    %dma_wait3A_1458 = tpu.memref_squeeze %dma_wait3A_1457 : memref<1x32xi32, #tpu.memory_space<vmem>> -> memref<32xi32, #tpu.memory_space<vmem>>
    %dma_wait3A_1459 = arith.constant 0 : i32
    %dma_wait3A_1460 = arith.constant 0 : i32
    %dma_wait3A_1461 = tpu.memref_slice %arg10[%dma_wait3A_1459, %dma_wait3A_1460] : memref<17600x64xf32, #tpu.memory_space<vmem_shared>> -> memref<17600x64xf32, #tpu.memory_space<vmem_shared>>
    tpu.wait_indirect_dma semaphore(%arg11 : memref<!tpu.dma_semaphore, #tpu.memory_space<semaphore_mem>>) src(%dma_wait3A_1461 : memref<17600x64xf32, #tpu.memory_space<vmem_shared>>) dst(%arg9 : memref<32x64xf32, #tpu.memory_space<vmem>>)
    %dma_wait3A_1462 = arith.constant 11 : i32
    %dma_wait3A_1463 = arith.constant 0 : i32
    %dma_wait3A_1464 = tpu.memref_slice %arg7[%dma_wait3A_1462, %dma_wait3A_1463] : memref<28x32xi32, #tpu.memory_space<vmem>> -> memref<1x32xi32, #tpu.memory_space<vmem>>
    %dma_wait3A_1465 = tpu.memref_squeeze %dma_wait3A_1464 : memref<1x32xi32, #tpu.memory_space<vmem>> -> memref<32xi32, #tpu.memory_space<vmem>>
    %dma_wait3A_1466 = arith.constant 0 : i32
    %dma_wait3A_1467 = arith.constant 0 : i32
    %dma_wait3A_1468 = tpu.memref_slice %arg10[%dma_wait3A_1466, %dma_wait3A_1467] : memref<17600x64xf32, #tpu.memory_space<vmem_shared>> -> memref<17600x64xf32, #tpu.memory_space<vmem_shared>>
    tpu.wait_indirect_dma semaphore(%arg11 : memref<!tpu.dma_semaphore, #tpu.memory_space<semaphore_mem>>) src(%dma_wait3A_1468 : memref<17600x64xf32, #tpu.memory_space<vmem_shared>>) dst(%arg9 : memref<32x64xf32, #tpu.memory_space<vmem>>)
    %dma_wait3A_1469 = arith.constant 12 : i32
    %dma_wait3A_1470 = arith.constant 0 : i32
    %dma_wait3A_1471 = tpu.memref_slice %arg7[%dma_wait3A_1469, %dma_wait3A_1470] : memref<28x32xi32, #tpu.memory_space<vmem>> -> memref<1x32xi32, #tpu.memory_space<vmem>>
    %dma_wait3A_1472 = tpu.memref_squeeze %dma_wait3A_1471 : memref<1x32xi32, #tpu.memory_space<vmem>> -> memref<32xi32, #tpu.memory_space<vmem>>
    %dma_wait3A_1473 = arith.constant 0 : i32
    %dma_wait3A_1474 = arith.constant 0 : i32
    %dma_wait3A_1475 = tpu.memref_slice %arg10[%dma_wait3A_1473, %dma_wait3A_1474] : memref<17600x64xf32, #tpu.memory_space<vmem_shared>> -> memref<17600x64xf32, #tpu.memory_space<vmem_shared>>
    tpu.wait_indirect_dma semaphore(%arg11 : memref<!tpu.dma_semaphore, #tpu.memory_space<semaphore_mem>>) src(%dma_wait3A_1475 : memref<17600x64xf32, #tpu.memory_space<vmem_shared>>) dst(%arg9 : memref<32x64xf32, #tpu.memory_space<vmem>>)
    %dma_wait3A_1476 = arith.constant 13 : i32
    %dma_wait3A_1477 = arith.constant 0 : i32
    %dma_wait3A_1478 = tpu.memref_slice %arg7[%dma_wait3A_1476, %dma_wait3A_1477] : memref<28x32xi32, #tpu.memory_space<vmem>> -> memref<1x32xi32, #tpu.memory_space<vmem>>
    %dma_wait3A_1479 = tpu.memref_squeeze %dma_wait3A_1478 : memref<1x32xi32, #tpu.memory_space<vmem>> -> memref<32xi32, #tpu.memory_space<vmem>>
    %dma_wait3A_1480 = arith.constant 0 : i32
    %dma_wait3A_1481 = arith.constant 0 : i32
    %dma_wait3A_1482 = tpu.memref_slice %arg10[%dma_wait3A_1480, %dma_wait3A_1481] : memref<17600x64xf32, #tpu.memory_space<vmem_shared>> -> memref<17600x64xf32, #tpu.memory_space<vmem_shared>>
    tpu.wait_indirect_dma semaphore(%arg11 : memref<!tpu.dma_semaphore, #tpu.memory_space<semaphore_mem>>) src(%dma_wait3A_1482 : memref<17600x64xf32, #tpu.memory_space<vmem_shared>>) dst(%arg9 : memref<32x64xf32, #tpu.memory_space<vmem>>)
    %dma_wait3A_1483 = arith.constant 14 : i32
    %dma_wait3A_1484 = arith.constant 0 : i32
    %dma_wait3A_1485 = tpu.memref_slice %arg7[%dma_wait3A_1483, %dma_wait3A_1484] : memref<28x32xi32, #tpu.memory_space<vmem>> -> memref<1x32xi32, #tpu.memory_space<vmem>>
    %dma_wait3A_1486 = tpu.memref_squeeze %dma_wait3A_1485 : memref<1x32xi32, #tpu.memory_space<vmem>> -> memref<32xi32, #tpu.memory_space<vmem>>
    %dma_wait3A_1487 = arith.constant 0 : i32
    %dma_wait3A_1488 = arith.constant 0 : i32
    %dma_wait3A_1489 = tpu.memref_slice %arg10[%dma_wait3A_1487, %dma_wait3A_1488] : memref<17600x64xf32, #tpu.memory_space<vmem_shared>> -> memref<17600x64xf32, #tpu.memory_space<vmem_shared>>
    tpu.wait_indirect_dma semaphore(%arg11 : memref<!tpu.dma_semaphore, #tpu.memory_space<semaphore_mem>>) src(%dma_wait3A_1489 : memref<17600x64xf32, #tpu.memory_space<vmem_shared>>) dst(%arg9 : memref<32x64xf32, #tpu.memory_space<vmem>>)
    %dma_wait3A_1490 = arith.constant 15 : i32
    %dma_wait3A_1491 = arith.constant 0 : i32
    %dma_wait3A_1492 = tpu.memref_slice %arg7[%dma_wait3A_1490, %dma_wait3A_1491] : memref<28x32xi32, #tpu.memory_space<vmem>> -> memref<1x32xi32, #tpu.memory_space<vmem>>
    %dma_wait3A_1493 = tpu.memref_squeeze %dma_wait3A_1492 : memref<1x32xi32, #tpu.memory_space<vmem>> -> memref<32xi32, #tpu.memory_space<vmem>>
    %dma_wait3A_1494 = arith.constant 0 : i32
    %dma_wait3A_1495 = arith.constant 0 : i32
    %dma_wait3A_1496 = tpu.memref_slice %arg10[%dma_wait3A_1494, %dma_wait3A_1495] : memref<17600x64xf32, #tpu.memory_space<vmem_shared>> -> memref<17600x64xf32, #tpu.memory_space<vmem_shared>>
    tpu.wait_indirect_dma semaphore(%arg11 : memref<!tpu.dma_semaphore, #tpu.memory_space<semaphore_mem>>) src(%dma_wait3A_1496 : memref<17600x64xf32, #tpu.memory_space<vmem_shared>>) dst(%arg9 : memref<32x64xf32, #tpu.memory_space<vmem>>)
    %dma_wait3A_1497 = arith.constant 16 : i32
    %dma_wait3A_1498 = arith.constant 0 : i32
    %dma_wait3A_1499 = tpu.memref_slice %arg7[%dma_wait3A_1497, %dma_wait3A_1498] : memref<28x32xi32, #tpu.memory_space<vmem>> -> memref<1x32xi32, #tpu.memory_space<vmem>>
    %dma_wait3A_1500 = tpu.memref_squeeze %dma_wait3A_1499 : memref<1x32xi32, #tpu.memory_space<vmem>> -> memref<32xi32, #tpu.memory_space<vmem>>
    %dma_wait3A_1501 = arith.constant 0 : i32
    %dma_wait3A_1502 = arith.constant 0 : i32
    %dma_wait3A_1503 = tpu.memref_slice %arg10[%dma_wait3A_1501, %dma_wait3A_1502] : memref<17600x64xf32, #tpu.memory_space<vmem_shared>> -> memref<17600x64xf32, #tpu.memory_space<vmem_shared>>
    tpu.wait_indirect_dma semaphore(%arg11 : memref<!tpu.dma_semaphore, #tpu.memory_space<semaphore_mem>>) src(%dma_wait3A_1503 : memref<17600x64xf32, #tpu.memory_space<vmem_shared>>) dst(%arg9 : memref<32x64xf32, #tpu.memory_space<vmem>>)
    %dma_wait3A_1504 = arith.constant 17 : i32
    %dma_wait3A_1505 = arith.constant 0 : i32
    %dma_wait3A_1506 = tpu.memref_slice %arg7[%dma_wait3A_1504, %dma_wait3A_1505] : memref<28x32xi32, #tpu.memory_space<vmem>> -> memref<1x32xi32, #tpu.memory_space<vmem>>
    %dma_wait3A_1507 = tpu.memref_squeeze %dma_wait3A_1506 : memref<1x32xi32, #tpu.memory_space<vmem>> -> memref<32xi32, #tpu.memory_space<vmem>>
    %dma_wait3A_1508 = arith.constant 0 : i32
    %dma_wait3A_1509 = arith.constant 0 : i32
    %dma_wait3A_1510 = tpu.memref_slice %arg10[%dma_wait3A_1508, %dma_wait3A_1509] : memref<17600x64xf32, #tpu.memory_space<vmem_shared>> -> memref<17600x64xf32, #tpu.memory_space<vmem_shared>>
    tpu.wait_indirect_dma semaphore(%arg11 : memref<!tpu.dma_semaphore, #tpu.memory_space<semaphore_mem>>) src(%dma_wait3A_1510 : memref<17600x64xf32, #tpu.memory_space<vmem_shared>>) dst(%arg9 : memref<32x64xf32, #tpu.memory_space<vmem>>)
    %dma_wait3A_1511 = arith.constant 18 : i32
    %dma_wait3A_1512 = arith.constant 0 : i32
    %dma_wait3A_1513 = tpu.memref_slice %arg7[%dma_wait3A_1511, %dma_wait3A_1512] : memref<28x32xi32, #tpu.memory_space<vmem>> -> memref<1x32xi32, #tpu.memory_space<vmem>>
    %dma_wait3A_1514 = tpu.memref_squeeze %dma_wait3A_1513 : memref<1x32xi32, #tpu.memory_space<vmem>> -> memref<32xi32, #tpu.memory_space<vmem>>
    %dma_wait3A_1515 = arith.constant 0 : i32
    %dma_wait3A_1516 = arith.constant 0 : i32
    %dma_wait3A_1517 = tpu.memref_slice %arg10[%dma_wait3A_1515, %dma_wait3A_1516] : memref<17600x64xf32, #tpu.memory_space<vmem_shared>> -> memref<17600x64xf32, #tpu.memory_space<vmem_shared>>
    tpu.wait_indirect_dma semaphore(%arg11 : memref<!tpu.dma_semaphore, #tpu.memory_space<semaphore_mem>>) src(%dma_wait3A_1517 : memref<17600x64xf32, #tpu.memory_space<vmem_shared>>) dst(%arg9 : memref<32x64xf32, #tpu.memory_space<vmem>>)
    %dma_wait3A_1518 = arith.constant 19 : i32
    %dma_wait3A_1519 = arith.constant 0 : i32
    %dma_wait3A_1520 = tpu.memref_slice %arg7[%dma_wait3A_1518, %dma_wait3A_1519] : memref<28x32xi32, #tpu.memory_space<vmem>> -> memref<1x32xi32, #tpu.memory_space<vmem>>
    %dma_wait3A_1521 = tpu.memref_squeeze %dma_wait3A_1520 : memref<1x32xi32, #tpu.memory_space<vmem>> -> memref<32xi32, #tpu.memory_space<vmem>>
    %dma_wait3A_1522 = arith.constant 0 : i32
    %dma_wait3A_1523 = arith.constant 0 : i32
    %dma_wait3A_1524 = tpu.memref_slice %arg10[%dma_wait3A_1522, %dma_wait3A_1523] : memref<17600x64xf32, #tpu.memory_space<vmem_shared>> -> memref<17600x64xf32, #tpu.memory_space<vmem_shared>>
    tpu.wait_indirect_dma semaphore(%arg11 : memref<!tpu.dma_semaphore, #tpu.memory_space<semaphore_mem>>) src(%dma_wait3A_1524 : memref<17600x64xf32, #tpu.memory_space<vmem_shared>>) dst(%arg9 : memref<32x64xf32, #tpu.memory_space<vmem>>)
    %dma_wait3A_1525 = arith.constant 20 : i32
    %dma_wait3A_1526 = arith.constant 0 : i32
    %dma_wait3A_1527 = tpu.memref_slice %arg7[%dma_wait3A_1525, %dma_wait3A_1526] : memref<28x32xi32, #tpu.memory_space<vmem>> -> memref<1x32xi32, #tpu.memory_space<vmem>>
    %dma_wait3A_1528 = tpu.memref_squeeze %dma_wait3A_1527 : memref<1x32xi32, #tpu.memory_space<vmem>> -> memref<32xi32, #tpu.memory_space<vmem>>
    %dma_wait3A_1529 = arith.constant 0 : i32
    %dma_wait3A_1530 = arith.constant 0 : i32
    %dma_wait3A_1531 = tpu.memref_slice %arg10[%dma_wait3A_1529, %dma_wait3A_1530] : memref<17600x64xf32, #tpu.memory_space<vmem_shared>> -> memref<17600x64xf32, #tpu.memory_space<vmem_shared>>
    tpu.wait_indirect_dma semaphore(%arg11 : memref<!tpu.dma_semaphore, #tpu.memory_space<semaphore_mem>>) src(%dma_wait3A_1531 : memref<17600x64xf32, #tpu.memory_space<vmem_shared>>) dst(%arg9 : memref<32x64xf32, #tpu.memory_space<vmem>>)
    %dma_wait3A_1532 = arith.constant 21 : i32
    %dma_wait3A_1533 = arith.constant 0 : i32
    %dma_wait3A_1534 = tpu.memref_slice %arg7[%dma_wait3A_1532, %dma_wait3A_1533] : memref<28x32xi32, #tpu.memory_space<vmem>> -> memref<1x32xi32, #tpu.memory_space<vmem>>
    %dma_wait3A_1535 = tpu.memref_squeeze %dma_wait3A_1534 : memref<1x32xi32, #tpu.memory_space<vmem>> -> memref<32xi32, #tpu.memory_space<vmem>>
    %dma_wait3A_1536 = arith.constant 0 : i32
    %dma_wait3A_1537 = arith.constant 0 : i32
    %dma_wait3A_1538 = tpu.memref_slice %arg10[%dma_wait3A_1536, %dma_wait3A_1537] : memref<17600x64xf32, #tpu.memory_space<vmem_shared>> -> memref<17600x64xf32, #tpu.memory_space<vmem_shared>>
    tpu.wait_indirect_dma semaphore(%arg11 : memref<!tpu.dma_semaphore, #tpu.memory_space<semaphore_mem>>) src(%dma_wait3A_1538 : memref<17600x64xf32, #tpu.memory_space<vmem_shared>>) dst(%arg9 : memref<32x64xf32, #tpu.memory_space<vmem>>)
    %dma_wait3A_1539 = arith.constant 22 : i32
    %dma_wait3A_1540 = arith.constant 0 : i32
    %dma_wait3A_1541 = tpu.memref_slice %arg7[%dma_wait3A_1539, %dma_wait3A_1540] : memref<28x32xi32, #tpu.memory_space<vmem>> -> memref<1x32xi32, #tpu.memory_space<vmem>>
    %dma_wait3A_1542 = tpu.memref_squeeze %dma_wait3A_1541 : memref<1x32xi32, #tpu.memory_space<vmem>> -> memref<32xi32, #tpu.memory_space<vmem>>
    %dma_wait3A_1543 = arith.constant 0 : i32
    %dma_wait3A_1544 = arith.constant 0 : i32
    %dma_wait3A_1545 = tpu.memref_slice %arg10[%dma_wait3A_1543, %dma_wait3A_1544] : memref<17600x64xf32, #tpu.memory_space<vmem_shared>> -> memref<17600x64xf32, #tpu.memory_space<vmem_shared>>
    tpu.wait_indirect_dma semaphore(%arg11 : memref<!tpu.dma_semaphore, #tpu.memory_space<semaphore_mem>>) src(%dma_wait3A_1545 : memref<17600x64xf32, #tpu.memory_space<vmem_shared>>) dst(%arg9 : memref<32x64xf32, #tpu.memory_space<vmem>>)
    %dma_wait3A_1546 = arith.constant 23 : i32
    %dma_wait3A_1547 = arith.constant 0 : i32
    %dma_wait3A_1548 = tpu.memref_slice %arg7[%dma_wait3A_1546, %dma_wait3A_1547] : memref<28x32xi32, #tpu.memory_space<vmem>> -> memref<1x32xi32, #tpu.memory_space<vmem>>
    %dma_wait3A_1549 = tpu.memref_squeeze %dma_wait3A_1548 : memref<1x32xi32, #tpu.memory_space<vmem>> -> memref<32xi32, #tpu.memory_space<vmem>>
    %dma_wait3A_1550 = arith.constant 0 : i32
    %dma_wait3A_1551 = arith.constant 0 : i32
    %dma_wait3A_1552 = tpu.memref_slice %arg10[%dma_wait3A_1550, %dma_wait3A_1551] : memref<17600x64xf32, #tpu.memory_space<vmem_shared>> -> memref<17600x64xf32, #tpu.memory_space<vmem_shared>>
    tpu.wait_indirect_dma semaphore(%arg11 : memref<!tpu.dma_semaphore, #tpu.memory_space<semaphore_mem>>) src(%dma_wait3A_1552 : memref<17600x64xf32, #tpu.memory_space<vmem_shared>>) dst(%arg9 : memref<32x64xf32, #tpu.memory_space<vmem>>)
    %dma_wait3A_1553 = arith.constant 24 : i32
    %dma_wait3A_1554 = arith.constant 0 : i32
    %dma_wait3A_1555 = tpu.memref_slice %arg7[%dma_wait3A_1553, %dma_wait3A_1554] : memref<28x32xi32, #tpu.memory_space<vmem>> -> memref<1x32xi32, #tpu.memory_space<vmem>>
    %dma_wait3A_1556 = tpu.memref_squeeze %dma_wait3A_1555 : memref<1x32xi32, #tpu.memory_space<vmem>> -> memref<32xi32, #tpu.memory_space<vmem>>
    %dma_wait3A_1557 = arith.constant 0 : i32
    %dma_wait3A_1558 = arith.constant 0 : i32
    %dma_wait3A_1559 = tpu.memref_slice %arg10[%dma_wait3A_1557, %dma_wait3A_1558] : memref<17600x64xf32, #tpu.memory_space<vmem_shared>> -> memref<17600x64xf32, #tpu.memory_space<vmem_shared>>
    tpu.wait_indirect_dma semaphore(%arg11 : memref<!tpu.dma_semaphore, #tpu.memory_space<semaphore_mem>>) src(%dma_wait3A_1559 : memref<17600x64xf32, #tpu.memory_space<vmem_shared>>) dst(%arg9 : memref<32x64xf32, #tpu.memory_space<vmem>>)
    %dma_wait3A_1560 = arith.constant 25 : i32
    %dma_wait3A_1561 = arith.constant 0 : i32
    %dma_wait3A_1562 = tpu.memref_slice %arg7[%dma_wait3A_1560, %dma_wait3A_1561] : memref<28x32xi32, #tpu.memory_space<vmem>> -> memref<1x32xi32, #tpu.memory_space<vmem>>
    %dma_wait3A_1563 = tpu.memref_squeeze %dma_wait3A_1562 : memref<1x32xi32, #tpu.memory_space<vmem>> -> memref<32xi32, #tpu.memory_space<vmem>>
    %dma_wait3A_1564 = arith.constant 0 : i32
    %dma_wait3A_1565 = arith.constant 0 : i32
    %dma_wait3A_1566 = tpu.memref_slice %arg10[%dma_wait3A_1564, %dma_wait3A_1565] : memref<17600x64xf32, #tpu.memory_space<vmem_shared>> -> memref<17600x64xf32, #tpu.memory_space<vmem_shared>>
    tpu.wait_indirect_dma semaphore(%arg11 : memref<!tpu.dma_semaphore, #tpu.memory_space<semaphore_mem>>) src(%dma_wait3A_1566 : memref<17600x64xf32, #tpu.memory_space<vmem_shared>>) dst(%arg9 : memref<32x64xf32, #tpu.memory_space<vmem>>)
    %dma_wait3A_1567 = arith.constant 26 : i32
    %dma_wait3A_1568 = arith.constant 0 : i32
    %dma_wait3A_1569 = tpu.memref_slice %arg7[%dma_wait3A_1567, %dma_wait3A_1568] : memref<28x32xi32, #tpu.memory_space<vmem>> -> memref<1x32xi32, #tpu.memory_space<vmem>>
    %dma_wait3A_1570 = tpu.memref_squeeze %dma_wait3A_1569 : memref<1x32xi32, #tpu.memory_space<vmem>> -> memref<32xi32, #tpu.memory_space<vmem>>
    %dma_wait3A_1571 = arith.constant 0 : i32
    %dma_wait3A_1572 = arith.constant 0 : i32
    %dma_wait3A_1573 = tpu.memref_slice %arg10[%dma_wait3A_1571, %dma_wait3A_1572] : memref<17600x64xf32, #tpu.memory_space<vmem_shared>> -> memref<17600x64xf32, #tpu.memory_space<vmem_shared>>
    tpu.wait_indirect_dma semaphore(%arg11 : memref<!tpu.dma_semaphore, #tpu.memory_space<semaphore_mem>>) src(%dma_wait3A_1573 : memref<17600x64xf32, #tpu.memory_space<vmem_shared>>) dst(%arg9 : memref<32x64xf32, #tpu.memory_space<vmem>>)
    %dma_wait3A_1574 = arith.constant 27 : i32
    %dma_wait3A_1575 = arith.constant 0 : i32
    %dma_wait3A_1576 = tpu.memref_slice %arg7[%dma_wait3A_1574, %dma_wait3A_1575] : memref<28x32xi32, #tpu.memory_space<vmem>> -> memref<1x32xi32, #tpu.memory_space<vmem>>
    %dma_wait3A_1577 = tpu.memref_squeeze %dma_wait3A_1576 : memref<1x32xi32, #tpu.memory_space<vmem>> -> memref<32xi32, #tpu.memory_space<vmem>>
    %dma_wait3A_1578 = arith.constant 0 : i32
    %dma_wait3A_1579 = arith.constant 0 : i32
    %dma_wait3A_1580 = tpu.memref_slice %arg10[%dma_wait3A_1578, %dma_wait3A_1579] : memref<17600x64xf32, #tpu.memory_space<vmem_shared>> -> memref<17600x64xf32, #tpu.memory_space<vmem_shared>>
    tpu.wait_indirect_dma semaphore(%arg11 : memref<!tpu.dma_semaphore, #tpu.memory_space<semaphore_mem>>) src(%dma_wait3A_1580 : memref<17600x64xf32, #tpu.memory_space<vmem_shared>>) dst(%arg9 : memref<32x64xf32, #tpu.memory_space<vmem>>)
    %mul3A_1581 = arith.constant 25 : i32
    %mul3A_1582 = arith.muli %add3A, %mul3A_1581 : i32
    "tpu.region"() ({
      %run_scoped3A = tpu.sem_alloc : memref<!tpu.dma_semaphore, #tpu.memory_space<semaphore_mem>>
      %dma_start3A_1583 = arith.constant 0 : i32
      %dma_start3A_1584 = arith.constant 0 : i32
      %dma_start3A_1585 = tpu.memref_slice %arg9[%dma_start3A_1583, %dma_start3A_1584] : memref<32x64xf32, #tpu.memory_space<vmem>> -> memref<25x64xf32, #tpu.memory_space<vmem>>
      %dma_start3A_1586 = arith.constant 0 : i32
      %dma_start3A_1587 = tpu.memref_slice %arg5[%mul3A_1582, %dma_start3A_1586] : memref<800x64xf32, #tpu.memory_space<hbm>> -> memref<25x64xf32, #tpu.memory_space<hbm>>
      %dma_start3A_1588 = arith.constant 0 : i32
      %dma_start3A_1589 = tpu.memref_slice %arg5[%mul3A_1582, %dma_start3A_1588] : memref<800x64xf32, #tpu.memory_space<hbm>> -> memref<25x64xf32, #tpu.memory_space<hbm>>
      %dma_start3A_1590 = arith.constant 0 : i32
      %dma_start3A_1591 = arith.constant 0 : i32
      %dma_start3A_1592 = tpu.memref_slice %arg9[%dma_start3A_1590, %dma_start3A_1591] : memref<32x64xf32, #tpu.memory_space<vmem>> -> memref<25x64xf32, #tpu.memory_space<vmem>>
      tpu.enqueue_dma source(%dma_start3A_1592 : memref<25x64xf32, #tpu.memory_space<vmem>>) target(%dma_start3A_1589 : memref<25x64xf32, #tpu.memory_space<hbm>>) target_semaphore(%run_scoped3A : memref<!tpu.dma_semaphore, #tpu.memory_space<semaphore_mem>>)
      %dma_wait3A_1593 = arith.constant 0 : i32
      %dma_wait3A_1594 = arith.constant 0 : i32
      %dma_wait3A_1595 = tpu.memref_slice %arg9[%dma_wait3A_1593, %dma_wait3A_1594] : memref<32x64xf32, #tpu.memory_space<vmem>> -> memref<25x64xf32, #tpu.memory_space<vmem>>
      %dma_wait3A_1596 = arith.constant 0 : i32
      %dma_wait3A_1597 = tpu.memref_slice %arg5[%mul3A_1582, %dma_wait3A_1596] : memref<800x64xf32, #tpu.memory_space<hbm>> -> memref<25x64xf32, #tpu.memory_space<hbm>>
      %dma_wait3A_1598 = arith.constant 0 : i32
      %dma_wait3A_1599 = tpu.memref_slice %arg5[%mul3A_1582, %dma_wait3A_1598] : memref<800x64xf32, #tpu.memory_space<hbm>> -> memref<25x64xf32, #tpu.memory_space<hbm>>
      %dma_wait3A_1600 = arith.constant 0 : i32
      %dma_wait3A_1601 = arith.constant 0 : i32
      %dma_wait3A_1602 = tpu.memref_slice %arg9[%dma_wait3A_1600, %dma_wait3A_1601] : memref<32x64xf32, #tpu.memory_space<vmem>> -> memref<25x64xf32, #tpu.memory_space<vmem>>
      tpu.wait_dma2 semaphore(%run_scoped3A : memref<!tpu.dma_semaphore, #tpu.memory_space<semaphore_mem>>) src(%dma_wait3A_1602 : memref<25x64xf32, #tpu.memory_space<vmem>>) dst(%dma_wait3A_1599 : memref<25x64xf32, #tpu.memory_space<hbm>>)
      tpu.yield
    }) : () -> ()
    return
  }
}

module attributes {stable_mosaic.version = 14 : i64} {
  func.func @_t_body(%arg0: i32, %arg1: memref<64x1x20x289xf32, #tpu.memory_space<vmem>>, %arg2: memref<1x20x64xf32, #tpu.memory_space<vmem>>, %arg3: memref<64x225xf32, #tpu.memory_space<vmem>>, %arg4: memref<20x176x64xf32, #tpu.memory_space<vmem>>) attributes {dimension_semantics = [#tpu.dimension_semantics<arbitrary>], iteration_bounds = array<i64: 5>, scalar_prefetch = 0 : i64, scratch_operands = 0 : i64, tpu.core_type = #tpu.core_type<tc>, window_params = [{transform_indices = @transform_0, window_bounds = array<i64: 64, 1, 20, 289>}, {transform_indices = @transform_1, window_bounds = array<i64: 1, 20, 64>}, {pipeline_mode = #tpu.pipeline_mode<synchronous>, transform_indices = @transform_2, window_bounds = array<i64: 64, 225>}, {transform_indices = @transform_3, window_bounds = array<i64: 20, 176, 64>}]} {
    %get3A = arith.constant 0 : index
    %get3A_0 = arith.constant 0 : index
    %get3A_1 = vector.load %arg3[%get3A, %get3A_0] : memref<64x225xf32, #tpu.memory_space<vmem>>, vector<64x225xf32>
    %get3A_2 = arith.constant 0 : index
    %get3A_3 = arith.constant 0 : index
    %get3A_4 = arith.constant 0 : index
    %get3A_5 = arith.constant 0 : index
    %get3A_6 = vector.load %arg1[%get3A_2, %get3A_3, %get3A_4, %get3A_5] : memref<64x1x20x289xf32, #tpu.memory_space<vmem>>, vector<64x1x1x289xf32>
    %get3A_7 = vector.shape_cast %get3A_6 : vector<64x1x1x289xf32> to vector<64x289xf32>
    %slice3A = vector.extract_strided_slice %get3A_7 {offsets = [0, 0], sizes = [64, 64], strides = [1, 1]} : vector<64x289xf32> to vector<64x64xf32>
    %get3A_8 = arith.constant 0 : index
    %get3A_9 = arith.constant 0 : index
    %get3A_10 = arith.constant 0 : index
    %get3A_11 = vector.load %arg2[%get3A_8, %get3A_9, %get3A_10] : memref<1x20x64xf32, #tpu.memory_space<vmem>>, vector<1x1x64xf32>
    %get3A_12 = vector.shape_cast %get3A_11 : vector<1x1x64xf32> to vector<1x64xf32>
    %mul3A = vector.broadcast %get3A_12 : vector<1x64xf32> to vector<64x64xf32>
    %mul3A_13 = arith.mulf %slice3A, %mul3A : vector<64x64xf32>
    %dot_general3A = arith.constant dense<0.000000e+00> : vector<225x64xf32>
    %dot_general3A_14 = tpu.matmul %get3A_1, %mul3A_13, %dot_general3A {dimension_numbers = #tpu.dot_dimension_numbers<[0], [1], [1], [0], [0, 1, 1, 0], [], []>, transpose_lhs_hint = false} : vector<64x225xf32>, vector<64x64xf32>, vector<225x64xf32> -> vector<225x64xf32>
    %slice3A_15 = vector.extract_strided_slice %get3A_7 {offsets = [0, 64], sizes = [64, 225], strides = [1, 1]} : vector<64x289xf32> to vector<64x225xf32>
    %transpose3A = tpu.transpose %slice3A_15, [1, 0] : vector<64x225xf32> -> vector<225x64xf32>
    %add3A = arith.addf %dot_general3A_14, %transpose3A : vector<225x64xf32>
    %slice3A_16 = vector.extract_strided_slice %add3A {offsets = [0, 0], sizes = [25, 64], strides = [1, 1]} : vector<225x64xf32> to vector<25x64xf32>
    %slice3A_17 = vector.extract_strided_slice %add3A {offsets = [25, 0], sizes = [25, 64], strides = [1, 1]} : vector<225x64xf32> to vector<25x64xf32>
    %add3A_18 = arith.addf %slice3A_16, %slice3A_17 : vector<25x64xf32>
    %slice3A_19 = vector.extract_strided_slice %add3A {offsets = [50, 0], sizes = [25, 64], strides = [1, 1]} : vector<225x64xf32> to vector<25x64xf32>
    %add3A_20 = arith.addf %add3A_18, %slice3A_19 : vector<25x64xf32>
    %slice3A_21 = vector.extract_strided_slice %add3A {offsets = [75, 0], sizes = [150, 64], strides = [1, 1]} : vector<225x64xf32> to vector<150x64xf32>
    %broadcast_in_dim3A = arith.constant 0.000000e+00 : f32
    %broadcast_in_dim3A_22 = vector.broadcast %broadcast_in_dim3A : f32 to vector<1x64xf32>
    %concatenate3A = tpu.concatenate %add3A_20, %slice3A_21, %broadcast_in_dim3A_22 in 0 : vector<25x64xf32>, vector<150x64xf32>, vector<1x64xf32> -> vector<176x64xf32>
    %swap3A = arith.constant 0 : index
    %swap3A_23 = arith.constant 0 : index
    %swap3A_24 = arith.constant 0 : index
    %swap3A_25 = vector.load %arg4[%swap3A, %swap3A_23, %swap3A_24] : memref<20x176x64xf32, #tpu.memory_space<vmem>>, vector<1x176x64xf32>
    %swap3A_26 = vector.shape_cast %swap3A_25 : vector<1x176x64xf32> to vector<176x64xf32>
    %swap3A_27 = vector.shape_cast %concatenate3A : vector<176x64xf32> to vector<1x176x64xf32>
    tpu.vector_store %arg4[%swap3A, %swap3A_23, %swap3A_24], %swap3A_27 {strides = array<i32>} : memref<20x176x64xf32, #tpu.memory_space<vmem>>, vector<1x176x64xf32>,
    %get3A_28 = arith.constant 0 : index
    %get3A_29 = arith.constant 0 : index
    %get3A_30 = arith.constant 1 : index
    %get3A_31 = arith.constant 0 : index
    %get3A_32 = vector.load %arg1[%get3A_28, %get3A_29, %get3A_30, %get3A_31] : memref<64x1x20x289xf32, #tpu.memory_space<vmem>>, vector<64x1x1x289xf32>
    %get3A_33 = vector.shape_cast %get3A_32 : vector<64x1x1x289xf32> to vector<64x289xf32>
    %slice3A_34 = vector.extract_strided_slice %get3A_33 {offsets = [0, 0], sizes = [64, 64], strides = [1, 1]} : vector<64x289xf32> to vector<64x64xf32>
    %get3A_35 = arith.constant 0 : index
    %get3A_36 = arith.constant 1 : index
    %get3A_37 = arith.constant 0 : index
    %get3A_38 = vector.load %arg2[%get3A_35, %get3A_36, %get3A_37] : memref<1x20x64xf32, #tpu.memory_space<vmem>>, vector<1x1x64xf32>
    %get3A_39 = vector.shape_cast %get3A_38 : vector<1x1x64xf32> to vector<1x64xf32>
    %mul3A_40 = vector.broadcast %get3A_39 : vector<1x64xf32> to vector<64x64xf32>
    %mul3A_41 = arith.mulf %slice3A_34, %mul3A_40 : vector<64x64xf32>
    %dot_general3A_42 = arith.constant dense<0.000000e+00> : vector<225x64xf32>
    %dot_general3A_43 = tpu.matmul %get3A_1, %mul3A_41, %dot_general3A_42 {dimension_numbers = #tpu.dot_dimension_numbers<[0], [1], [1], [0], [0, 1, 1, 0], [], []>, transpose_lhs_hint = false} : vector<64x225xf32>, vector<64x64xf32>, vector<225x64xf32> -> vector<225x64xf32>
    %slice3A_44 = vector.extract_strided_slice %get3A_33 {offsets = [0, 64], sizes = [64, 225], strides = [1, 1]} : vector<64x289xf32> to vector<64x225xf32>
    %transpose3A_45 = tpu.transpose %slice3A_44, [1, 0] : vector<64x225xf32> -> vector<225x64xf32>
    %add3A_46 = arith.addf %dot_general3A_43, %transpose3A_45 : vector<225x64xf32>
    %slice3A_47 = vector.extract_strided_slice %add3A_46 {offsets = [0, 0], sizes = [25, 64], strides = [1, 1]} : vector<225x64xf32> to vector<25x64xf32>
    %slice3A_48 = vector.extract_strided_slice %add3A_46 {offsets = [25, 0], sizes = [25, 64], strides = [1, 1]} : vector<225x64xf32> to vector<25x64xf32>
    %add3A_49 = arith.addf %slice3A_47, %slice3A_48 : vector<25x64xf32>
    %slice3A_50 = vector.extract_strided_slice %add3A_46 {offsets = [50, 0], sizes = [25, 64], strides = [1, 1]} : vector<225x64xf32> to vector<25x64xf32>
    %add3A_51 = arith.addf %add3A_49, %slice3A_50 : vector<25x64xf32>
    %slice3A_52 = vector.extract_strided_slice %add3A_46 {offsets = [75, 0], sizes = [150, 64], strides = [1, 1]} : vector<225x64xf32> to vector<150x64xf32>
    %broadcast_in_dim3A_53 = arith.constant 0.000000e+00 : f32
    %broadcast_in_dim3A_54 = vector.broadcast %broadcast_in_dim3A_53 : f32 to vector<1x64xf32>
    %concatenate3A_55 = tpu.concatenate %add3A_51, %slice3A_52, %broadcast_in_dim3A_54 in 0 : vector<25x64xf32>, vector<150x64xf32>, vector<1x64xf32> -> vector<176x64xf32>
    %swap3A_56 = arith.constant 1 : index
    %swap3A_57 = arith.constant 0 : index
    %swap3A_58 = arith.constant 0 : index
    %swap3A_59 = vector.load %arg4[%swap3A_56, %swap3A_57, %swap3A_58] : memref<20x176x64xf32, #tpu.memory_space<vmem>>, vector<1x176x64xf32>
    %swap3A_60 = vector.shape_cast %swap3A_59 : vector<1x176x64xf32> to vector<176x64xf32>
    %swap3A_61 = vector.shape_cast %concatenate3A_55 : vector<176x64xf32> to vector<1x176x64xf32>
    tpu.vector_store %arg4[%swap3A_56, %swap3A_57, %swap3A_58], %swap3A_61 {strides = array<i32>} : memref<20x176x64xf32, #tpu.memory_space<vmem>>, vector<1x176x64xf32>,
    %get3A_62 = arith.constant 0 : index
    %get3A_63 = arith.constant 0 : index
    %get3A_64 = arith.constant 2 : index
    %get3A_65 = arith.constant 0 : index
    %get3A_66 = vector.load %arg1[%get3A_62, %get3A_63, %get3A_64, %get3A_65] : memref<64x1x20x289xf32, #tpu.memory_space<vmem>>, vector<64x1x1x289xf32>
    %get3A_67 = vector.shape_cast %get3A_66 : vector<64x1x1x289xf32> to vector<64x289xf32>
    %slice3A_68 = vector.extract_strided_slice %get3A_67 {offsets = [0, 0], sizes = [64, 64], strides = [1, 1]} : vector<64x289xf32> to vector<64x64xf32>
    %get3A_69 = arith.constant 0 : index
    %get3A_70 = arith.constant 2 : index
    %get3A_71 = arith.constant 0 : index
    %get3A_72 = vector.load %arg2[%get3A_69, %get3A_70, %get3A_71] : memref<1x20x64xf32, #tpu.memory_space<vmem>>, vector<1x1x64xf32>
    %get3A_73 = vector.shape_cast %get3A_72 : vector<1x1x64xf32> to vector<1x64xf32>
    %mul3A_74 = vector.broadcast %get3A_73 : vector<1x64xf32> to vector<64x64xf32>
    %mul3A_75 = arith.mulf %slice3A_68, %mul3A_74 : vector<64x64xf32>
    %dot_general3A_76 = arith.constant dense<0.000000e+00> : vector<225x64xf32>
    %dot_general3A_77 = tpu.matmul %get3A_1, %mul3A_75, %dot_general3A_76 {dimension_numbers = #tpu.dot_dimension_numbers<[0], [1], [1], [0], [0, 1, 1, 0], [], []>, transpose_lhs_hint = false} : vector<64x225xf32>, vector<64x64xf32>, vector<225x64xf32> -> vector<225x64xf32>
    %slice3A_78 = vector.extract_strided_slice %get3A_67 {offsets = [0, 64], sizes = [64, 225], strides = [1, 1]} : vector<64x289xf32> to vector<64x225xf32>
    %transpose3A_79 = tpu.transpose %slice3A_78, [1, 0] : vector<64x225xf32> -> vector<225x64xf32>
    %add3A_80 = arith.addf %dot_general3A_77, %transpose3A_79 : vector<225x64xf32>
    %slice3A_81 = vector.extract_strided_slice %add3A_80 {offsets = [0, 0], sizes = [25, 64], strides = [1, 1]} : vector<225x64xf32> to vector<25x64xf32>
    %slice3A_82 = vector.extract_strided_slice %add3A_80 {offsets = [25, 0], sizes = [25, 64], strides = [1, 1]} : vector<225x64xf32> to vector<25x64xf32>
    %add3A_83 = arith.addf %slice3A_81, %slice3A_82 : vector<25x64xf32>
    %slice3A_84 = vector.extract_strided_slice %add3A_80 {offsets = [50, 0], sizes = [25, 64], strides = [1, 1]} : vector<225x64xf32> to vector<25x64xf32>
    %add3A_85 = arith.addf %add3A_83, %slice3A_84 : vector<25x64xf32>
    %slice3A_86 = vector.extract_strided_slice %add3A_80 {offsets = [75, 0], sizes = [150, 64], strides = [1, 1]} : vector<225x64xf32> to vector<150x64xf32>
    %broadcast_in_dim3A_87 = arith.constant 0.000000e+00 : f32
    %broadcast_in_dim3A_88 = vector.broadcast %broadcast_in_dim3A_87 : f32 to vector<1x64xf32>
    %concatenate3A_89 = tpu.concatenate %add3A_85, %slice3A_86, %broadcast_in_dim3A_88 in 0 : vector<25x64xf32>, vector<150x64xf32>, vector<1x64xf32> -> vector<176x64xf32>
    %swap3A_90 = arith.constant 2 : index
    %swap3A_91 = arith.constant 0 : index
    %swap3A_92 = arith.constant 0 : index
    %swap3A_93 = vector.load %arg4[%swap3A_90, %swap3A_91, %swap3A_92] : memref<20x176x64xf32, #tpu.memory_space<vmem>>, vector<1x176x64xf32>
    %swap3A_94 = vector.shape_cast %swap3A_93 : vector<1x176x64xf32> to vector<176x64xf32>
    %swap3A_95 = vector.shape_cast %concatenate3A_89 : vector<176x64xf32> to vector<1x176x64xf32>
    tpu.vector_store %arg4[%swap3A_90, %swap3A_91, %swap3A_92], %swap3A_95 {strides = array<i32>} : memref<20x176x64xf32, #tpu.memory_space<vmem>>, vector<1x176x64xf32>,
    %get3A_96 = arith.constant 0 : index
    %get3A_97 = arith.constant 0 : index
    %get3A_98 = arith.constant 3 : index
    %get3A_99 = arith.constant 0 : index
    %get3A_100 = vector.load %arg1[%get3A_96, %get3A_97, %get3A_98, %get3A_99] : memref<64x1x20x289xf32, #tpu.memory_space<vmem>>, vector<64x1x1x289xf32>
    %get3A_101 = vector.shape_cast %get3A_100 : vector<64x1x1x289xf32> to vector<64x289xf32>
    %slice3A_102 = vector.extract_strided_slice %get3A_101 {offsets = [0, 0], sizes = [64, 64], strides = [1, 1]} : vector<64x289xf32> to vector<64x64xf32>
    %get3A_103 = arith.constant 0 : index
    %get3A_104 = arith.constant 3 : index
    %get3A_105 = arith.constant 0 : index
    %get3A_106 = vector.load %arg2[%get3A_103, %get3A_104, %get3A_105] : memref<1x20x64xf32, #tpu.memory_space<vmem>>, vector<1x1x64xf32>
    %get3A_107 = vector.shape_cast %get3A_106 : vector<1x1x64xf32> to vector<1x64xf32>
    %mul3A_108 = vector.broadcast %get3A_107 : vector<1x64xf32> to vector<64x64xf32>
    %mul3A_109 = arith.mulf %slice3A_102, %mul3A_108 : vector<64x64xf32>
    %dot_general3A_110 = arith.constant dense<0.000000e+00> : vector<225x64xf32>
    %dot_general3A_111 = tpu.matmul %get3A_1, %mul3A_109, %dot_general3A_110 {dimension_numbers = #tpu.dot_dimension_numbers<[0], [1], [1], [0], [0, 1, 1, 0], [], []>, transpose_lhs_hint = false} : vector<64x225xf32>, vector<64x64xf32>, vector<225x64xf32> -> vector<225x64xf32>
    %slice3A_112 = vector.extract_strided_slice %get3A_101 {offsets = [0, 64], sizes = [64, 225], strides = [1, 1]} : vector<64x289xf32> to vector<64x225xf32>
    %transpose3A_113 = tpu.transpose %slice3A_112, [1, 0] : vector<64x225xf32> -> vector<225x64xf32>
    %add3A_114 = arith.addf %dot_general3A_111, %transpose3A_113 : vector<225x64xf32>
    %slice3A_115 = vector.extract_strided_slice %add3A_114 {offsets = [0, 0], sizes = [25, 64], strides = [1, 1]} : vector<225x64xf32> to vector<25x64xf32>
    %slice3A_116 = vector.extract_strided_slice %add3A_114 {offsets = [25, 0], sizes = [25, 64], strides = [1, 1]} : vector<225x64xf32> to vector<25x64xf32>
    %add3A_117 = arith.addf %slice3A_115, %slice3A_116 : vector<25x64xf32>
    %slice3A_118 = vector.extract_strided_slice %add3A_114 {offsets = [50, 0], sizes = [25, 64], strides = [1, 1]} : vector<225x64xf32> to vector<25x64xf32>
    %add3A_119 = arith.addf %add3A_117, %slice3A_118 : vector<25x64xf32>
    %slice3A_120 = vector.extract_strided_slice %add3A_114 {offsets = [75, 0], sizes = [150, 64], strides = [1, 1]} : vector<225x64xf32> to vector<150x64xf32>
    %broadcast_in_dim3A_121 = arith.constant 0.000000e+00 : f32
    %broadcast_in_dim3A_122 = vector.broadcast %broadcast_in_dim3A_121 : f32 to vector<1x64xf32>
    %concatenate3A_123 = tpu.concatenate %add3A_119, %slice3A_120, %broadcast_in_dim3A_122 in 0 : vector<25x64xf32>, vector<150x64xf32>, vector<1x64xf32> -> vector<176x64xf32>
    %swap3A_124 = arith.constant 3 : index
    %swap3A_125 = arith.constant 0 : index
    %swap3A_126 = arith.constant 0 : index
    %swap3A_127 = vector.load %arg4[%swap3A_124, %swap3A_125, %swap3A_126] : memref<20x176x64xf32, #tpu.memory_space<vmem>>, vector<1x176x64xf32>
    %swap3A_128 = vector.shape_cast %swap3A_127 : vector<1x176x64xf32> to vector<176x64xf32>
    %swap3A_129 = vector.shape_cast %concatenate3A_123 : vector<176x64xf32> to vector<1x176x64xf32>
    tpu.vector_store %arg4[%swap3A_124, %swap3A_125, %swap3A_126], %swap3A_129 {strides = array<i32>} : memref<20x176x64xf32, #tpu.memory_space<vmem>>, vector<1x176x64xf32>,
    %get3A_130 = arith.constant 0 : index
    %get3A_131 = arith.constant 0 : index
    %get3A_132 = arith.constant 4 : index
    %get3A_133 = arith.constant 0 : index
    %get3A_134 = vector.load %arg1[%get3A_130, %get3A_131, %get3A_132, %get3A_133] : memref<64x1x20x289xf32, #tpu.memory_space<vmem>>, vector<64x1x1x289xf32>
    %get3A_135 = vector.shape_cast %get3A_134 : vector<64x1x1x289xf32> to vector<64x289xf32>
    %slice3A_136 = vector.extract_strided_slice %get3A_135 {offsets = [0, 0], sizes = [64, 64], strides = [1, 1]} : vector<64x289xf32> to vector<64x64xf32>
    %get3A_137 = arith.constant 0 : index
    %get3A_138 = arith.constant 4 : index
    %get3A_139 = arith.constant 0 : index
    %get3A_140 = vector.load %arg2[%get3A_137, %get3A_138, %get3A_139] : memref<1x20x64xf32, #tpu.memory_space<vmem>>, vector<1x1x64xf32>
    %get3A_141 = vector.shape_cast %get3A_140 : vector<1x1x64xf32> to vector<1x64xf32>
    %mul3A_142 = vector.broadcast %get3A_141 : vector<1x64xf32> to vector<64x64xf32>
    %mul3A_143 = arith.mulf %slice3A_136, %mul3A_142 : vector<64x64xf32>
    %dot_general3A_144 = arith.constant dense<0.000000e+00> : vector<225x64xf32>
    %dot_general3A_145 = tpu.matmul %get3A_1, %mul3A_143, %dot_general3A_144 {dimension_numbers = #tpu.dot_dimension_numbers<[0], [1], [1], [0], [0, 1, 1, 0], [], []>, transpose_lhs_hint = false} : vector<64x225xf32>, vector<64x64xf32>, vector<225x64xf32> -> vector<225x64xf32>
    %slice3A_146 = vector.extract_strided_slice %get3A_135 {offsets = [0, 64], sizes = [64, 225], strides = [1, 1]} : vector<64x289xf32> to vector<64x225xf32>
    %transpose3A_147 = tpu.transpose %slice3A_146, [1, 0] : vector<64x225xf32> -> vector<225x64xf32>
    %add3A_148 = arith.addf %dot_general3A_145, %transpose3A_147 : vector<225x64xf32>
    %slice3A_149 = vector.extract_strided_slice %add3A_148 {offsets = [0, 0], sizes = [25, 64], strides = [1, 1]} : vector<225x64xf32> to vector<25x64xf32>
    %slice3A_150 = vector.extract_strided_slice %add3A_148 {offsets = [25, 0], sizes = [25, 64], strides = [1, 1]} : vector<225x64xf32> to vector<25x64xf32>
    %add3A_151 = arith.addf %slice3A_149, %slice3A_150 : vector<25x64xf32>
    %slice3A_152 = vector.extract_strided_slice %add3A_148 {offsets = [50, 0], sizes = [25, 64], strides = [1, 1]} : vector<225x64xf32> to vector<25x64xf32>
    %add3A_153 = arith.addf %add3A_151, %slice3A_152 : vector<25x64xf32>
    %slice3A_154 = vector.extract_strided_slice %add3A_148 {offsets = [75, 0], sizes = [150, 64], strides = [1, 1]} : vector<225x64xf32> to vector<150x64xf32>
    %broadcast_in_dim3A_155 = arith.constant 0.000000e+00 : f32
    %broadcast_in_dim3A_156 = vector.broadcast %broadcast_in_dim3A_155 : f32 to vector<1x64xf32>
    %concatenate3A_157 = tpu.concatenate %add3A_153, %slice3A_154, %broadcast_in_dim3A_156 in 0 : vector<25x64xf32>, vector<150x64xf32>, vector<1x64xf32> -> vector<176x64xf32>
    %swap3A_158 = arith.constant 4 : index
    %swap3A_159 = arith.constant 0 : index
    %swap3A_160 = arith.constant 0 : index
    %swap3A_161 = vector.load %arg4[%swap3A_158, %swap3A_159, %swap3A_160] : memref<20x176x64xf32, #tpu.memory_space<vmem>>, vector<1x176x64xf32>
    %swap3A_162 = vector.shape_cast %swap3A_161 : vector<1x176x64xf32> to vector<176x64xf32>
    %swap3A_163 = vector.shape_cast %concatenate3A_157 : vector<176x64xf32> to vector<1x176x64xf32>
    tpu.vector_store %arg4[%swap3A_158, %swap3A_159, %swap3A_160], %swap3A_163 {strides = array<i32>} : memref<20x176x64xf32, #tpu.memory_space<vmem>>, vector<1x176x64xf32>,
    %get3A_164 = arith.constant 0 : index
    %get3A_165 = arith.constant 0 : index
    %get3A_166 = arith.constant 5 : index
    %get3A_167 = arith.constant 0 : index
    %get3A_168 = vector.load %arg1[%get3A_164, %get3A_165, %get3A_166, %get3A_167] : memref<64x1x20x289xf32, #tpu.memory_space<vmem>>, vector<64x1x1x289xf32>
    %get3A_169 = vector.shape_cast %get3A_168 : vector<64x1x1x289xf32> to vector<64x289xf32>
    %slice3A_170 = vector.extract_strided_slice %get3A_169 {offsets = [0, 0], sizes = [64, 64], strides = [1, 1]} : vector<64x289xf32> to vector<64x64xf32>
    %get3A_171 = arith.constant 0 : index
    %get3A_172 = arith.constant 5 : index
    %get3A_173 = arith.constant 0 : index
    %get3A_174 = vector.load %arg2[%get3A_171, %get3A_172, %get3A_173] : memref<1x20x64xf32, #tpu.memory_space<vmem>>, vector<1x1x64xf32>
    %get3A_175 = vector.shape_cast %get3A_174 : vector<1x1x64xf32> to vector<1x64xf32>
    %mul3A_176 = vector.broadcast %get3A_175 : vector<1x64xf32> to vector<64x64xf32>
    %mul3A_177 = arith.mulf %slice3A_170, %mul3A_176 : vector<64x64xf32>
    %dot_general3A_178 = arith.constant dense<0.000000e+00> : vector<225x64xf32>
    %dot_general3A_179 = tpu.matmul %get3A_1, %mul3A_177, %dot_general3A_178 {dimension_numbers = #tpu.dot_dimension_numbers<[0], [1], [1], [0], [0, 1, 1, 0], [], []>, transpose_lhs_hint = false} : vector<64x225xf32>, vector<64x64xf32>, vector<225x64xf32> -> vector<225x64xf32>
    %slice3A_180 = vector.extract_strided_slice %get3A_169 {offsets = [0, 64], sizes = [64, 225], strides = [1, 1]} : vector<64x289xf32> to vector<64x225xf32>
    %transpose3A_181 = tpu.transpose %slice3A_180, [1, 0] : vector<64x225xf32> -> vector<225x64xf32>
    %add3A_182 = arith.addf %dot_general3A_179, %transpose3A_181 : vector<225x64xf32>
    %slice3A_183 = vector.extract_strided_slice %add3A_182 {offsets = [0, 0], sizes = [25, 64], strides = [1, 1]} : vector<225x64xf32> to vector<25x64xf32>
    %slice3A_184 = vector.extract_strided_slice %add3A_182 {offsets = [25, 0], sizes = [25, 64], strides = [1, 1]} : vector<225x64xf32> to vector<25x64xf32>
    %add3A_185 = arith.addf %slice3A_183, %slice3A_184 : vector<25x64xf32>
    %slice3A_186 = vector.extract_strided_slice %add3A_182 {offsets = [50, 0], sizes = [25, 64], strides = [1, 1]} : vector<225x64xf32> to vector<25x64xf32>
    %add3A_187 = arith.addf %add3A_185, %slice3A_186 : vector<25x64xf32>
    %slice3A_188 = vector.extract_strided_slice %add3A_182 {offsets = [75, 0], sizes = [150, 64], strides = [1, 1]} : vector<225x64xf32> to vector<150x64xf32>
    %broadcast_in_dim3A_189 = arith.constant 0.000000e+00 : f32
    %broadcast_in_dim3A_190 = vector.broadcast %broadcast_in_dim3A_189 : f32 to vector<1x64xf32>
    %concatenate3A_191 = tpu.concatenate %add3A_187, %slice3A_188, %broadcast_in_dim3A_190 in 0 : vector<25x64xf32>, vector<150x64xf32>, vector<1x64xf32> -> vector<176x64xf32>
    %swap3A_192 = arith.constant 5 : index
    %swap3A_193 = arith.constant 0 : index
    %swap3A_194 = arith.constant 0 : index
    %swap3A_195 = vector.load %arg4[%swap3A_192, %swap3A_193, %swap3A_194] : memref<20x176x64xf32, #tpu.memory_space<vmem>>, vector<1x176x64xf32>
    %swap3A_196 = vector.shape_cast %swap3A_195 : vector<1x176x64xf32> to vector<176x64xf32>
    %swap3A_197 = vector.shape_cast %concatenate3A_191 : vector<176x64xf32> to vector<1x176x64xf32>
    tpu.vector_store %arg4[%swap3A_192, %swap3A_193, %swap3A_194], %swap3A_197 {strides = array<i32>} : memref<20x176x64xf32, #tpu.memory_space<vmem>>, vector<1x176x64xf32>,
    %get3A_198 = arith.constant 0 : index
    %get3A_199 = arith.constant 0 : index
    %get3A_200 = arith.constant 6 : index
    %get3A_201 = arith.constant 0 : index
    %get3A_202 = vector.load %arg1[%get3A_198, %get3A_199, %get3A_200, %get3A_201] : memref<64x1x20x289xf32, #tpu.memory_space<vmem>>, vector<64x1x1x289xf32>
    %get3A_203 = vector.shape_cast %get3A_202 : vector<64x1x1x289xf32> to vector<64x289xf32>
    %slice3A_204 = vector.extract_strided_slice %get3A_203 {offsets = [0, 0], sizes = [64, 64], strides = [1, 1]} : vector<64x289xf32> to vector<64x64xf32>
    %get3A_205 = arith.constant 0 : index
    %get3A_206 = arith.constant 6 : index
    %get3A_207 = arith.constant 0 : index
    %get3A_208 = vector.load %arg2[%get3A_205, %get3A_206, %get3A_207] : memref<1x20x64xf32, #tpu.memory_space<vmem>>, vector<1x1x64xf32>
    %get3A_209 = vector.shape_cast %get3A_208 : vector<1x1x64xf32> to vector<1x64xf32>
    %mul3A_210 = vector.broadcast %get3A_209 : vector<1x64xf32> to vector<64x64xf32>
    %mul3A_211 = arith.mulf %slice3A_204, %mul3A_210 : vector<64x64xf32>
    %dot_general3A_212 = arith.constant dense<0.000000e+00> : vector<225x64xf32>
    %dot_general3A_213 = tpu.matmul %get3A_1, %mul3A_211, %dot_general3A_212 {dimension_numbers = #tpu.dot_dimension_numbers<[0], [1], [1], [0], [0, 1, 1, 0], [], []>, transpose_lhs_hint = false} : vector<64x225xf32>, vector<64x64xf32>, vector<225x64xf32> -> vector<225x64xf32>
    %slice3A_214 = vector.extract_strided_slice %get3A_203 {offsets = [0, 64], sizes = [64, 225], strides = [1, 1]} : vector<64x289xf32> to vector<64x225xf32>
    %transpose3A_215 = tpu.transpose %slice3A_214, [1, 0] : vector<64x225xf32> -> vector<225x64xf32>
    %add3A_216 = arith.addf %dot_general3A_213, %transpose3A_215 : vector<225x64xf32>
    %slice3A_217 = vector.extract_strided_slice %add3A_216 {offsets = [0, 0], sizes = [25, 64], strides = [1, 1]} : vector<225x64xf32> to vector<25x64xf32>
    %slice3A_218 = vector.extract_strided_slice %add3A_216 {offsets = [25, 0], sizes = [25, 64], strides = [1, 1]} : vector<225x64xf32> to vector<25x64xf32>
    %add3A_219 = arith.addf %slice3A_217, %slice3A_218 : vector<25x64xf32>
    %slice3A_220 = vector.extract_strided_slice %add3A_216 {offsets = [50, 0], sizes = [25, 64], strides = [1, 1]} : vector<225x64xf32> to vector<25x64xf32>
    %add3A_221 = arith.addf %add3A_219, %slice3A_220 : vector<25x64xf32>
    %slice3A_222 = vector.extract_strided_slice %add3A_216 {offsets = [75, 0], sizes = [150, 64], strides = [1, 1]} : vector<225x64xf32> to vector<150x64xf32>
    %broadcast_in_dim3A_223 = arith.constant 0.000000e+00 : f32
    %broadcast_in_dim3A_224 = vector.broadcast %broadcast_in_dim3A_223 : f32 to vector<1x64xf32>
    %concatenate3A_225 = tpu.concatenate %add3A_221, %slice3A_222, %broadcast_in_dim3A_224 in 0 : vector<25x64xf32>, vector<150x64xf32>, vector<1x64xf32> -> vector<176x64xf32>
    %swap3A_226 = arith.constant 6 : index
    %swap3A_227 = arith.constant 0 : index
    %swap3A_228 = arith.constant 0 : index
    %swap3A_229 = vector.load %arg4[%swap3A_226, %swap3A_227, %swap3A_228] : memref<20x176x64xf32, #tpu.memory_space<vmem>>, vector<1x176x64xf32>
    %swap3A_230 = vector.shape_cast %swap3A_229 : vector<1x176x64xf32> to vector<176x64xf32>
    %swap3A_231 = vector.shape_cast %concatenate3A_225 : vector<176x64xf32> to vector<1x176x64xf32>
    tpu.vector_store %arg4[%swap3A_226, %swap3A_227, %swap3A_228], %swap3A_231 {strides = array<i32>} : memref<20x176x64xf32, #tpu.memory_space<vmem>>, vector<1x176x64xf32>,
    %get3A_232 = arith.constant 0 : index
    %get3A_233 = arith.constant 0 : index
    %get3A_234 = arith.constant 7 : index
    %get3A_235 = arith.constant 0 : index
    %get3A_236 = vector.load %arg1[%get3A_232, %get3A_233, %get3A_234, %get3A_235] : memref<64x1x20x289xf32, #tpu.memory_space<vmem>>, vector<64x1x1x289xf32>
    %get3A_237 = vector.shape_cast %get3A_236 : vector<64x1x1x289xf32> to vector<64x289xf32>
    %slice3A_238 = vector.extract_strided_slice %get3A_237 {offsets = [0, 0], sizes = [64, 64], strides = [1, 1]} : vector<64x289xf32> to vector<64x64xf32>
    %get3A_239 = arith.constant 0 : index
    %get3A_240 = arith.constant 7 : index
    %get3A_241 = arith.constant 0 : index
    %get3A_242 = vector.load %arg2[%get3A_239, %get3A_240, %get3A_241] : memref<1x20x64xf32, #tpu.memory_space<vmem>>, vector<1x1x64xf32>
    %get3A_243 = vector.shape_cast %get3A_242 : vector<1x1x64xf32> to vector<1x64xf32>
    %mul3A_244 = vector.broadcast %get3A_243 : vector<1x64xf32> to vector<64x64xf32>
    %mul3A_245 = arith.mulf %slice3A_238, %mul3A_244 : vector<64x64xf32>
    %dot_general3A_246 = arith.constant dense<0.000000e+00> : vector<225x64xf32>
    %dot_general3A_247 = tpu.matmul %get3A_1, %mul3A_245, %dot_general3A_246 {dimension_numbers = #tpu.dot_dimension_numbers<[0], [1], [1], [0], [0, 1, 1, 0], [], []>, transpose_lhs_hint = false} : vector<64x225xf32>, vector<64x64xf32>, vector<225x64xf32> -> vector<225x64xf32>
    %slice3A_248 = vector.extract_strided_slice %get3A_237 {offsets = [0, 64], sizes = [64, 225], strides = [1, 1]} : vector<64x289xf32> to vector<64x225xf32>
    %transpose3A_249 = tpu.transpose %slice3A_248, [1, 0] : vector<64x225xf32> -> vector<225x64xf32>
    %add3A_250 = arith.addf %dot_general3A_247, %transpose3A_249 : vector<225x64xf32>
    %slice3A_251 = vector.extract_strided_slice %add3A_250 {offsets = [0, 0], sizes = [25, 64], strides = [1, 1]} : vector<225x64xf32> to vector<25x64xf32>
    %slice3A_252 = vector.extract_strided_slice %add3A_250 {offsets = [25, 0], sizes = [25, 64], strides = [1, 1]} : vector<225x64xf32> to vector<25x64xf32>
    %add3A_253 = arith.addf %slice3A_251, %slice3A_252 : vector<25x64xf32>
    %slice3A_254 = vector.extract_strided_slice %add3A_250 {offsets = [50, 0], sizes = [25, 64], strides = [1, 1]} : vector<225x64xf32> to vector<25x64xf32>
    %add3A_255 = arith.addf %add3A_253, %slice3A_254 : vector<25x64xf32>
    %slice3A_256 = vector.extract_strided_slice %add3A_250 {offsets = [75, 0], sizes = [150, 64], strides = [1, 1]} : vector<225x64xf32> to vector<150x64xf32>
    %broadcast_in_dim3A_257 = arith.constant 0.000000e+00 : f32
    %broadcast_in_dim3A_258 = vector.broadcast %broadcast_in_dim3A_257 : f32 to vector<1x64xf32>
    %concatenate3A_259 = tpu.concatenate %add3A_255, %slice3A_256, %broadcast_in_dim3A_258 in 0 : vector<25x64xf32>, vector<150x64xf32>, vector<1x64xf32> -> vector<176x64xf32>
    %swap3A_260 = arith.constant 7 : index
    %swap3A_261 = arith.constant 0 : index
    %swap3A_262 = arith.constant 0 : index
    %swap3A_263 = vector.load %arg4[%swap3A_260, %swap3A_261, %swap3A_262] : memref<20x176x64xf32, #tpu.memory_space<vmem>>, vector<1x176x64xf32>
    %swap3A_264 = vector.shape_cast %swap3A_263 : vector<1x176x64xf32> to vector<176x64xf32>
    %swap3A_265 = vector.shape_cast %concatenate3A_259 : vector<176x64xf32> to vector<1x176x64xf32>
    tpu.vector_store %arg4[%swap3A_260, %swap3A_261, %swap3A_262], %swap3A_265 {strides = array<i32>} : memref<20x176x64xf32, #tpu.memory_space<vmem>>, vector<1x176x64xf32>,
    %get3A_266 = arith.constant 0 : index
    %get3A_267 = arith.constant 0 : index
    %get3A_268 = arith.constant 8 : index
    %get3A_269 = arith.constant 0 : index
    %get3A_270 = vector.load %arg1[%get3A_266, %get3A_267, %get3A_268, %get3A_269] : memref<64x1x20x289xf32, #tpu.memory_space<vmem>>, vector<64x1x1x289xf32>
    %get3A_271 = vector.shape_cast %get3A_270 : vector<64x1x1x289xf32> to vector<64x289xf32>
    %slice3A_272 = vector.extract_strided_slice %get3A_271 {offsets = [0, 0], sizes = [64, 64], strides = [1, 1]} : vector<64x289xf32> to vector<64x64xf32>
    %get3A_273 = arith.constant 0 : index
    %get3A_274 = arith.constant 8 : index
    %get3A_275 = arith.constant 0 : index
    %get3A_276 = vector.load %arg2[%get3A_273, %get3A_274, %get3A_275] : memref<1x20x64xf32, #tpu.memory_space<vmem>>, vector<1x1x64xf32>
    %get3A_277 = vector.shape_cast %get3A_276 : vector<1x1x64xf32> to vector<1x64xf32>
    %mul3A_278 = vector.broadcast %get3A_277 : vector<1x64xf32> to vector<64x64xf32>
    %mul3A_279 = arith.mulf %slice3A_272, %mul3A_278 : vector<64x64xf32>
    %dot_general3A_280 = arith.constant dense<0.000000e+00> : vector<225x64xf32>
    %dot_general3A_281 = tpu.matmul %get3A_1, %mul3A_279, %dot_general3A_280 {dimension_numbers = #tpu.dot_dimension_numbers<[0], [1], [1], [0], [0, 1, 1, 0], [], []>, transpose_lhs_hint = false} : vector<64x225xf32>, vector<64x64xf32>, vector<225x64xf32> -> vector<225x64xf32>
    %slice3A_282 = vector.extract_strided_slice %get3A_271 {offsets = [0, 64], sizes = [64, 225], strides = [1, 1]} : vector<64x289xf32> to vector<64x225xf32>
    %transpose3A_283 = tpu.transpose %slice3A_282, [1, 0] : vector<64x225xf32> -> vector<225x64xf32>
    %add3A_284 = arith.addf %dot_general3A_281, %transpose3A_283 : vector<225x64xf32>
    %slice3A_285 = vector.extract_strided_slice %add3A_284 {offsets = [0, 0], sizes = [25, 64], strides = [1, 1]} : vector<225x64xf32> to vector<25x64xf32>
    %slice3A_286 = vector.extract_strided_slice %add3A_284 {offsets = [25, 0], sizes = [25, 64], strides = [1, 1]} : vector<225x64xf32> to vector<25x64xf32>
    %add3A_287 = arith.addf %slice3A_285, %slice3A_286 : vector<25x64xf32>
    %slice3A_288 = vector.extract_strided_slice %add3A_284 {offsets = [50, 0], sizes = [25, 64], strides = [1, 1]} : vector<225x64xf32> to vector<25x64xf32>
    %add3A_289 = arith.addf %add3A_287, %slice3A_288 : vector<25x64xf32>
    %slice3A_290 = vector.extract_strided_slice %add3A_284 {offsets = [75, 0], sizes = [150, 64], strides = [1, 1]} : vector<225x64xf32> to vector<150x64xf32>
    %broadcast_in_dim3A_291 = arith.constant 0.000000e+00 : f32
    %broadcast_in_dim3A_292 = vector.broadcast %broadcast_in_dim3A_291 : f32 to vector<1x64xf32>
    %concatenate3A_293 = tpu.concatenate %add3A_289, %slice3A_290, %broadcast_in_dim3A_292 in 0 : vector<25x64xf32>, vector<150x64xf32>, vector<1x64xf32> -> vector<176x64xf32>
    %swap3A_294 = arith.constant 8 : index
    %swap3A_295 = arith.constant 0 : index
    %swap3A_296 = arith.constant 0 : index
    %swap3A_297 = vector.load %arg4[%swap3A_294, %swap3A_295, %swap3A_296] : memref<20x176x64xf32, #tpu.memory_space<vmem>>, vector<1x176x64xf32>
    %swap3A_298 = vector.shape_cast %swap3A_297 : vector<1x176x64xf32> to vector<176x64xf32>
    %swap3A_299 = vector.shape_cast %concatenate3A_293 : vector<176x64xf32> to vector<1x176x64xf32>
    tpu.vector_store %arg4[%swap3A_294, %swap3A_295, %swap3A_296], %swap3A_299 {strides = array<i32>} : memref<20x176x64xf32, #tpu.memory_space<vmem>>, vector<1x176x64xf32>,
    %get3A_300 = arith.constant 0 : index
    %get3A_301 = arith.constant 0 : index
    %get3A_302 = arith.constant 9 : index
    %get3A_303 = arith.constant 0 : index
    %get3A_304 = vector.load %arg1[%get3A_300, %get3A_301, %get3A_302, %get3A_303] : memref<64x1x20x289xf32, #tpu.memory_space<vmem>>, vector<64x1x1x289xf32>
    %get3A_305 = vector.shape_cast %get3A_304 : vector<64x1x1x289xf32> to vector<64x289xf32>
    %slice3A_306 = vector.extract_strided_slice %get3A_305 {offsets = [0, 0], sizes = [64, 64], strides = [1, 1]} : vector<64x289xf32> to vector<64x64xf32>
    %get3A_307 = arith.constant 0 : index
    %get3A_308 = arith.constant 9 : index
    %get3A_309 = arith.constant 0 : index
    %get3A_310 = vector.load %arg2[%get3A_307, %get3A_308, %get3A_309] : memref<1x20x64xf32, #tpu.memory_space<vmem>>, vector<1x1x64xf32>
    %get3A_311 = vector.shape_cast %get3A_310 : vector<1x1x64xf32> to vector<1x64xf32>
    %mul3A_312 = vector.broadcast %get3A_311 : vector<1x64xf32> to vector<64x64xf32>
    %mul3A_313 = arith.mulf %slice3A_306, %mul3A_312 : vector<64x64xf32>
    %dot_general3A_314 = arith.constant dense<0.000000e+00> : vector<225x64xf32>
    %dot_general3A_315 = tpu.matmul %get3A_1, %mul3A_313, %dot_general3A_314 {dimension_numbers = #tpu.dot_dimension_numbers<[0], [1], [1], [0], [0, 1, 1, 0], [], []>, transpose_lhs_hint = false} : vector<64x225xf32>, vector<64x64xf32>, vector<225x64xf32> -> vector<225x64xf32>
    %slice3A_316 = vector.extract_strided_slice %get3A_305 {offsets = [0, 64], sizes = [64, 225], strides = [1, 1]} : vector<64x289xf32> to vector<64x225xf32>
    %transpose3A_317 = tpu.transpose %slice3A_316, [1, 0] : vector<64x225xf32> -> vector<225x64xf32>
    %add3A_318 = arith.addf %dot_general3A_315, %transpose3A_317 : vector<225x64xf32>
    %slice3A_319 = vector.extract_strided_slice %add3A_318 {offsets = [0, 0], sizes = [25, 64], strides = [1, 1]} : vector<225x64xf32> to vector<25x64xf32>
    %slice3A_320 = vector.extract_strided_slice %add3A_318 {offsets = [25, 0], sizes = [25, 64], strides = [1, 1]} : vector<225x64xf32> to vector<25x64xf32>
    %add3A_321 = arith.addf %slice3A_319, %slice3A_320 : vector<25x64xf32>
    %slice3A_322 = vector.extract_strided_slice %add3A_318 {offsets = [50, 0], sizes = [25, 64], strides = [1, 1]} : vector<225x64xf32> to vector<25x64xf32>
    %add3A_323 = arith.addf %add3A_321, %slice3A_322 : vector<25x64xf32>
    %slice3A_324 = vector.extract_strided_slice %add3A_318 {offsets = [75, 0], sizes = [150, 64], strides = [1, 1]} : vector<225x64xf32> to vector<150x64xf32>
    %broadcast_in_dim3A_325 = arith.constant 0.000000e+00 : f32
    %broadcast_in_dim3A_326 = vector.broadcast %broadcast_in_dim3A_325 : f32 to vector<1x64xf32>
    %concatenate3A_327 = tpu.concatenate %add3A_323, %slice3A_324, %broadcast_in_dim3A_326 in 0 : vector<25x64xf32>, vector<150x64xf32>, vector<1x64xf32> -> vector<176x64xf32>
    %swap3A_328 = arith.constant 9 : index
    %swap3A_329 = arith.constant 0 : index
    %swap3A_330 = arith.constant 0 : index
    %swap3A_331 = vector.load %arg4[%swap3A_328, %swap3A_329, %swap3A_330] : memref<20x176x64xf32, #tpu.memory_space<vmem>>, vector<1x176x64xf32>
    %swap3A_332 = vector.shape_cast %swap3A_331 : vector<1x176x64xf32> to vector<176x64xf32>
    %swap3A_333 = vector.shape_cast %concatenate3A_327 : vector<176x64xf32> to vector<1x176x64xf32>
    tpu.vector_store %arg4[%swap3A_328, %swap3A_329, %swap3A_330], %swap3A_333 {strides = array<i32>} : memref<20x176x64xf32, #tpu.memory_space<vmem>>, vector<1x176x64xf32>,
    %get3A_334 = arith.constant 0 : index
    %get3A_335 = arith.constant 0 : index
    %get3A_336 = arith.constant 10 : index
    %get3A_337 = arith.constant 0 : index
    %get3A_338 = vector.load %arg1[%get3A_334, %get3A_335, %get3A_336, %get3A_337] : memref<64x1x20x289xf32, #tpu.memory_space<vmem>>, vector<64x1x1x289xf32>
    %get3A_339 = vector.shape_cast %get3A_338 : vector<64x1x1x289xf32> to vector<64x289xf32>
    %slice3A_340 = vector.extract_strided_slice %get3A_339 {offsets = [0, 0], sizes = [64, 64], strides = [1, 1]} : vector<64x289xf32> to vector<64x64xf32>
    %get3A_341 = arith.constant 0 : index
    %get3A_342 = arith.constant 10 : index
    %get3A_343 = arith.constant 0 : index
    %get3A_344 = vector.load %arg2[%get3A_341, %get3A_342, %get3A_343] : memref<1x20x64xf32, #tpu.memory_space<vmem>>, vector<1x1x64xf32>
    %get3A_345 = vector.shape_cast %get3A_344 : vector<1x1x64xf32> to vector<1x64xf32>
    %mul3A_346 = vector.broadcast %get3A_345 : vector<1x64xf32> to vector<64x64xf32>
    %mul3A_347 = arith.mulf %slice3A_340, %mul3A_346 : vector<64x64xf32>
    %dot_general3A_348 = arith.constant dense<0.000000e+00> : vector<225x64xf32>
    %dot_general3A_349 = tpu.matmul %get3A_1, %mul3A_347, %dot_general3A_348 {dimension_numbers = #tpu.dot_dimension_numbers<[0], [1], [1], [0], [0, 1, 1, 0], [], []>, transpose_lhs_hint = false} : vector<64x225xf32>, vector<64x64xf32>, vector<225x64xf32> -> vector<225x64xf32>
    %slice3A_350 = vector.extract_strided_slice %get3A_339 {offsets = [0, 64], sizes = [64, 225], strides = [1, 1]} : vector<64x289xf32> to vector<64x225xf32>
    %transpose3A_351 = tpu.transpose %slice3A_350, [1, 0] : vector<64x225xf32> -> vector<225x64xf32>
    %add3A_352 = arith.addf %dot_general3A_349, %transpose3A_351 : vector<225x64xf32>
    %slice3A_353 = vector.extract_strided_slice %add3A_352 {offsets = [0, 0], sizes = [25, 64], strides = [1, 1]} : vector<225x64xf32> to vector<25x64xf32>
    %slice3A_354 = vector.extract_strided_slice %add3A_352 {offsets = [25, 0], sizes = [25, 64], strides = [1, 1]} : vector<225x64xf32> to vector<25x64xf32>
    %add3A_355 = arith.addf %slice3A_353, %slice3A_354 : vector<25x64xf32>
    %slice3A_356 = vector.extract_strided_slice %add3A_352 {offsets = [50, 0], sizes = [25, 64], strides = [1, 1]} : vector<225x64xf32> to vector<25x64xf32>
    %add3A_357 = arith.addf %add3A_355, %slice3A_356 : vector<25x64xf32>
    %slice3A_358 = vector.extract_strided_slice %add3A_352 {offsets = [75, 0], sizes = [150, 64], strides = [1, 1]} : vector<225x64xf32> to vector<150x64xf32>
    %broadcast_in_dim3A_359 = arith.constant 0.000000e+00 : f32
    %broadcast_in_dim3A_360 = vector.broadcast %broadcast_in_dim3A_359 : f32 to vector<1x64xf32>
    %concatenate3A_361 = tpu.concatenate %add3A_357, %slice3A_358, %broadcast_in_dim3A_360 in 0 : vector<25x64xf32>, vector<150x64xf32>, vector<1x64xf32> -> vector<176x64xf32>
    %swap3A_362 = arith.constant 10 : index
    %swap3A_363 = arith.constant 0 : index
    %swap3A_364 = arith.constant 0 : index
    %swap3A_365 = vector.load %arg4[%swap3A_362, %swap3A_363, %swap3A_364] : memref<20x176x64xf32, #tpu.memory_space<vmem>>, vector<1x176x64xf32>
    %swap3A_366 = vector.shape_cast %swap3A_365 : vector<1x176x64xf32> to vector<176x64xf32>
    %swap3A_367 = vector.shape_cast %concatenate3A_361 : vector<176x64xf32> to vector<1x176x64xf32>
    tpu.vector_store %arg4[%swap3A_362, %swap3A_363, %swap3A_364], %swap3A_367 {strides = array<i32>} : memref<20x176x64xf32, #tpu.memory_space<vmem>>, vector<1x176x64xf32>,
    %get3A_368 = arith.constant 0 : index
    %get3A_369 = arith.constant 0 : index
    %get3A_370 = arith.constant 11 : index
    %get3A_371 = arith.constant 0 : index
    %get3A_372 = vector.load %arg1[%get3A_368, %get3A_369, %get3A_370, %get3A_371] : memref<64x1x20x289xf32, #tpu.memory_space<vmem>>, vector<64x1x1x289xf32>
    %get3A_373 = vector.shape_cast %get3A_372 : vector<64x1x1x289xf32> to vector<64x289xf32>
    %slice3A_374 = vector.extract_strided_slice %get3A_373 {offsets = [0, 0], sizes = [64, 64], strides = [1, 1]} : vector<64x289xf32> to vector<64x64xf32>
    %get3A_375 = arith.constant 0 : index
    %get3A_376 = arith.constant 11 : index
    %get3A_377 = arith.constant 0 : index
    %get3A_378 = vector.load %arg2[%get3A_375, %get3A_376, %get3A_377] : memref<1x20x64xf32, #tpu.memory_space<vmem>>, vector<1x1x64xf32>
    %get3A_379 = vector.shape_cast %get3A_378 : vector<1x1x64xf32> to vector<1x64xf32>
    %mul3A_380 = vector.broadcast %get3A_379 : vector<1x64xf32> to vector<64x64xf32>
    %mul3A_381 = arith.mulf %slice3A_374, %mul3A_380 : vector<64x64xf32>
    %dot_general3A_382 = arith.constant dense<0.000000e+00> : vector<225x64xf32>
    %dot_general3A_383 = tpu.matmul %get3A_1, %mul3A_381, %dot_general3A_382 {dimension_numbers = #tpu.dot_dimension_numbers<[0], [1], [1], [0], [0, 1, 1, 0], [], []>, transpose_lhs_hint = false} : vector<64x225xf32>, vector<64x64xf32>, vector<225x64xf32> -> vector<225x64xf32>
    %slice3A_384 = vector.extract_strided_slice %get3A_373 {offsets = [0, 64], sizes = [64, 225], strides = [1, 1]} : vector<64x289xf32> to vector<64x225xf32>
    %transpose3A_385 = tpu.transpose %slice3A_384, [1, 0] : vector<64x225xf32> -> vector<225x64xf32>
    %add3A_386 = arith.addf %dot_general3A_383, %transpose3A_385 : vector<225x64xf32>
    %slice3A_387 = vector.extract_strided_slice %add3A_386 {offsets = [0, 0], sizes = [25, 64], strides = [1, 1]} : vector<225x64xf32> to vector<25x64xf32>
    %slice3A_388 = vector.extract_strided_slice %add3A_386 {offsets = [25, 0], sizes = [25, 64], strides = [1, 1]} : vector<225x64xf32> to vector<25x64xf32>
    %add3A_389 = arith.addf %slice3A_387, %slice3A_388 : vector<25x64xf32>
    %slice3A_390 = vector.extract_strided_slice %add3A_386 {offsets = [50, 0], sizes = [25, 64], strides = [1, 1]} : vector<225x64xf32> to vector<25x64xf32>
    %add3A_391 = arith.addf %add3A_389, %slice3A_390 : vector<25x64xf32>
    %slice3A_392 = vector.extract_strided_slice %add3A_386 {offsets = [75, 0], sizes = [150, 64], strides = [1, 1]} : vector<225x64xf32> to vector<150x64xf32>
    %broadcast_in_dim3A_393 = arith.constant 0.000000e+00 : f32
    %broadcast_in_dim3A_394 = vector.broadcast %broadcast_in_dim3A_393 : f32 to vector<1x64xf32>
    %concatenate3A_395 = tpu.concatenate %add3A_391, %slice3A_392, %broadcast_in_dim3A_394 in 0 : vector<25x64xf32>, vector<150x64xf32>, vector<1x64xf32> -> vector<176x64xf32>
    %swap3A_396 = arith.constant 11 : index
    %swap3A_397 = arith.constant 0 : index
    %swap3A_398 = arith.constant 0 : index
    %swap3A_399 = vector.load %arg4[%swap3A_396, %swap3A_397, %swap3A_398] : memref<20x176x64xf32, #tpu.memory_space<vmem>>, vector<1x176x64xf32>
    %swap3A_400 = vector.shape_cast %swap3A_399 : vector<1x176x64xf32> to vector<176x64xf32>
    %swap3A_401 = vector.shape_cast %concatenate3A_395 : vector<176x64xf32> to vector<1x176x64xf32>
    tpu.vector_store %arg4[%swap3A_396, %swap3A_397, %swap3A_398], %swap3A_401 {strides = array<i32>} : memref<20x176x64xf32, #tpu.memory_space<vmem>>, vector<1x176x64xf32>,
    %get3A_402 = arith.constant 0 : index
    %get3A_403 = arith.constant 0 : index
    %get3A_404 = arith.constant 12 : index
    %get3A_405 = arith.constant 0 : index
    %get3A_406 = vector.load %arg1[%get3A_402, %get3A_403, %get3A_404, %get3A_405] : memref<64x1x20x289xf32, #tpu.memory_space<vmem>>, vector<64x1x1x289xf32>
    %get3A_407 = vector.shape_cast %get3A_406 : vector<64x1x1x289xf32> to vector<64x289xf32>
    %slice3A_408 = vector.extract_strided_slice %get3A_407 {offsets = [0, 0], sizes = [64, 64], strides = [1, 1]} : vector<64x289xf32> to vector<64x64xf32>
    %get3A_409 = arith.constant 0 : index
    %get3A_410 = arith.constant 12 : index
    %get3A_411 = arith.constant 0 : index
    %get3A_412 = vector.load %arg2[%get3A_409, %get3A_410, %get3A_411] : memref<1x20x64xf32, #tpu.memory_space<vmem>>, vector<1x1x64xf32>
    %get3A_413 = vector.shape_cast %get3A_412 : vector<1x1x64xf32> to vector<1x64xf32>
    %mul3A_414 = vector.broadcast %get3A_413 : vector<1x64xf32> to vector<64x64xf32>
    %mul3A_415 = arith.mulf %slice3A_408, %mul3A_414 : vector<64x64xf32>
    %dot_general3A_416 = arith.constant dense<0.000000e+00> : vector<225x64xf32>
    %dot_general3A_417 = tpu.matmul %get3A_1, %mul3A_415, %dot_general3A_416 {dimension_numbers = #tpu.dot_dimension_numbers<[0], [1], [1], [0], [0, 1, 1, 0], [], []>, transpose_lhs_hint = false} : vector<64x225xf32>, vector<64x64xf32>, vector<225x64xf32> -> vector<225x64xf32>
    %slice3A_418 = vector.extract_strided_slice %get3A_407 {offsets = [0, 64], sizes = [64, 225], strides = [1, 1]} : vector<64x289xf32> to vector<64x225xf32>
    %transpose3A_419 = tpu.transpose %slice3A_418, [1, 0] : vector<64x225xf32> -> vector<225x64xf32>
    %add3A_420 = arith.addf %dot_general3A_417, %transpose3A_419 : vector<225x64xf32>
    %slice3A_421 = vector.extract_strided_slice %add3A_420 {offsets = [0, 0], sizes = [25, 64], strides = [1, 1]} : vector<225x64xf32> to vector<25x64xf32>
    %slice3A_422 = vector.extract_strided_slice %add3A_420 {offsets = [25, 0], sizes = [25, 64], strides = [1, 1]} : vector<225x64xf32> to vector<25x64xf32>
    %add3A_423 = arith.addf %slice3A_421, %slice3A_422 : vector<25x64xf32>
    %slice3A_424 = vector.extract_strided_slice %add3A_420 {offsets = [50, 0], sizes = [25, 64], strides = [1, 1]} : vector<225x64xf32> to vector<25x64xf32>
    %add3A_425 = arith.addf %add3A_423, %slice3A_424 : vector<25x64xf32>
    %slice3A_426 = vector.extract_strided_slice %add3A_420 {offsets = [75, 0], sizes = [150, 64], strides = [1, 1]} : vector<225x64xf32> to vector<150x64xf32>
    %broadcast_in_dim3A_427 = arith.constant 0.000000e+00 : f32
    %broadcast_in_dim3A_428 = vector.broadcast %broadcast_in_dim3A_427 : f32 to vector<1x64xf32>
    %concatenate3A_429 = tpu.concatenate %add3A_425, %slice3A_426, %broadcast_in_dim3A_428 in 0 : vector<25x64xf32>, vector<150x64xf32>, vector<1x64xf32> -> vector<176x64xf32>
    %swap3A_430 = arith.constant 12 : index
    %swap3A_431 = arith.constant 0 : index
    %swap3A_432 = arith.constant 0 : index
    %swap3A_433 = vector.load %arg4[%swap3A_430, %swap3A_431, %swap3A_432] : memref<20x176x64xf32, #tpu.memory_space<vmem>>, vector<1x176x64xf32>
    %swap3A_434 = vector.shape_cast %swap3A_433 : vector<1x176x64xf32> to vector<176x64xf32>
    %swap3A_435 = vector.shape_cast %concatenate3A_429 : vector<176x64xf32> to vector<1x176x64xf32>
    tpu.vector_store %arg4[%swap3A_430, %swap3A_431, %swap3A_432], %swap3A_435 {strides = array<i32>} : memref<20x176x64xf32, #tpu.memory_space<vmem>>, vector<1x176x64xf32>,
    %get3A_436 = arith.constant 0 : index
    %get3A_437 = arith.constant 0 : index
    %get3A_438 = arith.constant 13 : index
    %get3A_439 = arith.constant 0 : index
    %get3A_440 = vector.load %arg1[%get3A_436, %get3A_437, %get3A_438, %get3A_439] : memref<64x1x20x289xf32, #tpu.memory_space<vmem>>, vector<64x1x1x289xf32>
    %get3A_441 = vector.shape_cast %get3A_440 : vector<64x1x1x289xf32> to vector<64x289xf32>
    %slice3A_442 = vector.extract_strided_slice %get3A_441 {offsets = [0, 0], sizes = [64, 64], strides = [1, 1]} : vector<64x289xf32> to vector<64x64xf32>
    %get3A_443 = arith.constant 0 : index
    %get3A_444 = arith.constant 13 : index
    %get3A_445 = arith.constant 0 : index
    %get3A_446 = vector.load %arg2[%get3A_443, %get3A_444, %get3A_445] : memref<1x20x64xf32, #tpu.memory_space<vmem>>, vector<1x1x64xf32>
    %get3A_447 = vector.shape_cast %get3A_446 : vector<1x1x64xf32> to vector<1x64xf32>
    %mul3A_448 = vector.broadcast %get3A_447 : vector<1x64xf32> to vector<64x64xf32>
    %mul3A_449 = arith.mulf %slice3A_442, %mul3A_448 : vector<64x64xf32>
    %dot_general3A_450 = arith.constant dense<0.000000e+00> : vector<225x64xf32>
    %dot_general3A_451 = tpu.matmul %get3A_1, %mul3A_449, %dot_general3A_450 {dimension_numbers = #tpu.dot_dimension_numbers<[0], [1], [1], [0], [0, 1, 1, 0], [], []>, transpose_lhs_hint = false} : vector<64x225xf32>, vector<64x64xf32>, vector<225x64xf32> -> vector<225x64xf32>
    %slice3A_452 = vector.extract_strided_slice %get3A_441 {offsets = [0, 64], sizes = [64, 225], strides = [1, 1]} : vector<64x289xf32> to vector<64x225xf32>
    %transpose3A_453 = tpu.transpose %slice3A_452, [1, 0] : vector<64x225xf32> -> vector<225x64xf32>
    %add3A_454 = arith.addf %dot_general3A_451, %transpose3A_453 : vector<225x64xf32>
    %slice3A_455 = vector.extract_strided_slice %add3A_454 {offsets = [0, 0], sizes = [25, 64], strides = [1, 1]} : vector<225x64xf32> to vector<25x64xf32>
    %slice3A_456 = vector.extract_strided_slice %add3A_454 {offsets = [25, 0], sizes = [25, 64], strides = [1, 1]} : vector<225x64xf32> to vector<25x64xf32>
    %add3A_457 = arith.addf %slice3A_455, %slice3A_456 : vector<25x64xf32>
    %slice3A_458 = vector.extract_strided_slice %add3A_454 {offsets = [50, 0], sizes = [25, 64], strides = [1, 1]} : vector<225x64xf32> to vector<25x64xf32>
    %add3A_459 = arith.addf %add3A_457, %slice3A_458 : vector<25x64xf32>
    %slice3A_460 = vector.extract_strided_slice %add3A_454 {offsets = [75, 0], sizes = [150, 64], strides = [1, 1]} : vector<225x64xf32> to vector<150x64xf32>
    %broadcast_in_dim3A_461 = arith.constant 0.000000e+00 : f32
    %broadcast_in_dim3A_462 = vector.broadcast %broadcast_in_dim3A_461 : f32 to vector<1x64xf32>
    %concatenate3A_463 = tpu.concatenate %add3A_459, %slice3A_460, %broadcast_in_dim3A_462 in 0 : vector<25x64xf32>, vector<150x64xf32>, vector<1x64xf32> -> vector<176x64xf32>
    %swap3A_464 = arith.constant 13 : index
    %swap3A_465 = arith.constant 0 : index
    %swap3A_466 = arith.constant 0 : index
    %swap3A_467 = vector.load %arg4[%swap3A_464, %swap3A_465, %swap3A_466] : memref<20x176x64xf32, #tpu.memory_space<vmem>>, vector<1x176x64xf32>
    %swap3A_468 = vector.shape_cast %swap3A_467 : vector<1x176x64xf32> to vector<176x64xf32>
    %swap3A_469 = vector.shape_cast %concatenate3A_463 : vector<176x64xf32> to vector<1x176x64xf32>
    tpu.vector_store %arg4[%swap3A_464, %swap3A_465, %swap3A_466], %swap3A_469 {strides = array<i32>} : memref<20x176x64xf32, #tpu.memory_space<vmem>>, vector<1x176x64xf32>,
    %get3A_470 = arith.constant 0 : index
    %get3A_471 = arith.constant 0 : index
    %get3A_472 = arith.constant 14 : index
    %get3A_473 = arith.constant 0 : index
    %get3A_474 = vector.load %arg1[%get3A_470, %get3A_471, %get3A_472, %get3A_473] : memref<64x1x20x289xf32, #tpu.memory_space<vmem>>, vector<64x1x1x289xf32>
    %get3A_475 = vector.shape_cast %get3A_474 : vector<64x1x1x289xf32> to vector<64x289xf32>
    %slice3A_476 = vector.extract_strided_slice %get3A_475 {offsets = [0, 0], sizes = [64, 64], strides = [1, 1]} : vector<64x289xf32> to vector<64x64xf32>
    %get3A_477 = arith.constant 0 : index
    %get3A_478 = arith.constant 14 : index
    %get3A_479 = arith.constant 0 : index
    %get3A_480 = vector.load %arg2[%get3A_477, %get3A_478, %get3A_479] : memref<1x20x64xf32, #tpu.memory_space<vmem>>, vector<1x1x64xf32>
    %get3A_481 = vector.shape_cast %get3A_480 : vector<1x1x64xf32> to vector<1x64xf32>
    %mul3A_482 = vector.broadcast %get3A_481 : vector<1x64xf32> to vector<64x64xf32>
    %mul3A_483 = arith.mulf %slice3A_476, %mul3A_482 : vector<64x64xf32>
    %dot_general3A_484 = arith.constant dense<0.000000e+00> : vector<225x64xf32>
    %dot_general3A_485 = tpu.matmul %get3A_1, %mul3A_483, %dot_general3A_484 {dimension_numbers = #tpu.dot_dimension_numbers<[0], [1], [1], [0], [0, 1, 1, 0], [], []>, transpose_lhs_hint = false} : vector<64x225xf32>, vector<64x64xf32>, vector<225x64xf32> -> vector<225x64xf32>
    %slice3A_486 = vector.extract_strided_slice %get3A_475 {offsets = [0, 64], sizes = [64, 225], strides = [1, 1]} : vector<64x289xf32> to vector<64x225xf32>
    %transpose3A_487 = tpu.transpose %slice3A_486, [1, 0] : vector<64x225xf32> -> vector<225x64xf32>
    %add3A_488 = arith.addf %dot_general3A_485, %transpose3A_487 : vector<225x64xf32>
    %slice3A_489 = vector.extract_strided_slice %add3A_488 {offsets = [0, 0], sizes = [25, 64], strides = [1, 1]} : vector<225x64xf32> to vector<25x64xf32>
    %slice3A_490 = vector.extract_strided_slice %add3A_488 {offsets = [25, 0], sizes = [25, 64], strides = [1, 1]} : vector<225x64xf32> to vector<25x64xf32>
    %add3A_491 = arith.addf %slice3A_489, %slice3A_490 : vector<25x64xf32>
    %slice3A_492 = vector.extract_strided_slice %add3A_488 {offsets = [50, 0], sizes = [25, 64], strides = [1, 1]} : vector<225x64xf32> to vector<25x64xf32>
    %add3A_493 = arith.addf %add3A_491, %slice3A_492 : vector<25x64xf32>
    %slice3A_494 = vector.extract_strided_slice %add3A_488 {offsets = [75, 0], sizes = [150, 64], strides = [1, 1]} : vector<225x64xf32> to vector<150x64xf32>
    %broadcast_in_dim3A_495 = arith.constant 0.000000e+00 : f32
    %broadcast_in_dim3A_496 = vector.broadcast %broadcast_in_dim3A_495 : f32 to vector<1x64xf32>
    %concatenate3A_497 = tpu.concatenate %add3A_493, %slice3A_494, %broadcast_in_dim3A_496 in 0 : vector<25x64xf32>, vector<150x64xf32>, vector<1x64xf32> -> vector<176x64xf32>
    %swap3A_498 = arith.constant 14 : index
    %swap3A_499 = arith.constant 0 : index
    %swap3A_500 = arith.constant 0 : index
    %swap3A_501 = vector.load %arg4[%swap3A_498, %swap3A_499, %swap3A_500] : memref<20x176x64xf32, #tpu.memory_space<vmem>>, vector<1x176x64xf32>
    %swap3A_502 = vector.shape_cast %swap3A_501 : vector<1x176x64xf32> to vector<176x64xf32>
    %swap3A_503 = vector.shape_cast %concatenate3A_497 : vector<176x64xf32> to vector<1x176x64xf32>
    tpu.vector_store %arg4[%swap3A_498, %swap3A_499, %swap3A_500], %swap3A_503 {strides = array<i32>} : memref<20x176x64xf32, #tpu.memory_space<vmem>>, vector<1x176x64xf32>,
    %get3A_504 = arith.constant 0 : index
    %get3A_505 = arith.constant 0 : index
    %get3A_506 = arith.constant 15 : index
    %get3A_507 = arith.constant 0 : index
    %get3A_508 = vector.load %arg1[%get3A_504, %get3A_505, %get3A_506, %get3A_507] : memref<64x1x20x289xf32, #tpu.memory_space<vmem>>, vector<64x1x1x289xf32>
    %get3A_509 = vector.shape_cast %get3A_508 : vector<64x1x1x289xf32> to vector<64x289xf32>
    %slice3A_510 = vector.extract_strided_slice %get3A_509 {offsets = [0, 0], sizes = [64, 64], strides = [1, 1]} : vector<64x289xf32> to vector<64x64xf32>
    %get3A_511 = arith.constant 0 : index
    %get3A_512 = arith.constant 15 : index
    %get3A_513 = arith.constant 0 : index
    %get3A_514 = vector.load %arg2[%get3A_511, %get3A_512, %get3A_513] : memref<1x20x64xf32, #tpu.memory_space<vmem>>, vector<1x1x64xf32>
    %get3A_515 = vector.shape_cast %get3A_514 : vector<1x1x64xf32> to vector<1x64xf32>
    %mul3A_516 = vector.broadcast %get3A_515 : vector<1x64xf32> to vector<64x64xf32>
    %mul3A_517 = arith.mulf %slice3A_510, %mul3A_516 : vector<64x64xf32>
    %dot_general3A_518 = arith.constant dense<0.000000e+00> : vector<225x64xf32>
    %dot_general3A_519 = tpu.matmul %get3A_1, %mul3A_517, %dot_general3A_518 {dimension_numbers = #tpu.dot_dimension_numbers<[0], [1], [1], [0], [0, 1, 1, 0], [], []>, transpose_lhs_hint = false} : vector<64x225xf32>, vector<64x64xf32>, vector<225x64xf32> -> vector<225x64xf32>
    %slice3A_520 = vector.extract_strided_slice %get3A_509 {offsets = [0, 64], sizes = [64, 225], strides = [1, 1]} : vector<64x289xf32> to vector<64x225xf32>
    %transpose3A_521 = tpu.transpose %slice3A_520, [1, 0] : vector<64x225xf32> -> vector<225x64xf32>
    %add3A_522 = arith.addf %dot_general3A_519, %transpose3A_521 : vector<225x64xf32>
    %slice3A_523 = vector.extract_strided_slice %add3A_522 {offsets = [0, 0], sizes = [25, 64], strides = [1, 1]} : vector<225x64xf32> to vector<25x64xf32>
    %slice3A_524 = vector.extract_strided_slice %add3A_522 {offsets = [25, 0], sizes = [25, 64], strides = [1, 1]} : vector<225x64xf32> to vector<25x64xf32>
    %add3A_525 = arith.addf %slice3A_523, %slice3A_524 : vector<25x64xf32>
    %slice3A_526 = vector.extract_strided_slice %add3A_522 {offsets = [50, 0], sizes = [25, 64], strides = [1, 1]} : vector<225x64xf32> to vector<25x64xf32>
    %add3A_527 = arith.addf %add3A_525, %slice3A_526 : vector<25x64xf32>
    %slice3A_528 = vector.extract_strided_slice %add3A_522 {offsets = [75, 0], sizes = [150, 64], strides = [1, 1]} : vector<225x64xf32> to vector<150x64xf32>
    %broadcast_in_dim3A_529 = arith.constant 0.000000e+00 : f32
    %broadcast_in_dim3A_530 = vector.broadcast %broadcast_in_dim3A_529 : f32 to vector<1x64xf32>
    %concatenate3A_531 = tpu.concatenate %add3A_527, %slice3A_528, %broadcast_in_dim3A_530 in 0 : vector<25x64xf32>, vector<150x64xf32>, vector<1x64xf32> -> vector<176x64xf32>
    %swap3A_532 = arith.constant 15 : index
    %swap3A_533 = arith.constant 0 : index
    %swap3A_534 = arith.constant 0 : index
    %swap3A_535 = vector.load %arg4[%swap3A_532, %swap3A_533, %swap3A_534] : memref<20x176x64xf32, #tpu.memory_space<vmem>>, vector<1x176x64xf32>
    %swap3A_536 = vector.shape_cast %swap3A_535 : vector<1x176x64xf32> to vector<176x64xf32>
    %swap3A_537 = vector.shape_cast %concatenate3A_531 : vector<176x64xf32> to vector<1x176x64xf32>
    tpu.vector_store %arg4[%swap3A_532, %swap3A_533, %swap3A_534], %swap3A_537 {strides = array<i32>} : memref<20x176x64xf32, #tpu.memory_space<vmem>>, vector<1x176x64xf32>,
    %get3A_538 = arith.constant 0 : index
    %get3A_539 = arith.constant 0 : index
    %get3A_540 = arith.constant 16 : index
    %get3A_541 = arith.constant 0 : index
    %get3A_542 = vector.load %arg1[%get3A_538, %get3A_539, %get3A_540, %get3A_541] : memref<64x1x20x289xf32, #tpu.memory_space<vmem>>, vector<64x1x1x289xf32>
    %get3A_543 = vector.shape_cast %get3A_542 : vector<64x1x1x289xf32> to vector<64x289xf32>
    %slice3A_544 = vector.extract_strided_slice %get3A_543 {offsets = [0, 0], sizes = [64, 64], strides = [1, 1]} : vector<64x289xf32> to vector<64x64xf32>
    %get3A_545 = arith.constant 0 : index
    %get3A_546 = arith.constant 16 : index
    %get3A_547 = arith.constant 0 : index
    %get3A_548 = vector.load %arg2[%get3A_545, %get3A_546, %get3A_547] : memref<1x20x64xf32, #tpu.memory_space<vmem>>, vector<1x1x64xf32>
    %get3A_549 = vector.shape_cast %get3A_548 : vector<1x1x64xf32> to vector<1x64xf32>
    %mul3A_550 = vector.broadcast %get3A_549 : vector<1x64xf32> to vector<64x64xf32>
    %mul3A_551 = arith.mulf %slice3A_544, %mul3A_550 : vector<64x64xf32>
    %dot_general3A_552 = arith.constant dense<0.000000e+00> : vector<225x64xf32>
    %dot_general3A_553 = tpu.matmul %get3A_1, %mul3A_551, %dot_general3A_552 {dimension_numbers = #tpu.dot_dimension_numbers<[0], [1], [1], [0], [0, 1, 1, 0], [], []>, transpose_lhs_hint = false} : vector<64x225xf32>, vector<64x64xf32>, vector<225x64xf32> -> vector<225x64xf32>
    %slice3A_554 = vector.extract_strided_slice %get3A_543 {offsets = [0, 64], sizes = [64, 225], strides = [1, 1]} : vector<64x289xf32> to vector<64x225xf32>
    %transpose3A_555 = tpu.transpose %slice3A_554, [1, 0] : vector<64x225xf32> -> vector<225x64xf32>
    %add3A_556 = arith.addf %dot_general3A_553, %transpose3A_555 : vector<225x64xf32>
    %slice3A_557 = vector.extract_strided_slice %add3A_556 {offsets = [0, 0], sizes = [25, 64], strides = [1, 1]} : vector<225x64xf32> to vector<25x64xf32>
    %slice3A_558 = vector.extract_strided_slice %add3A_556 {offsets = [25, 0], sizes = [25, 64], strides = [1, 1]} : vector<225x64xf32> to vector<25x64xf32>
    %add3A_559 = arith.addf %slice3A_557, %slice3A_558 : vector<25x64xf32>
    %slice3A_560 = vector.extract_strided_slice %add3A_556 {offsets = [50, 0], sizes = [25, 64], strides = [1, 1]} : vector<225x64xf32> to vector<25x64xf32>
    %add3A_561 = arith.addf %add3A_559, %slice3A_560 : vector<25x64xf32>
    %slice3A_562 = vector.extract_strided_slice %add3A_556 {offsets = [75, 0], sizes = [150, 64], strides = [1, 1]} : vector<225x64xf32> to vector<150x64xf32>
    %broadcast_in_dim3A_563 = arith.constant 0.000000e+00 : f32
    %broadcast_in_dim3A_564 = vector.broadcast %broadcast_in_dim3A_563 : f32 to vector<1x64xf32>
    %concatenate3A_565 = tpu.concatenate %add3A_561, %slice3A_562, %broadcast_in_dim3A_564 in 0 : vector<25x64xf32>, vector<150x64xf32>, vector<1x64xf32> -> vector<176x64xf32>
    %swap3A_566 = arith.constant 16 : index
    %swap3A_567 = arith.constant 0 : index
    %swap3A_568 = arith.constant 0 : index
    %swap3A_569 = vector.load %arg4[%swap3A_566, %swap3A_567, %swap3A_568] : memref<20x176x64xf32, #tpu.memory_space<vmem>>, vector<1x176x64xf32>
    %swap3A_570 = vector.shape_cast %swap3A_569 : vector<1x176x64xf32> to vector<176x64xf32>
    %swap3A_571 = vector.shape_cast %concatenate3A_565 : vector<176x64xf32> to vector<1x176x64xf32>
    tpu.vector_store %arg4[%swap3A_566, %swap3A_567, %swap3A_568], %swap3A_571 {strides = array<i32>} : memref<20x176x64xf32, #tpu.memory_space<vmem>>, vector<1x176x64xf32>,
    %get3A_572 = arith.constant 0 : index
    %get3A_573 = arith.constant 0 : index
    %get3A_574 = arith.constant 17 : index
    %get3A_575 = arith.constant 0 : index
    %get3A_576 = vector.load %arg1[%get3A_572, %get3A_573, %get3A_574, %get3A_575] : memref<64x1x20x289xf32, #tpu.memory_space<vmem>>, vector<64x1x1x289xf32>
    %get3A_577 = vector.shape_cast %get3A_576 : vector<64x1x1x289xf32> to vector<64x289xf32>
    %slice3A_578 = vector.extract_strided_slice %get3A_577 {offsets = [0, 0], sizes = [64, 64], strides = [1, 1]} : vector<64x289xf32> to vector<64x64xf32>
    %get3A_579 = arith.constant 0 : index
    %get3A_580 = arith.constant 17 : index
    %get3A_581 = arith.constant 0 : index
    %get3A_582 = vector.load %arg2[%get3A_579, %get3A_580, %get3A_581] : memref<1x20x64xf32, #tpu.memory_space<vmem>>, vector<1x1x64xf32>
    %get3A_583 = vector.shape_cast %get3A_582 : vector<1x1x64xf32> to vector<1x64xf32>
    %mul3A_584 = vector.broadcast %get3A_583 : vector<1x64xf32> to vector<64x64xf32>
    %mul3A_585 = arith.mulf %slice3A_578, %mul3A_584 : vector<64x64xf32>
    %dot_general3A_586 = arith.constant dense<0.000000e+00> : vector<225x64xf32>
    %dot_general3A_587 = tpu.matmul %get3A_1, %mul3A_585, %dot_general3A_586 {dimension_numbers = #tpu.dot_dimension_numbers<[0], [1], [1], [0], [0, 1, 1, 0], [], []>, transpose_lhs_hint = false} : vector<64x225xf32>, vector<64x64xf32>, vector<225x64xf32> -> vector<225x64xf32>
    %slice3A_588 = vector.extract_strided_slice %get3A_577 {offsets = [0, 64], sizes = [64, 225], strides = [1, 1]} : vector<64x289xf32> to vector<64x225xf32>
    %transpose3A_589 = tpu.transpose %slice3A_588, [1, 0] : vector<64x225xf32> -> vector<225x64xf32>
    %add3A_590 = arith.addf %dot_general3A_587, %transpose3A_589 : vector<225x64xf32>
    %slice3A_591 = vector.extract_strided_slice %add3A_590 {offsets = [0, 0], sizes = [25, 64], strides = [1, 1]} : vector<225x64xf32> to vector<25x64xf32>
    %slice3A_592 = vector.extract_strided_slice %add3A_590 {offsets = [25, 0], sizes = [25, 64], strides = [1, 1]} : vector<225x64xf32> to vector<25x64xf32>
    %add3A_593 = arith.addf %slice3A_591, %slice3A_592 : vector<25x64xf32>
    %slice3A_594 = vector.extract_strided_slice %add3A_590 {offsets = [50, 0], sizes = [25, 64], strides = [1, 1]} : vector<225x64xf32> to vector<25x64xf32>
    %add3A_595 = arith.addf %add3A_593, %slice3A_594 : vector<25x64xf32>
    %slice3A_596 = vector.extract_strided_slice %add3A_590 {offsets = [75, 0], sizes = [150, 64], strides = [1, 1]} : vector<225x64xf32> to vector<150x64xf32>
    %broadcast_in_dim3A_597 = arith.constant 0.000000e+00 : f32
    %broadcast_in_dim3A_598 = vector.broadcast %broadcast_in_dim3A_597 : f32 to vector<1x64xf32>
    %concatenate3A_599 = tpu.concatenate %add3A_595, %slice3A_596, %broadcast_in_dim3A_598 in 0 : vector<25x64xf32>, vector<150x64xf32>, vector<1x64xf32> -> vector<176x64xf32>
    %swap3A_600 = arith.constant 17 : index
    %swap3A_601 = arith.constant 0 : index
    %swap3A_602 = arith.constant 0 : index
    %swap3A_603 = vector.load %arg4[%swap3A_600, %swap3A_601, %swap3A_602] : memref<20x176x64xf32, #tpu.memory_space<vmem>>, vector<1x176x64xf32>
    %swap3A_604 = vector.shape_cast %swap3A_603 : vector<1x176x64xf32> to vector<176x64xf32>
    %swap3A_605 = vector.shape_cast %concatenate3A_599 : vector<176x64xf32> to vector<1x176x64xf32>
    tpu.vector_store %arg4[%swap3A_600, %swap3A_601, %swap3A_602], %swap3A_605 {strides = array<i32>} : memref<20x176x64xf32, #tpu.memory_space<vmem>>, vector<1x176x64xf32>,
    %get3A_606 = arith.constant 0 : index
    %get3A_607 = arith.constant 0 : index
    %get3A_608 = arith.constant 18 : index
    %get3A_609 = arith.constant 0 : index
    %get3A_610 = vector.load %arg1[%get3A_606, %get3A_607, %get3A_608, %get3A_609] : memref<64x1x20x289xf32, #tpu.memory_space<vmem>>, vector<64x1x1x289xf32>
    %get3A_611 = vector.shape_cast %get3A_610 : vector<64x1x1x289xf32> to vector<64x289xf32>
    %slice3A_612 = vector.extract_strided_slice %get3A_611 {offsets = [0, 0], sizes = [64, 64], strides = [1, 1]} : vector<64x289xf32> to vector<64x64xf32>
    %get3A_613 = arith.constant 0 : index
    %get3A_614 = arith.constant 18 : index
    %get3A_615 = arith.constant 0 : index
    %get3A_616 = vector.load %arg2[%get3A_613, %get3A_614, %get3A_615] : memref<1x20x64xf32, #tpu.memory_space<vmem>>, vector<1x1x64xf32>
    %get3A_617 = vector.shape_cast %get3A_616 : vector<1x1x64xf32> to vector<1x64xf32>
    %mul3A_618 = vector.broadcast %get3A_617 : vector<1x64xf32> to vector<64x64xf32>
    %mul3A_619 = arith.mulf %slice3A_612, %mul3A_618 : vector<64x64xf32>
    %dot_general3A_620 = arith.constant dense<0.000000e+00> : vector<225x64xf32>
    %dot_general3A_621 = tpu.matmul %get3A_1, %mul3A_619, %dot_general3A_620 {dimension_numbers = #tpu.dot_dimension_numbers<[0], [1], [1], [0], [0, 1, 1, 0], [], []>, transpose_lhs_hint = false} : vector<64x225xf32>, vector<64x64xf32>, vector<225x64xf32> -> vector<225x64xf32>
    %slice3A_622 = vector.extract_strided_slice %get3A_611 {offsets = [0, 64], sizes = [64, 225], strides = [1, 1]} : vector<64x289xf32> to vector<64x225xf32>
    %transpose3A_623 = tpu.transpose %slice3A_622, [1, 0] : vector<64x225xf32> -> vector<225x64xf32>
    %add3A_624 = arith.addf %dot_general3A_621, %transpose3A_623 : vector<225x64xf32>
    %slice3A_625 = vector.extract_strided_slice %add3A_624 {offsets = [0, 0], sizes = [25, 64], strides = [1, 1]} : vector<225x64xf32> to vector<25x64xf32>
    %slice3A_626 = vector.extract_strided_slice %add3A_624 {offsets = [25, 0], sizes = [25, 64], strides = [1, 1]} : vector<225x64xf32> to vector<25x64xf32>
    %add3A_627 = arith.addf %slice3A_625, %slice3A_626 : vector<25x64xf32>
    %slice3A_628 = vector.extract_strided_slice %add3A_624 {offsets = [50, 0], sizes = [25, 64], strides = [1, 1]} : vector<225x64xf32> to vector<25x64xf32>
    %add3A_629 = arith.addf %add3A_627, %slice3A_628 : vector<25x64xf32>
    %slice3A_630 = vector.extract_strided_slice %add3A_624 {offsets = [75, 0], sizes = [150, 64], strides = [1, 1]} : vector<225x64xf32> to vector<150x64xf32>
    %broadcast_in_dim3A_631 = arith.constant 0.000000e+00 : f32
    %broadcast_in_dim3A_632 = vector.broadcast %broadcast_in_dim3A_631 : f32 to vector<1x64xf32>
    %concatenate3A_633 = tpu.concatenate %add3A_629, %slice3A_630, %broadcast_in_dim3A_632 in 0 : vector<25x64xf32>, vector<150x64xf32>, vector<1x64xf32> -> vector<176x64xf32>
    %swap3A_634 = arith.constant 18 : index
    %swap3A_635 = arith.constant 0 : index
    %swap3A_636 = arith.constant 0 : index
    %swap3A_637 = vector.load %arg4[%swap3A_634, %swap3A_635, %swap3A_636] : memref<20x176x64xf32, #tpu.memory_space<vmem>>, vector<1x176x64xf32>
    %swap3A_638 = vector.shape_cast %swap3A_637 : vector<1x176x64xf32> to vector<176x64xf32>
    %swap3A_639 = vector.shape_cast %concatenate3A_633 : vector<176x64xf32> to vector<1x176x64xf32>
    tpu.vector_store %arg4[%swap3A_634, %swap3A_635, %swap3A_636], %swap3A_639 {strides = array<i32>} : memref<20x176x64xf32, #tpu.memory_space<vmem>>, vector<1x176x64xf32>,
    %get3A_640 = arith.constant 0 : index
    %get3A_641 = arith.constant 0 : index
    %get3A_642 = arith.constant 19 : index
    %get3A_643 = arith.constant 0 : index
    %get3A_644 = vector.load %arg1[%get3A_640, %get3A_641, %get3A_642, %get3A_643] : memref<64x1x20x289xf32, #tpu.memory_space<vmem>>, vector<64x1x1x289xf32>
    %get3A_645 = vector.shape_cast %get3A_644 : vector<64x1x1x289xf32> to vector<64x289xf32>
    %slice3A_646 = vector.extract_strided_slice %get3A_645 {offsets = [0, 0], sizes = [64, 64], strides = [1, 1]} : vector<64x289xf32> to vector<64x64xf32>
    %get3A_647 = arith.constant 0 : index
    %get3A_648 = arith.constant 19 : index
    %get3A_649 = arith.constant 0 : index
    %get3A_650 = vector.load %arg2[%get3A_647, %get3A_648, %get3A_649] : memref<1x20x64xf32, #tpu.memory_space<vmem>>, vector<1x1x64xf32>
    %get3A_651 = vector.shape_cast %get3A_650 : vector<1x1x64xf32> to vector<1x64xf32>
    %mul3A_652 = vector.broadcast %get3A_651 : vector<1x64xf32> to vector<64x64xf32>
    %mul3A_653 = arith.mulf %slice3A_646, %mul3A_652 : vector<64x64xf32>
    %dot_general3A_654 = arith.constant dense<0.000000e+00> : vector<225x64xf32>
    %dot_general3A_655 = tpu.matmul %get3A_1, %mul3A_653, %dot_general3A_654 {dimension_numbers = #tpu.dot_dimension_numbers<[0], [1], [1], [0], [0, 1, 1, 0], [], []>, transpose_lhs_hint = false} : vector<64x225xf32>, vector<64x64xf32>, vector<225x64xf32> -> vector<225x64xf32>
    %slice3A_656 = vector.extract_strided_slice %get3A_645 {offsets = [0, 64], sizes = [64, 225], strides = [1, 1]} : vector<64x289xf32> to vector<64x225xf32>
    %transpose3A_657 = tpu.transpose %slice3A_656, [1, 0] : vector<64x225xf32> -> vector<225x64xf32>
    %add3A_658 = arith.addf %dot_general3A_655, %transpose3A_657 : vector<225x64xf32>
    %slice3A_659 = vector.extract_strided_slice %add3A_658 {offsets = [0, 0], sizes = [25, 64], strides = [1, 1]} : vector<225x64xf32> to vector<25x64xf32>
    %slice3A_660 = vector.extract_strided_slice %add3A_658 {offsets = [25, 0], sizes = [25, 64], strides = [1, 1]} : vector<225x64xf32> to vector<25x64xf32>
    %add3A_661 = arith.addf %slice3A_659, %slice3A_660 : vector<25x64xf32>
    %slice3A_662 = vector.extract_strided_slice %add3A_658 {offsets = [50, 0], sizes = [25, 64], strides = [1, 1]} : vector<225x64xf32> to vector<25x64xf32>
    %add3A_663 = arith.addf %add3A_661, %slice3A_662 : vector<25x64xf32>
    %slice3A_664 = vector.extract_strided_slice %add3A_658 {offsets = [75, 0], sizes = [150, 64], strides = [1, 1]} : vector<225x64xf32> to vector<150x64xf32>
    %broadcast_in_dim3A_665 = arith.constant 0.000000e+00 : f32
    %broadcast_in_dim3A_666 = vector.broadcast %broadcast_in_dim3A_665 : f32 to vector<1x64xf32>
    %concatenate3A_667 = tpu.concatenate %add3A_663, %slice3A_664, %broadcast_in_dim3A_666 in 0 : vector<25x64xf32>, vector<150x64xf32>, vector<1x64xf32> -> vector<176x64xf32>
    %swap3A_668 = arith.constant 19 : index
    %swap3A_669 = arith.constant 0 : index
    %swap3A_670 = arith.constant 0 : index
    %swap3A_671 = vector.load %arg4[%swap3A_668, %swap3A_669, %swap3A_670] : memref<20x176x64xf32, #tpu.memory_space<vmem>>, vector<1x176x64xf32>
    %swap3A_672 = vector.shape_cast %swap3A_671 : vector<1x176x64xf32> to vector<176x64xf32>
    %swap3A_673 = vector.shape_cast %concatenate3A_667 : vector<176x64xf32> to vector<1x176x64xf32>
    tpu.vector_store %arg4[%swap3A_668, %swap3A_669, %swap3A_670], %swap3A_673 {strides = array<i32>} : memref<20x176x64xf32, #tpu.memory_space<vmem>>, vector<1x176x64xf32>,
    return
  }
  func.func @transform_0(%arg0: i32) -> (i32, i32, i32, i32) {
    %c0_i32 = arith.constant 0 : i32
    %c0_i32_0 = arith.constant 0 : i32
    %c0_i32_1 = arith.constant 0 : i32
    %c0_i32_2 = arith.constant 0 : i32
    return %c0_i32, %arg0, %c0_i32_0, %c0_i32_1 : i32, i32, i32, i32
  }
  func.func @transform_1(%arg0: i32) -> (i32, i32, i32) {
    %c0_i32 = arith.constant 0 : i32
    %c0_i32_0 = arith.constant 0 : i32
    %c0_i32_1 = arith.constant 0 : i32
    return %arg0, %c0_i32, %c0_i32_0 : i32, i32, i32
  }
  func.func @transform_2(%arg0: i32) -> (i32, i32) {
    %c0_i32 = arith.constant 0 : i32
    %c0_i32_0 = arith.constant 0 : i32
    %c0_i32_1 = arith.constant 0 : i32
    return %c0_i32, %c0_i32_0 : i32, i32
  }
  func.func @transform_3(%arg0: i32) -> (i32, i32, i32) {
    %c0_i32 = arith.constant 0 : i32
    %c0_i32_0 = arith.constant 0 : i32
    %c0_i32_1 = arith.constant 0 : i32
    return %arg0, %c0_i32, %c0_i32_0 : i32, i32, i32
  }
}

</mosaic_0001>

<sc_bundles>
// kernel: kernel.4.cloned.1.call-start
scs
__scs_entry_jumppad:
0x0: {  	(pc) =	sbr.rel $0x88, $3  }
0x1: {  	(tag) =	ssettag $0x0;
	lr =	simm.s32 $0x1  }
0x2: {  	[smem:$0x3F99] =	sst lr;
	_ =	strace $0xD0000000  }
0x3: {  	_ = 	snop  }
0x4: {  	_ = 	snop  }
0x5: {  	_ = 	snop  }
0x6: {  	_ = 	snop  }
0x7: {  	_ = 	snop  }
__scs_overlays_trampoline_lowered:
0x8: {  	[smem:$0x3FA8] =	sst s0  }
0x9: {  	[smem:$0x3FA9] =	sst s1  }
0xa: {  	[smem:$0x3FAA] =	sst s2  }
0xb: {  	[smem:$0x3FAB] =	sst s3  }
0xc: {  	[smem:$0x3FAC] =	sst s4  }
0xd: {  	[smem:$0x3FAD] =	sst s5  }
0xe: {  	[smem:$0x3FAE] =	sst s6  }
0xf: {  	[smem:$0x3FAF] =	sst s7  }
0x10: {  	[smem:$0x3FB0] =	sst s8  }
0x11: {  	[smem:$0x3FB1] =	sst s9;
	s0 =	simm.s32 @!p0 $0x0  }
0x12: {  	s1 =	sld [smem:$0x3F97];
	s0 =	simm.s32 @p0 $0x1  }
0x13: {  	[smem:$0x3FB2] =	sst s0;
	s0 =	simm.s32 @!p1 $0x0  }
0x14: {  	s2 =	sld [smem:$0x3F96];
	s0 =	simm.s32 @p1 $0x1  }
0x15: {  	[smem:$0x3FB3] =	sst s0;
	s0 =	simm.s32 @!p2 $0x0  }
0x16: {  	s3 =	sld [smem:$0x3FDB];
	s0 =	simm.s32 @p2 $0x1  }
0x17: {  	s4 =	simm.s32 $0x1BF5;
	[smem:$0x3FB5] =	sst s0  }
0x18: {  	s0 =	sld [smem:$0x3F98];
	_ =	swait.ge [sflag:s4], $0x0  }
0x19: {  	s7 =	sld [smem:$0x3F99]  }
0x1a: {  	s8 =	sadd.s32 $0xFFFFE003, lr  }
0x1b: {  	s9 =	sadd.s32 $0xFFFFFEF7, lr;
	s5 =	simm.s32 $0xFFFFFFFF;
	p2 =	slt.u32 s8, $0xFFFFF086  }
0x1c: {  	p1 =	slt.u32 s9, $0xF7A;
	s5 =	simm.s32 @!p2 $0x0  }
0x1d: {  	s5 =	simm.s32 @p1 $0x1;
	p0 =	seq.s32 s7, s2  }
0x1e: {  	s7 =	smul.u32 @!p0 $0xF7A, s2;
	p2 =	seq.s32 @!p0 s5, $0x0  }
0x1f: {  	s9 =	smul.u32 $0xF7A, s1;
	s8 =	simm.s32 @!p0 $0x1BF5;
	p2 =	por !p2, p0  }
0x20: {  	[sflag:s8] =	ssyncset.s32 @!p0 $0xFFFFF086;
	s6 =	sadd.s32 @!p0 s3, s7;
	s7 =	simm.s32 @!p0 $0x108  }
0x21: {  	s3 =	sadd.s32 s3, s9;
	s6 =	sadd.s32 @!p0 $0x88, s6;
	s7 =	simm.s32 @p2 $0x1082  }
0x22: {  	[simem:s7], [sflag:s8] =	dma.local @!p0 [hbm:s6], $0xF7A  }
0x23: {  	s9 =	sor.u32 $0xD0000000, s2;
	s6 =	simm.s32 $0x108;
	_ =	swait.ge @!p0 [sflag:s8], $0x0  }
0x24: {  	s3 =	sadd.s32 $0x88, s3;
	s6 =	simm.s32 @!p1 $0x1082;
	[sflag:s4] =	ssyncset.s32 $0xFFFFF086  }
0x25: {  	[simem:s6], [sflag:s4] =	dma.local [hbm:s3], $0xF7A  }
0x26: {  	[smem:$0x3F99] =	sst s1;
	(tag) =	ssettag s2;
	_ =	strace s9  }
0x27: {  	s1 =	sld [smem:$0x3FA9]  }
0x28: {  	s2 =	sld [smem:$0x3FAA]  }
0x29: {  	s4 =	sld [smem:$0x3FAC]  }
0x2a: {  	p0 =	seq.s32 s5, $0x0;
	s5 =	sld [smem:$0x3FAD]  }
0x2b: {  	s6 =	sld [smem:$0x3FAE]  }
0x2c: {  	s7 =	sld [smem:$0x3FAF]  }
0x2d: {  	s3 =	simm.s32 $0x108;
	s8 =	sld [smem:$0x3FB0]  }
0x2e: {  	s3 =	simm.s32 @!p0 $0x1082;
	s9 =	sld [smem:$0x3FB1]  }
0x2f: {  	lr =	sadd.s32 s0, s3;
	s0 =	sld [smem:$0x3FA8]  }
0x30: {  	s3 =	sld [smem:$0x3FAB]  }
0x31: {  	[smem:$0x3FB4] =	sst s10  }
0x32: {  	s10 =	sld [smem:$0x3FB2];
	_ =	sdelay $0x3  }
0x33: {  	p0 =	seq.s32 s10, $0x1;
	s10 =	sld [smem:$0x3FB4];
	_ =	sdelay $0x3  }
0x34: {  	[smem:$0x3FB4] =	sst s10  }
0x35: {  	s10 =	sld [smem:$0x3FB3];
	_ =	sdelay $0x3  }
0x36: {  	p1 =	seq.s32 s10, $0x1;
	s10 =	sld [smem:$0x3FB4];
	_ =	sdelay $0x3  }
0x37: {  	[smem:$0x3FB4] =	sst s10  }
0x38: {  	s10 =	sld [smem:$0x3FB5]  }
0x39: {  	_ = 	snop;
	(pc) =	sbr.ind lr, $3  }
0x3a: {  	_ = 	snop  }
0x3b: {  	_ = 	snop  }
0x3c: {  	p2 =	seq.s32 s10, $0x1;
	s10 =	sld [smem:$0x3FB4]  }
0x3d: {  	_ =	shalt  }
0x3e: {  	_ =	shalt  }
0x3f: {  	_ =	shalt  }
0x40: {  	_ =	shalt  }
0x41: {  	_ =	shalt  }
0x42: {  	_ =	shalt  }
0x43: {  	_ =	shalt  }
0x44: {  	_ =	shalt  }
0x45: {  	_ =	shalt  }
0x46: {  	_ =	shalt  }
0x47: {  	_ =	shalt  }
0x48: {  	_ =	shalt  }
0x49: {  	_ =	shalt  }
0x4a: {  	_ =	shalt  }
0x4b: {  	_ =	shalt  }
0x4c: {  	_ =	shalt  }
0x4d: {  	_ =	shalt  }
0x4e: {  	_ =	shalt  }
0x4f: {  	_ =	shalt  }
0x50: {  	_ =	shalt  }
0x51: {  	_ =	shalt  }
0x52: {  	_ =	shalt  }
0x53: {  	_ =	shalt  }
0x54: {  	_ =	shalt  }
0x55: {  	_ =	shalt  }
0x56: {  	_ =	shalt  }
0x57: {  	_ =	shalt  }
0x58: {  	_ =	shalt  }
0x59: {  	_ =	shalt  }
0x5a: {  	_ =	shalt  }
0x5b: {  	_ =	shalt  }
0x5c: {  	_ =	shalt  }
0x5d: {  	_ =	shalt  }
0x5e: {  	_ =	shalt  }
0x5f: {  	_ =	shalt  }
0x60: {  	_ =	shalt  }
0x61: {  	_ =	shalt  }
0x62: {  	_ =	shalt  }
0x63: {  	_ =	shalt  }
0x64: {  	_ =	shalt  }
0x65: {  	_ =	shalt  }
0x66: {  	_ =	shalt  }
0x67: {  	_ =	shalt  }
0x68: {  	_ =	shalt  }
0x69: {  	_ =	shalt  }
0x6a: {  	_ =	shalt  }
0x6b: {  	_ =	shalt  }
0x6c: {  	_ =	shalt  }
0x6d: {  	_ =	shalt  }
0x6e: {  	_ =	shalt  }
0x6f: {  	_ =	shalt  }
0x70: {  	_ =	shalt  }
0x71: {  	_ =	shalt  }
0x72: {  	_ =	shalt  }
0x73: {  	_ =	shalt  }
0x74: {  	_ =	shalt  }
0x75: {  	_ =	shalt  }
0x76: {  	_ =	shalt  }
0x77: {  	_ =	shalt  }
0x78: {  	_ =	shalt  }
0x79: {  	_ =	shalt  }
0x7a: {  	_ =	shalt  }
0x7b: {  	_ =	shalt  }
0x7c: {  	_ =	shalt  }
0x7d: {  	_ =	shalt  }
0x7e: {  	_ =	shalt  }
0x7f: {  	_ =	shalt  }
0x80: {  	_ =	shalt  }
0x81: {  	_ =	shalt  }
0x82: {  	_ =	shalt  }
0x83: {  	_ =	shalt  }
0x84: {  	_ =	shalt  }
0x85: {  	_ =	shalt  }
0x86: {  	_ =	shalt  }
0x87: {  	_ =	shalt  }
.Lfunc_end0:
.L_simem_size_0:
called_computation_lowered:
.L_overlay_start_0:
0x88: {  	s2 =	sld [smem:$0x3FD9]  }
0x89: {  	s3 =	sld [smem:$0x3FFE];
	_ =	sdelay $0x1  }
0x8a: {  	s1 =	srdreg.scid  }
0x8b: {  	s0 =	sand.u32 $0x1, s1  }
0x8c: {  	s17 =	sshll.u32 s0, $0xA;
	s2 =	sadd.s32 s3, s2  }
0x8d: {  	s2 =	sadd.s32 s2, s17  }
0x8e: {  	[smem:$0x3FC0] =	sst s2  }
0x8f: {  	_ = 	snop  }
0x90: {  	s2 =	sld [smem:$0x3FC2]  }
0x91: {  	s18 =	sld [smem:$0x3FD0];
	(tm) =	ssettm $0x1  }
0x92: {  	s4 =	sld [smem:$0x3FFB];
	_ =	sdelay $0x3  }
0x93: {  	_ =	strace s4  }
0x94: {  	s4 =	sld [smem:$0x3FFC];
	_ =	sdelay $0x3  }
0x95: {  	_ =	strace s4  }
0x96: {  	s4 =	sld [smem:$0x3FFD];
	_ =	sdelay $0x3  }
0x97: {  	_ =	strace s4  }
0x98: {  	_ =	strace $0x8FFFFFFF  }
0x99: {  	s19 =	sld [smem:$0x3FDB];
	_ =	sdelay $0x1  }
0x9a: {  	s5 =	simm.s32 $_scs_section_size  }
0x9b: {  	s6 =	simm.s32 $_size__tile_overlayer_lowered;
	s7 =	simm.s32 $_tile_overlayer_lowered  }
0x9c: {  	s22 =	simm.s32 $0x1BFF;
	s21 =	sshll.u32 s7, $0x1;
	s4 =	sadd.s32 s5, s19  }
0x9d: {  	s8 =	simm.s32 $0x0;
	s20 =	sshll.u32 s6, $0x1;
	s6 =	sadd.s32 s21, s4  }
0x9e: {  	[timem:s8], [sflag:s22] =	dma.local [hbm:s6], s20  }
0x9f: {  	_ =	swait.ge [sflag:s22], s20  }
0xa0: {  	s5 =	ssub.s32 $0x0, s20;
	[sflag:s22] =	ssyncset.done $0x0  }
0xa1: {  	[sflag:s22] =	ssyncadd.s32 s5;
	_ =	sdelay $0x1  }
0xa2: {  	s23 =	simm.s32 $0x1B8B  }
0xa3: {  	_ =	swait.ge [sflag:s23], $0x1  }
0xa4: {  	[sflag:s23] =	ssyncset.done $0x0  }
0xa5: {  	s25 =	simm.s32 $0x1B8E;
	s24 =	sld [smem:$0x3FFE];
	[sflag:s23] =	ssyncadd.s32 $0xFFFFFFFF  }
0xa6: {  	s26 =	simm.s32 $execute0_lowered;
	[smem:$0x3FD2] =	sst s25  }
0xa7: {  	s6 =	sshll.u32 s26, $0x1;
	_ =	strace $0x80000046;
	[dreg:$0x1] =	wrdreg $0xFFFFFFFF  }
0xa8: {  	s28 =	simm.s32 $_size_execute0_lowered;
	s4 =	sadd.s32 s4, s6;
	[dreg:$0x0] =	wrdreg $0x0  }
0xa9: {  	s6 =	sshll.u32 s28, $0x1;
	[dreg:$0x2] =	wrdreg s4  }
0xaa: {  	[dreg:$0x3] =	wrdreg s6  }
0xab: {  	[dreg:$0x4] =	wrdreg $0xC0  }
0xac: {  	_ =	task [dreg:s8], $0x5FFFF  }
0xad: {  	[dreg:$0x1] =	wrdreg $0xFFFFFFFF  }
0xae: {  	[dreg:$0x0] =	wrdreg $0x60  }
0xaf: {  	[dreg:$0x2] =	wrdreg s24  }
0xb0: {  	[dreg:$0x3] =	wrdreg s2  }
0xb1: {  	[dreg:$0x4] =	wrdreg s18  }
0xb2: {  	[dreg:$0x5] =	wrdreg $0xFC00  }
0xb3: {  	[dreg:$0x6] =	wrdreg $0x9  }
0xb4: {  	_ =	task.clear_ibuf [dreg:s8], $0x7FFFF;
	_ =	strace $0x90000046  }
0xb5: {  	s29 =	simm.s32 $0x9;
	_ =	strace $0x80000048  }
0xb6: {  	_ =	swait.ge [sflag:s29], $0x1  }
0xb7: {  	[sflag:s29] =	ssyncadd.s32 $0xFFFFFFFF  }
0xb8: {  	_ =	strace $0x90000048  }
0xb9: {  	_ =	sfence  }
0xba: {  	s30 =	sld [smem:$0x0];
	_ =	sdelay $0x2  }
0xbb: {  	s31 =	sshll.u32 s1, $0xD;
	s1 =	sshrl.u32 s1, $0x2  }
0xbc: {  	s3 =	sand.u32 $0x4000, s31;
	s1 =	sadd.s32 s1, s30  }
0xbd: {  	s0 =	sor.u32 s3, s0;
	s1 =	sshll.u32 s1, $0x11  }
0xbe: {  	s0 =	sor.u32 s1, s0  }
0xbf: {  	s0 =	sadd.s32 $0x8F2B, s0  }
0xc0: {  	[sflag:s0] =	ssyncadd.remote.s32 $0x1  }
0xc1: {  	_ =	sfence.sel $0xFFFF  }
0xc2: {  	[dreg:$0x0] =	wrdreg $0xFFFFFFFF;
	(pc) =	sbr.abs _section_cstart, $3  }
0xc3: {  	[dreg:$0x1] =	wrdreg $0xFFFFFFFF  }
0xc4: {  	_ =	task.clear_ibuf [dreg:s8], $0x2FFFF;
	_ =	strace $0x9FFFFFFF  }
0xc5: {  	(tm) =	ssettm $0x7FFFFFFF  }
tec
execute0_lowered:
.L_overlay_start_1:
0x0: {  	(tag) =	ssettag $0x1  }
0x1: {  	s0 =	rddreg [dreg:$0x0]  }
0x2: {  	s1 =	rddreg [dreg:$0x2]  }
0x3: {  	s2 =	rddreg [dreg:$0x3]  }
0x4: {  	s4 =	simm.s32 $0x0;
	s3 =	srdreg.scid;
	s9 =	stileid.u32  }
0x5: {  	s11 =	simm.s32 $0x3;
	s13 =	simm.s32 $0x2;
	s14 =	simm.s32 $0x20  }
0x6: {  	s16 =	simm.s32 $0x7C0;
	s31 =	simm.s32 $0x5C0;
	s12 =	simm.s32 $0x640  }
0x7: {  	s15 =	simm.s32 $0x660;
	s17 =	simm.s32 $0x680;
	s18 =	simm.s32 $0x6A0  }
0x8: {  	s19 =	simm.s32 $0x6C0;
	s20 =	simm.s32 $0x6E0;
	s21 =	simm.s32 $0x700  }
0x9: {  	s22 =	simm.s32 $0x720;
	s23 =	simm.s32 $0x740;
	s24 =	simm.s32 $0x760  }
0xa: {  	s25 =	simm.s32 $0x1;
	s26 =	simm.s32 $0x0;
	[smem:$0x7FF] =	sst s4  }
0xb: {  	s3 =	sand.u32 $0x1, s3;
	s5 =	sshll.u32 s9, $0x1;
	s6 =	smul.u32 $0x11300, s9  }
0xc: {  	s29 =	sshll.u32 s9, $0x6;
	_ =	strace $0x80000047;
	s5 =	sor.u32 s3, s5  }
0xd: {  	s3 =	ssub.s32 $0x2, s3;
	s7 =	sshll.u32 s5, $0x7;
	s8 =	sshrl.u32 s6, $0x3  }
0xe: {  	s28 =	sshrl.u32 s3, $0x1;
	s30 =	smul.u32 $0xC8, s5;
	s10 =	sadd.s32 s6, s2  }
0xf: {  	s6 =	sor.u32 $0x1C02, s29;
	s7 =	sadd.s32 s7, s0;
	s0 =	sadd.s32 s8, s0  }
0x10: {  	s3 =	ssub.s32 s3, s28;
	s10 =	sshrl.u32 s10, $0x3;
	s5 =	sadd.s32 $0x1A00, s0  }
0x11: {  	s7 =	sadd.s32 $0xA00, s7;
	s8 =	sadd.s32 s1, s30;
	s9 =	smax.u32 s3, $0x1  }
0x12: {  	s0 =	simm.s32 $0x5E0;
	s3 =	simm.s32 $0x600;
	s1 =	simm.s32 $0x620  }
.LBB2_1:
0x13: {  	[spmem:s10], [sflag:s6] =	dma.local [hbm:s5], $0x2260  }
0x14: {  	[tilespmem:s4], [sflag:$0x3] =	stream.linear.gather [hbm4b:s7+s4], $0x400, $0x38;
	[tilespmem:$0x122C0] =	vst v63  }
0x15: {  	_ =	swait.ge [sflag:s11], $0x400  }
0x16: {  	[sflag:s11] =	ssyncset.done $0x0  }
0x17: {  	[sflag:s11] =	ssyncadd.s32 $0xFFFFFC00  }
0x18: {  	s29 =	simm.s32 $0x780;
	s28 =	rddreg [dreg:$0x1]  }
0x19: {  	[tilespmem:s29], [sflag:$0x3] =	stream.linear.gather [hbm4b:s28+s4], $0x40, $0x38;
	[tilespmem:$0x122C0] =	vst v63  }
0x1a: {  	_ =	swait.ge [sflag:s11], $0x40  }
0x1b: {  	[sflag:s11] =	ssyncset.done $0x0  }
0x1c: {  	[sflag:s11] =	ssyncadd.s32 $0xFFFFFFC0  }
0x1d: {  	v0 =	vld [tilespmem:$0x0]  }
0x1e: {  	v1 =	vld [tilespmem:$0x20]  }
0x1f: {  	v2 =	vld [tilespmem:$0x40]  }
0x20: {  	v3 =	vld [tilespmem:$0x60]  }
0x21: {  	v4 =	vld [tilespmem:$0x80]  }
0x22: {  	v5 =	vld [tilespmem:$0xA0]  }
0x23: {  	v8 =	vld [tilespmem:$0x100]  }
0x24: {  	v9 =	vld [tilespmem:$0x120]  }
0x25: {  	v10 =	vld [tilespmem:$0x140]  }
0x26: {  	v11 =	vld [tilespmem:$0x280]  }
0x27: {  	v12 =	vld [tilespmem:$0x2A0]  }
0x28: {  	v30 =	vld [tilespmem:$0x10]  }
0x29: {  	v14 =	vld [tilespmem:$0x2C0]  }
0x2a: {  	v17 =	vld [tilespmem:$0x1C0];
	v13 =	vmul.u32 $0xB0, v0;
	vm0 =	vne.s32 v0, v1  }
0x2b: {  	v57 =	vld [tilespmem:$0x200];
	vm1 =	vne.s32 v0, v2;
	vm5 =	vne.s32 v0, v3;
	vm6 =	vne.s32 v1, v2  }
0x2c: {  	v20 =	vld [tilespmem:$0x240];
	vm2 =	vne.s32 v1, v3;
	v26 =	vmul.u32 $0xB0, v2;
	vm8 =	veq.s32 v2, v3  }
0x2d: {  	v7 =	vld [tilespmem:$0xE0];
	v3 =	vmul.u32 $0xB0, v3;
	v39 =	vmul.u32 $0xB0, v30;
	vm0 =	vmand vm0, vm1  }
0x2e: {  	v36 =	vld [tilespmem:$0x130];
	vm7 =	vmand vm6, vm2;
	v0 =	vadd.s32 v8, v13;
	vm0 =	vmand vm0, vm5  }
0x2f: {  	v37 =	vld [tilespmem:$0x150];
	v4 =	vadd.s32 v13, v4;
	v9 =	vadd.s32 v9, v13;
	v10 =	vadd.s32 v10, v13  }
0x30: {  	v6 =	vld [tilespmem:$0xC0];
	v11 =	vadd.s32 v11, v13;
	v12 =	vadd.s32 v12, v13;
	v13 =	vadd.s32 v14, v13  }
0x31: {  	v15 =	vld [tilespmem:$0x160];
	v2 =	vadd.s32 v17, v26;
	v14 =	vadd.s32 v57, v26;
	v33 =	vadd.s32 v20, v3  }
0x32: {  	v56 =	vld [tilespmem:$0x180];
	v7 =	vadd.s32 v3, v7;
	v0 =	vadd.s32 $0x19, v0;
	v4 =	vnsel vm0, $0xAF, v4  }
0x33: {  	v16 =	vld [tilespmem:$0x1A0];
	v42 =	vadd.s32 v36, v39;
	v9 =	vadd.s32 $0x32, v9;
	[tilespmem:$0x400] =	vst v4;
	v0 =	vnsel vm0, $0xAF, v0  }
0x34: {  	v60 =	vld [tilespmem:$0x300];
	v44 =	vadd.s32 v37, v39;
	v10 =	vadd.s32 $0x4B, v10;
	[tilespmem:$0x420] =	vst v0;
	v0 =	vnsel vm0, $0xAF, v9  }
0x35: {  	v11 =	vadd.s32 $0x64, v11;
	v12 =	vadd.s32 $0x7D, v12;
	v4 =	vld [tilespmem:$0x2E0];
	[tilespmem:$0x440] =	vst v0;
	v0 =	vmul.u32 $0xB0, v1  }
0x36: {  	v13 =	vadd.s32 $0x96, v13;
	v2 =	vadd.s32 $0x19, v2;
	[tilespmem:$0x6A0] =	vst v7;
	v58 =	vnsel vm0, $0xAF, v10;
	v1 =	vld [tilespmem:$0x320]  }
0x37: {  	v18 =	vld [tilespmem:$0x1E0];
	v59 =	vnsel vm0, $0xAF, v11;
	v61 =	vnsel vm0, $0xAF, v12;
	[tilespmem:$0x460] =	vst v58;
	v5 =	vadd.s32 v0, v5  }
0x38: {  	v24 =	vld [tilespmem:$0x340];
	[tilespmem:$0x480] =	vst v59;
	v19 =	vadd.s32 v15, v0;
	v8 =	vadd.s32 v56, v0;
	v22 =	vadd.s32 v16, v0  }
0x39: {  	v25 =	vld [tilespmem:$0x360];
	[tilespmem:$0x4A0] =	vst v61;
	v11 =	vadd.s32 v60, v0;
	v21 =	vadd.s32 $0x19, v19;
	v5 =	vnsel vm7, $0xAF, v5  }
0x3a: {  	v63 =	vld [tilespmem:$0x220];
	v8 =	vadd.s32 $0x32, v8;
	v10 =	vadd.s32 $0x4B, v22;
	[tilespmem:$0x4E0] =	vst v5;
	v5 =	vnsel vm7, $0xAF, v21  }
0x3b: {  	v23 =	vld [tilespmem:$0x260];
	v4 =	vadd.s32 v4, v0;
	v0 =	vadd.s32 v1, v0;
	[tilespmem:$0x500] =	vst v5;
	v1 =	vnsel vm7, $0xAF, v8  }
0x3c: {  	v27 =	vld [tilespmem:$0x3A0];
	v62 =	vnsel vm0, $0xAF, v13;
	v4 =	vadd.s32 $0x64, v4;
	[tilespmem:$0x520] =	vst v1;
	v1 =	vnsel vm7, $0xAF, v10  }
0x3d: {  	v28 =	vld [tilespmem:$0x3C0];
	v12 =	vadd.s32 v24, v26;
	v11 =	vadd.s32 $0x7D, v11;
	[tilespmem:$0x540] =	vst v1;
	v1 =	vnsel vm7, $0xAF, v4  }
0x3e: {  	v9 =	vadd.s32 v25, v26;
	v5 =	vld [tilespmem:$0x380];
	v0 =	vadd.s32 $0x96, v0;
	v4 =	vnsel vm7, $0xAF, v11;
	[tilespmem:$0x560] =	vst v1  }
0x3f: {  	v29 =	vld [tilespmem:$0x3E0];
	v12 =	vadd.s32 $0x64, v12;
	v0 =	vnsel vm7, $0xAF, v0;
	v1 =	vadd.s32 v26, v6;
	[tilespmem:$0x580] =	vst v4  }
0x40: {  	v34 =	vld [tilespmem:$0x110];
	v9 =	vadd.s32 $0x7D, v9;
	v4 =	vadd.s32 v18, v26;
	[tilespmem:$0x5A0] =	vst v0;
	v1 =	vsel vm8, $0xAF, v1  }
0x41: {  	v40 =	vld [tilespmem:$0x2D0];
	v31 =	vsel vm8, $0xAF, v9;
	v0 =	vadd.s32 $0x32, v4;
	[tilespmem:$0x5C0] =	vst v1;
	v1 =	vsel vm8, $0xAF, v2  }
0x42: {  	v9 =	vadd.s32 $0x32, v42;
	v4 =	vadd.s32 $0x4B, v14;
	v2 =	vld [tilespmem:$0x30];
	v0 =	vsel vm8, $0xAF, v0;
	[tilespmem:$0x5E0] =	vst v1  }
0x43: {  	v10 =	vadd.s32 v27, v3;
	v5 =	vadd.s32 v5, v26;
	v4 =	vsel vm8, $0xAF, v4;
	v1 =	vld [tilespmem:$0x50];
	[tilespmem:$0x600] =	vst v0  }
0x44: {  	v11 =	vadd.s32 v28, v3;
	v0 =	vld [tilespmem:$0x70];
	v5 =	vadd.s32 $0x96, v5;
	[tilespmem:$0x620] =	vst v4;
	v4 =	vsel vm8, $0xAF, v12  }
0x45: {  	v10 =	vadd.s32 $0x64, v10;
	v11 =	vadd.s32 $0x7D, v11;
	[tilespmem:$0x640] =	vst v4;
	v4 =	vsel vm8, $0xAF, v5  }
0x46: {  	v6 =	vadd.s32 v40, v39;
	v5 =	vadd.s32 v63, v3;
	[tilespmem:$0x680] =	vst v4;
	v4 =	vadd.s32 v23, v3  }
0x47: {  	v32 =	vld [tilespmem:$0x90];
	[tilespmem:$0x740] =	vst v11;
	v5 =	vadd.s32 $0x19, v5;
	v3 =	vadd.s32 v29, v3;
	v4 =	vadd.s32 $0x4B, v4  }
0x48: {  	v45 =	vld [tilespmem:$0x190];
	[tilespmem:$0x6C0] =	vst v5;
	v3 =	vadd.s32 $0x96, v3;
	vm9 =	vne.s32 v30, v2;
	vm10 =	vne.s32 v30, v1  }
0x49: {  	v5 =	vld [tilespmem:$0x2B0];
	[tilespmem:$0x700] =	vst v4;
	v4 =	vadd.s32 v34, v39;
	vm11 =	vne.s32 v30, v0;
	vm0 =	vmand vm9, vm10  }
0x4a: {  	v11 =	vadd.s32 $0x4B, v44;
	[tilespmem:$0x760] =	vst v3;
	v3 =	vld [tilespmem:$0x170];
	v4 =	vadd.s32 $0x19, v4;
	vm0 =	vmand vm0, vm11  }
0x4b: {  	v46 =	vld [tilespmem:$0x1B0];
	[tilespmem:$0x720] =	vst v10;
	v6 =	vadd.s32 $0x96, v6;
	v48 =	vmul.u32 $0xB0, v2;
	v4 =	vnsel vm0, $0xAF, v4  }
0x4c: {  	v47 =	vld [tilespmem:$0x2F0];
	vm12 =	vne.s32 v2, v1;
	vm13 =	vne.s32 v2, v0;
	v2 =	vnsel vm0, $0xAF, v6;
	[tilespmem:$0x430] =	vst v4  }
0x4d: {  	v43 =	vld [tilespmem:$0xB0];
	vm14 =	vmand vm12, vm13;
	v50 =	vadd.s32 v45, v48;
	v4 =	vnsel vm0, $0xAF, v9;
	[tilespmem:$0x4D0] =	vst v2  }
0x4e: {  	v49 =	vld [tilespmem:$0x310];
	v5 =	vadd.s32 v5, v39;
	v2 =	vadd.s32 $0x32, v50;
	[tilespmem:$0x450] =	vst v4;
	v4 =	vnsel vm0, $0xAF, v11  }
0x4f: {  	v38 =	vld [tilespmem:$0x290];
	v5 =	vadd.s32 $0x7D, v5;
	v3 =	vadd.s32 v3, v48;
	v2 =	vnsel vm14, $0xAF, v2;
	[tilespmem:$0x470] =	vst v4  }
0x50: {  	v51 =	vld [tilespmem:$0xD0];
	v52 =	vadd.s32 v46, v48;
	v3 =	vadd.s32 $0x19, v3;
	v4 =	vnsel vm0, $0xAF, v5;
	[tilespmem:$0x530] =	vst v2  }
0x51: {  	v53 =	vld [tilespmem:$0x1D0];
	v6 =	vadd.s32 $0x4B, v52;
	v9 =	vadd.s32 v47, v48;
	v3 =	vnsel vm14, $0xAF, v3;
	[tilespmem:$0x4B0] =	vst v4  }
0x52: {  	v9 =	vadd.s32 $0x64, v9;
	v2 =	vnsel vm14, $0xAF, v6;
	[tilespmem:$0x510] =	vst v3  }
0x53: {  	v54 =	vadd.s32 v49, v48;
	v5 =	vld [tilespmem:$0x330];
	v4 =	vadd.s32 v48, v43;
	[tilespmem:$0x550] =	vst v2;
	v2 =	vnsel vm14, $0xAF, v9  }
0x54: {  	v56 =	vmul.u32 $0xB0, v1;
	v10 =	vadd.s32 $0x7D, v54;
	v4 =	vnsel vm14, $0xAF, v4;
	[tilespmem:$0x570] =	vst v2  }
0x55: {  	v41 =	vadd.s32 v39, v32;
	v7 =	vadd.s32 v38, v39;
	v2 =	vnsel vm14, $0xAF, v10;
	[tilespmem:$0x4F0] =	vst v4;
	v4 =	vld [tilespmem:$0x1F0]  }
0x56: {  	vm15 =	veq.s32 v1, v0;
	v1 =	vadd.s32 v56, v51;
	v3 =	vld [tilespmem:$0x210];
	[tilespmem:$0x590] =	vst v2;
	v2 =	vadd.s32 v53, v56  }
0x57: {  	v55 =	vld [tilespmem:$0x350];
	v7 =	vadd.s32 $0x64, v7;
	[tilespmem:$0x4C0] =	vst v62;
	v1 =	vsel vm15, $0xAF, v1;
	v2 =	vadd.s32 $0x19, v2  }
0x58: {  	v8 =	vnsel vm0, $0xAF, v41;
	[tilespmem:$0x5D0] =	vst v1;
	v5 =	vadd.s32 v5, v48;
	v1 =	vsel vm15, $0xAF, v2;
	v2 =	vld [tilespmem:$0x230]  }
0x59: {  	v57 =	vld [tilespmem:$0x370];
	v7 =	vnsel vm0, $0xAF, v7;
	[tilespmem:$0x410] =	vst v8;
	v5 =	vadd.s32 $0x96, v5  }
0x5a: {  	v58 =	vld [tilespmem:$0x390];
	[tilespmem:$0x490] =	vst v7;
	v5 =	vnsel vm14, $0xAF, v5;
	v4 =	vadd.s32 v4, v56  }
0x5b: {  	v62 =	vmul.u32 $0xB0, v0;
	v3 =	vadd.s32 v3, v56;
	[tilespmem:$0x5B0] =	vst v5;
	v5 =	vld [tilespmem:$0xF0];
	v4 =	vadd.s32 $0x32, v4  }
0x5c: {  	[tilespmem:$0x5F0] =	vst v1;
	v3 =	vadd.s32 $0x4B, v3;
	v1 =	vsel vm15, $0xAF, v4;
	v4 =	vld [tilespmem:$0x250]  }
0x5d: {  	v6 =	vadd.s32 v55, v56;
	v2 =	vadd.s32 v2, v62;
	[tilespmem:$0x610] =	vst v1;
	v1 =	vsel vm15, $0xAF, v3;
	v3 =	vld [tilespmem:$0x270]  }
0x5e: {  	v61 =	vld [tilespmem:$0x3B0];
	v59 =	vadd.s32 v57, v56;
	v6 =	vadd.s32 $0x64, v6;
	v2 =	vadd.s32 $0x19, v2;
	[tilespmem:$0x630] =	vst v1  }
0x5f: {  	v0 =	vld [tilespmem:$0x3D0];
	v60 =	vadd.s32 v58, v56;
	v7 =	vadd.s32 $0x7D, v59;
	v1 =	vsel vm15, $0xAF, v6;
	[tilespmem:$0x6D0] =	vst v2  }
0x60: {  	v63 =	vld [tilespmem:$0x3F0];
	v8 =	vadd.s32 $0x96, v60;
	[tilespmem:$0x650] =	vst v1;
	v1 =	vsel vm15, $0xAF, v7  }
0x61: {  	[tilespmem:$0x670] =	vst v1;
	v1 =	vsel vm15, $0xAF, v8  }
0x62: {  	[tilespmem:$0x690] =	vst v1;
	v1 =	vadd.s32 v62, v5;
	v4 =	vadd.s32 v4, v62;
	v3 =	vadd.s32 v3, v62  }
0x63: {  	[tilespmem:$0x6B0] =	vst v1;
	v1 =	vadd.s32 $0x32, v4;
	v2 =	vadd.s32 $0x4B, v3;
	v3 =	vadd.s32 v61, v62  }
0x64: {  	[tilespmem:$0x6F0] =	vst v1;
	v1 =	vadd.s32 $0x64, v3;
	v3 =	vadd.s32 v0, v62  }
0x65: {  	[tilespmem:$0x710] =	vst v2;
	v2 =	vadd.s32 $0x7D, v3;
	v3 =	vadd.s32 v63, v62  }
0x66: {  	v3 =	vadd.s32 $0x96, v3  }
0x67: {  	[tilespmem:$0x770] =	vst v3;
	v3 =	vld [tilespmem:$0x7B0]  }
0x68: {  	v35 =	vadd.s32 $0x32, v33;
	[tilespmem:$0x750] =	vst v2;
	v2 =	vld [tilespmem:$0x7A0]  }
0x69: {  	[tilespmem:$0x6E0] =	vst v35;
	v0 =	vld [tilespmem:$0x780]  }
0x6a: {  	[tilespmem:$0x730] =	vst v1;
	v1 =	vld [tilespmem:$0x790]  }
0x6b: {  	s29 =	simm.s32 $0x100;
	s28 =	simm.s32 $0x0;
	[tilespmem:$0x660] =	vst v31  }
.LBB2_2:
0x6c: {  	p0 =	sne.s32 s29, $0x1F00;
	[tilespmem:s28+$0x7F0] =	vst v3;
	s30 =	smov.u32 s29;
	s29 =	sadd.s32 $0x100, s29  }
.Ltmp0:
0x6d: {  	[tilespmem:s28+$0x7E0] =	vst v2;
	(pc) =	sbr.rel @p0 .LBB2_2-.Ltmp0, $3  }
0x6e: {  	[tilespmem:s28+$0x7C0] =	vst v0  }
0x6f: {  	[tilespmem:s28+$0x7D0] =	vst v1;
	_ =	sdelay $0x1  }
0x70: {  	s28 =	sshra.s32 s30, $0x2  }
0x71: {  	[tilespmem:s28+$0x7F0] =	vst v3  }
0x72: {  	[tilespmem:s28+$0x7E0] =	vst v2  }
0x73: {  	[tilespmem:s28+$0x7C0] =	vst v0  }
0x74: {  	[tilespmem:s28+$0x7D0] =	vst v1  }
0x75: {  	_ =	swait.ge [sflag:s13], $0x2260  }
0x76: {  	[sflag:s13] =	ssyncset.done $0x0  }
0x77: {  	[sflag:s13] =	ssyncadd.s32 $0xFFFFDDA0  }
0x78: {  	s29 =	simm.s32 $0x400;
	[bflag:$0x0] =	sbarrier.arrive $0xFFFF  }
0x79: {  	[tilespmem:s16], [sflag:$0x1] =	stream.indirect.gather.add.f32 [spmem:s2], $0x40, s29, s14, $0xb8;
	[tilespmem:$0x122C0] =	vst v63  }
0x7a: {  	s30 =	simm.s32 $0x420  }
0x7b: {  	[tilespmem:s16], [sflag:$0x1] =	stream.indirect.gather.add.f32 [spmem:s2], $0x40, s30, s14, $0xb8;
	[tilespmem:$0x122C0] =	vst v63  }
0x7c: {  	s29 =	simm.s32 $0x440  }
0x7d: {  	[tilespmem:s16], [sflag:$0x1] =	stream.indirect.gather.add.f32 [spmem:s2], $0x40, s29, s14, $0xb8;
	[tilespmem:$0x122C0] =	vst v63  }
0x7e: {  	s30 =	simm.s32 $0x460  }
0x7f: {  	[tilespmem:s16], [sflag:$0x1] =	stream.indirect.gather.add.f32 [spmem:s2], $0x40, s30, s14, $0xb8;
	[tilespmem:$0x122C0] =	vst v63  }
0x80: {  	s29 =	simm.s32 $0x480  }
0x81: {  	[tilespmem:s16], [sflag:$0x1] =	stream.indirect.gather.add.f32 [spmem:s2], $0x40, s29, s14, $0xb8;
	[tilespmem:$0x122C0] =	vst v63  }
0x82: {  	s30 =	simm.s32 $0x4A0  }
0x83: {  	[tilespmem:s16], [sflag:$0x1] =	stream.indirect.gather.add.f32 [spmem:s2], $0x40, s30, s14, $0xb8;
	[tilespmem:$0x122C0] =	vst v63  }
0x84: {  	s29 =	simm.s32 $0x4C0  }
0x85: {  	[tilespmem:s16], [sflag:$0x1] =	stream.indirect.gather.add.f32 [spmem:s2], $0x40, s29, s14, $0xb8;
	[tilespmem:$0x122C0] =	vst v63  }
0x86: {  	s30 =	simm.s32 $0x4E0  }
0x87: {  	[tilespmem:s16], [sflag:$0x1] =	stream.indirect.gather.add.f32 [spmem:s2], $0x40, s30, s14, $0xb8;
	[tilespmem:$0x122C0] =	vst v63  }
0x88: {  	s29 =	simm.s32 $0x500  }
0x89: {  	[tilespmem:s16], [sflag:$0x1] =	stream.indirect.gather.add.f32 [spmem:s2], $0x40, s29, s14, $0xb8;
	[tilespmem:$0x122C0] =	vst v63  }
0x8a: {  	s30 =	simm.s32 $0x520  }
0x8b: {  	[tilespmem:s16], [sflag:$0x1] =	stream.indirect.gather.add.f32 [spmem:s2], $0x40, s30, s14, $0xb8;
	[tilespmem:$0x122C0] =	vst v63  }
0x8c: {  	s29 =	simm.s32 $0x540  }
0x8d: {  	[tilespmem:s16], [sflag:$0x1] =	stream.indirect.gather.add.f32 [spmem:s2], $0x40, s29, s14, $0xb8;
	[tilespmem:$0x122C0] =	vst v63  }
0x8e: {  	s30 =	simm.s32 $0x560  }
0x8f: {  	[tilespmem:s16], [sflag:$0x1] =	stream.indirect.gather.add.f32 [spmem:s2], $0x40, s30, s14, $0xb8;
	[tilespmem:$0x122C0] =	vst v63  }
0x90: {  	s29 =	simm.s32 $0x580  }
0x91: {  	[tilespmem:s16], [sflag:$0x1] =	stream.indirect.gather.add.f32 [spmem:s2], $0x40, s29, s14, $0xb8;
	[tilespmem:$0x122C0] =	vst v63  }
0x92: {  	s30 =	simm.s32 $0x5A0  }
0x93: {  	[tilespmem:s16], [sflag:$0x1] =	stream.indirect.gather.add.f32 [spmem:s2], $0x40, s30, s14, $0xb8;
	[tilespmem:$0x122C0] =	vst v63  }
0x94: {  	_ = 	snop  }
0x95: {  	[tilespmem:s16], [sflag:$0x1] =	stream.indirect.gather.add.f32 [spmem:s2], $0x40, s31, s14, $0xb8;
	[tilespmem:$0x122C0] =	vst v63  }
0x96: {  	_ = 	snop  }
0x97: {  	[tilespmem:s16], [sflag:$0x1] =	stream.indirect.gather.add.f32 [spmem:s2], $0x40, s0, s14, $0xb8;
	[tilespmem:$0x122C0] =	vst v63  }
0x98: {  	_ = 	snop  }
0x99: {  	[tilespmem:s16], [sflag:$0x1] =	stream.indirect.gather.add.f32 [spmem:s2], $0x40, s3, s14, $0xb8;
	[tilespmem:$0x122C0] =	vst v63  }
0x9a: {  	_ = 	snop  }
0x9b: {  	[tilespmem:s16], [sflag:$0x1] =	stream.indirect.gather.add.f32 [spmem:s2], $0x40, s1, s14, $0xb8;
	[tilespmem:$0x122C0] =	vst v63  }
0x9c: {  	_ = 	snop  }
0x9d: {  	[tilespmem:s16], [sflag:$0x1] =	stream.indirect.gather.add.f32 [spmem:s2], $0x40, s12, s14, $0xb8;
	[tilespmem:$0x122C0] =	vst v63  }
0x9e: {  	_ = 	snop  }
0x9f: {  	[tilespmem:s16], [sflag:$0x1] =	stream.indirect.gather.add.f32 [spmem:s2], $0x40, s15, s14, $0xb8;
	[tilespmem:$0x122C0] =	vst v63  }
0xa0: {  	_ = 	snop  }
0xa1: {  	[tilespmem:s16], [sflag:$0x1] =	stream.indirect.gather.add.f32 [spmem:s2], $0x40, s17, s14, $0xb8;
	[tilespmem:$0x122C0] =	vst v63  }
0xa2: {  	_ = 	snop  }
0xa3: {  	[tilespmem:s16], [sflag:$0x1] =	stream.indirect.gather.add.f32 [spmem:s2], $0x40, s18, s14, $0xb8;
	[tilespmem:$0x122C0] =	vst v63  }
0xa4: {  	_ = 	snop  }
0xa5: {  	[tilespmem:s16], [sflag:$0x1] =	stream.indirect.gather.add.f32 [spmem:s2], $0x40, s19, s14, $0xb8;
	[tilespmem:$0x122C0] =	vst v63  }
0xa6: {  	_ = 	snop  }
0xa7: {  	[tilespmem:s16], [sflag:$0x1] =	stream.indirect.gather.add.f32 [spmem:s2], $0x40, s20, s14, $0xb8;
	[tilespmem:$0x122C0] =	vst v63  }
0xa8: {  	_ = 	snop  }
0xa9: {  	[tilespmem:s16], [sflag:$0x1] =	stream.indirect.gather.add.f32 [spmem:s2], $0x40, s21, s14, $0xb8;
	[tilespmem:$0x122C0] =	vst v63  }
0xaa: {  	_ = 	snop  }
0xab: {  	[tilespmem:s16], [sflag:$0x1] =	stream.indirect.gather.add.f32 [spmem:s2], $0x40, s22, s14, $0xb8;
	[tilespmem:$0x122C0] =	vst v63  }
0xac: {  	_ = 	snop  }
0xad: {  	[tilespmem:s16], [sflag:$0x1] =	stream.indirect.gather.add.f32 [spmem:s2], $0x40, s23, s14, $0xb8;
	[tilespmem:$0x122C0] =	vst v63  }
0xae: {  	_ = 	snop  }
0xaf: {  	[tilespmem:s16], [sflag:$0x1] =	stream.indirect.gather.add.f32 [spmem:s2], $0x40, s24, s14, $0xb8;
	[tilespmem:$0x122C0] =	vst v63  }
0xb0: {  	_ =	swait.ge [sflag:s25], $0x800  }
0xb1: {  	[sflag:s25] =	ssyncset.done $0x0  }
0xb2: {  	[sflag:s25] =	ssyncadd.s32 $0xFFFFF800  }
0xb3: {  	_ =	swait.ge [sflag:s25], $0x800  }
0xb4: {  	[sflag:s25] =	ssyncset.done $0x0  }
0xb5: {  	[sflag:s25] =	ssyncadd.s32 $0xFFFFF800  }
0xb6: {  	_ =	swait.ge [sflag:s25], $0x800  }
0xb7: {  	[sflag:s25] =	ssyncset.done $0x0  }
0xb8: {  	[sflag:s25] =	ssyncadd.s32 $0xFFFFF800  }
0xb9: {  	_ =	swait.ge [sflag:s25], $0x800  }
0xba: {  	[sflag:s25] =	ssyncset.done $0x0  }
0xbb: {  	[sflag:s25] =	ssyncadd.s32 $0xFFFFF800  }
0xbc: {  	_ =	swait.ge [sflag:s25], $0x800  }
0xbd: {  	[sflag:s25] =	ssyncset.done $0x0  }
0xbe: {  	[sflag:s25] =	ssyncadd.s32 $0xFFFFF800  }
0xbf: {  	_ =	swait.ge [sflag:s25], $0x800  }
0xc0: {  	[sflag:s25] =	ssyncset.done $0x0  }
0xc1: {  	[sflag:s25] =	ssyncadd.s32 $0xFFFFF800  }
0xc2: {  	_ =	swait.ge [sflag:s25], $0x800  }
0xc3: {  	[sflag:s25] =	ssyncset.done $0x0  }
0xc4: {  	[sflag:s25] =	ssyncadd.s32 $0xFFFFF800  }
0xc5: {  	_ =	swait.ge [sflag:s25], $0x800  }
0xc6: {  	[sflag:s25] =	ssyncset.done $0x0  }
0xc7: {  	[sflag:s25] =	ssyncadd.s32 $0xFFFFF800  }
0xc8: {  	_ =	swait.ge [sflag:s25], $0x800  }
0xc9: {  	[sflag:s25] =	ssyncset.done $0x0  }
0xca: {  	[sflag:s25] =	ssyncadd.s32 $0xFFFFF800  }
0xcb: {  	_ =	swait.ge [sflag:s25], $0x800  }
0xcc: {  	[sflag:s25] =	ssyncset.done $0x0  }
0xcd: {  	[sflag:s25] =	ssyncadd.s32 $0xFFFFF800  }
0xce: {  	_ =	swait.ge [sflag:s25], $0x800  }
0xcf: {  	[sflag:s25] =	ssyncset.done $0x0  }
0xd0: {  	[sflag:s25] =	ssyncadd.s32 $0xFFFFF800  }
0xd1: {  	_ =	swait.ge [sflag:s25], $0x800  }
0xd2: {  	[sflag:s25] =	ssyncset.done $0x0  }
0xd3: {  	[sflag:s25] =	ssyncadd.s32 $0xFFFFF800  }
0xd4: {  	_ =	swait.ge [sflag:s25], $0x800  }
0xd5: {  	[sflag:s25] =	ssyncset.done $0x0  }
0xd6: {  	[sflag:s25] =	ssyncadd.s32 $0xFFFFF800  }
0xd7: {  	_ =	swait.ge [sflag:s25], $0x800  }
0xd8: {  	[sflag:s25] =	ssyncset.done $0x0  }
0xd9: {  	[sflag:s25] =	ssyncadd.s32 $0xFFFFF800  }
0xda: {  	_ =	swait.ge [sflag:s25], $0x800  }
0xdb: {  	[sflag:s25] =	ssyncset.done $0x0  }
0xdc: {  	[sflag:s25] =	ssyncadd.s32 $0xFFFFF800  }
0xdd: {  	_ =	swait.ge [sflag:s25], $0x800  }
0xde: {  	[sflag:s25] =	ssyncset.done $0x0  }
0xdf: {  	[sflag:s25] =	ssyncadd.s32 $0xFFFFF800  }
0xe0: {  	_ =	swait.ge [sflag:s25], $0x800  }
0xe1: {  	[sflag:s25] =	ssyncset.done $0x0  }
0xe2: {  	[sflag:s25] =	ssyncadd.s32 $0xFFFFF800  }
0xe3: {  	_ =	swait.ge [sflag:s25], $0x800  }
0xe4: {  	[sflag:s25] =	ssyncset.done $0x0  }
0xe5: {  	[sflag:s25] =	ssyncadd.s32 $0xFFFFF800  }
0xe6: {  	_ =	swait.ge [sflag:s25], $0x800  }
0xe7: {  	[sflag:s25] =	ssyncset.done $0x0  }
0xe8: {  	[sflag:s25] =	ssyncadd.s32 $0xFFFFF800  }
0xe9: {  	_ =	swait.ge [sflag:s25], $0x800  }
0xea: {  	[sflag:s25] =	ssyncset.done $0x0  }
0xeb: {  	[sflag:s25] =	ssyncadd.s32 $0xFFFFF800  }
0xec: {  	_ =	swait.ge [sflag:s25], $0x800  }
0xed: {  	[sflag:s25] =	ssyncset.done $0x0  }
0xee: {  	[sflag:s25] =	ssyncadd.s32 $0xFFFFF800  }
0xef: {  	_ =	swait.ge [sflag:s25], $0x800  }
0xf0: {  	[sflag:s25] =	ssyncset.done $0x0  }
0xf1: {  	[sflag:s25] =	ssyncadd.s32 $0xFFFFF800  }
0xf2: {  	_ =	swait.ge [sflag:s25], $0x800  }
0xf3: {  	[sflag:s25] =	ssyncset.done $0x0  }
0xf4: {  	[sflag:s25] =	ssyncadd.s32 $0xFFFFF800  }
0xf5: {  	_ =	swait.ge [sflag:s25], $0x800  }
0xf6: {  	[sflag:s25] =	ssyncset.done $0x0  }
0xf7: {  	[sflag:s25] =	ssyncadd.s32 $0xFFFFF800  }
0xf8: {  	_ =	swait.ge [sflag:s25], $0x800  }
0xf9: {  	[sflag:s25] =	ssyncset.done $0x0  }
0xfa: {  	[sflag:s25] =	ssyncadd.s32 $0xFFFFF800  }
0xfb: {  	_ =	swait.ge [sflag:s25], $0x800  }
0xfc: {  	[sflag:s25] =	ssyncset.done $0x0  }
0xfd: {  	[sflag:s25] =	ssyncadd.s32 $0xFFFFF800  }
0xfe: {  	_ =	swait.ge [sflag:s25], $0x800  }
0xff: {  	[sflag:s25] =	ssyncset.done $0x0  }
0x100: {  	[sflag:s25] =	ssyncadd.s32 $0xFFFFF800  }
0x101: {  	s26 =	sadd.s32 $0x1, s26;
	_ =	swait.ge [sflag:s25], $0x800  }
0x102: {  	p0 =	sne.s32 s26, s9;
	[sflag:s25] =	ssyncset.done $0x0  }
.Ltmp1:
0x103: {  	[sflag:s25] =	ssyncadd.s32 $0xFFFFF800;
	(pc) =	sbr.rel @p0 .LBB2_1-.Ltmp1, $4  }
0x104: {  	[hbm4b:s8+s4] =	stream.linear.scatter [tilespmem:s16], [sflag:$0x3], $0x640, $0x38;
	[tilespmem:$0x122C0] =	vst v63  }
0x105: {  	_ =	swait.ge [sflag:s11], $0x640  }
0x106: {  	[sflag:s11] =	ssyncset.done $0x0  }
0x107: {  	[sflag:s11] =	ssyncadd.s32 $0xFFFFF9C0  }
0x108: {  	_ =	sfence.sel $0x180000  }
0x109: {  	[bflag:$0x0] =	sbarrier.arrive $0xFFFF  }
0x10a: {  	_ =	strace $0x90000047  }
0x10b: {  	s0 =	stileid.u32;
	[bflag:$0x2] =	sbarrier.arrive $0xFFFF  }
0x10c: {  	p0 =	sne.s32 s0, $0x0;
	s0 =	rddreg [dreg:$0x4]  }
0x10d: {  	s0 =	sadd.s32 @!p0 $0x100000, s0  }
0x10e: {  	[sflag:s0] =	ssyncadd.tile.s32 @!p0 $0x1;
	_ =	shalt  }
.Lfunc_end2:
_tile_overlayer_lowered:
.L_overlay_start_2:
0x10f: {  	(tag) =	ssettag $0x2  }
0x110: {  	s0 =	rddreg [dreg:$0x0];
	s2 =	stileid.u32  }
0x111: {  	s1 =	rddreg [dreg:$0x1];
	p0 =	sne.s32 s2, $0x0  }
0x112: {  	s3 =	rddreg [dreg:$0x2];
	[bflag:$0x3] =	sbarrier.arrive $0xFFFF;
	s2 =	simm.s32 @!p0 $0x1C03  }
0x113: {  	[timem:s3], [sflag:s2] =	dma.local @!p0 [hbm:s0], s1  }
0x114: {  	s0 =	simm.s32 @!p0 $0x3  }
0x115: {  	_ =	swait.ge @!p0 [sflag:s0], s1  }
0x116: {  	s1 =	ssub.s32 @!p0 $0x0, s1;
	[sflag:s0] =	ssyncset.done @!p0 $0x0  }
0x117: {  	[sflag:s0] =	ssyncadd.s32 @!p0 s1  }
0x118: {  	[bflag:$0x3] =	sbarrier.arrive $0xFFFF  }
0x119: {  	_ =	shalt  }

</sc_bundles>
